<compile_context>
chip_gen: v7x
topology: tpu7x:2x2x1
jax: 0.10.2.dev20260603
libtpu: 0.0.44.dev20260713+nightly
codegen_flags: <defaults>
</compile_context>

<pallas_src>
import functools

import jax
import jax.numpy as jnp
from jax import lax
from jax.experimental import pallas as pl
from jax.experimental.pallas import tpu as pltpu
from jax.experimental.pallas import tpu_sc as plsc

_NC = 2
_NS = 16
_NW = _NC * _NS
_CH = 80
_BN = 256


def _cdiv(a, b):
    return (a + b - 1) // b


def _sc_scatter_partials(y, src, dst, zerosH):
    N, H = y.shape
    (E,) = src.shape
    EPT = E // _NW
    n_chunks = EPT // _CH
    RPT = N // _NS
    mesh = plsc.VectorSubcoreMesh(core_axis_name="c", subcore_axis_name="s")

    @functools.partial(
        pl.kernel,
        out_type=jax.ShapeDtypeStruct((_NC, N, H), jnp.float32),
        mesh=mesh,
        scratch_types=[
            pltpu.VMEM((_CH,), jnp.int32),
            pltpu.VMEM((_CH,), jnp.int32),
            pltpu.VMEM((_CH,), jnp.int32),
            pltpu.VMEM((_CH,), jnp.int32),
            pltpu.VMEM((_CH, H), jnp.float32),
            pltpu.VMEM_SHARED((N, H), jnp.float32),
            pltpu.SemaphoreType.DMA,
            pltpu.SemaphoreType.DMA,
        ],
    )
    def k(y_hbm, src_hbm, dst_hbm, zero_hbm, out_hbm, sv0, sv1, dv0, dv1,
          rows_v, acc_sh, gsem, isem):
        srcs = (sv0, sv1)
        dsts = (dv0, dv1)
        c = lax.axis_index("c")
        s = lax.axis_index("s")
        wid = c * _NS + s
        r0 = s * RPT

        @pl.when(c == 0)
        def _():
            pltpu.sync_copy(y_hbm.at[pl.ds(r0, RPT)], acc_sh.at[pl.ds(r0, RPT)])

        @pl.when(c != 0)
        def _():
            pltpu.sync_copy(zero_hbm.at[pl.ds(r0, RPT)], acc_sh.at[pl.ds(r0, RPT)])

        plsc.subcore_barrier()
        base0 = wid * EPT

        def fire_i(i, b):
            base = base0 + i * _CH
            pltpu.async_copy(src_hbm.at[pl.ds(base, _CH)], srcs[b], isem)
            pltpu.async_copy(dst_hbm.at[pl.ds(base, _CH)], dsts[b], isem)

        def wait_i(b):
            pltpu.make_async_copy(src_hbm.at[pl.ds(0, _CH)], srcs[b], isem).wait()
            pltpu.make_async_copy(dst_hbm.at[pl.ds(0, _CH)], dsts[b], isem).wait()

        def step(i, b, fire_next):
            wait_i(b)
            if fire_next:
                fire_i(i + 1, 1 - b)
            pltpu.async_copy(y_hbm.at[srcs[b]], rows_v, gsem).wait()
            pltpu.sync_copy(rows_v, acc_sh.at[dsts[b]], add=True)

        rounds = (n_chunks - 3) // 2
        fire_i(0, 0)
        step(0, 0, True)

        def body(r, carry):
            step(2 * r + 1, 1, True)
            step(2 * r + 2, 0, True)
            return carry

        lax.fori_loop(0, rounds, body, 0)
        step(n_chunks - 2, 1, True)
        step(n_chunks - 1, 0, False)

        plsc.subcore_barrier()
        pltpu.sync_copy(acc_sh.at[pl.ds(r0, RPT)], out_hbm.at[c, pl.ds(r0, RPT)])

    return k(y, src, dst, zerosH)


def _sc_deg_partials(dst, onesH, zerosH):
    N, H = onesH.shape
    (E,) = dst.shape
    EPT = E // _NW
    n_chunks = EPT // _CH
    RPT = N // _NS
    mesh = plsc.VectorSubcoreMesh(core_axis_name="c", subcore_axis_name="s")

    @functools.partial(
        pl.kernel,
        out_type=jax.ShapeDtypeStruct((_NC, N, H), jnp.float32),
        mesh=mesh,
        scratch_types=[
            pltpu.VMEM((_CH,), jnp.int32),
            pltpu.VMEM((_CH, H), jnp.float32),
            pltpu.VMEM_SHARED((N, H), jnp.float32),
            pltpu.SemaphoreType.DMA,
        ],
    )
    def k(dst_hbm, ones_hbm, zero_hbm, out_hbm, dst_v, ones_v, acc_sh, isem):
        c = lax.axis_index("c")
        s = lax.axis_index("s")
        wid = c * _NS + s
        r0 = s * RPT

        @pl.when(c == 0)
        def _():
            pltpu.sync_copy(ones_hbm.at[pl.ds(r0, RPT)], acc_sh.at[pl.ds(r0, RPT)])

        @pl.when(c != 0)
        def _():
            pltpu.sync_copy(zero_hbm.at[pl.ds(r0, RPT)], acc_sh.at[pl.ds(r0, RPT)])

        pltpu.sync_copy(ones_hbm.at[pl.ds(0, _CH)], ones_v)
        plsc.subcore_barrier()
        base0 = wid * EPT

        def body(i, carry):
            pltpu.sync_copy(dst_hbm.at[pl.ds(base0 + i * _CH, _CH)], dst_v)
            pltpu.sync_copy(ones_v, acc_sh.at[dst_v], add=True)
            return carry

        lax.fori_loop(0, n_chunks, body, 0)
        plsc.subcore_barrier()
        pltpu.sync_copy(acc_sh.at[pl.ds(r0, RPT)], out_hbm.at[c, pl.ds(r0, RPT)])

    return k(dst, onesH, zerosH)


def _tc_dinv(d0, d1):
    N, H = d0.shape

    def body(d0_ref, d1_ref, o_ref):
        deg = d0_ref[:, :1] + d1_ref[:, :1]
        o_ref[...] = lax.rsqrt(deg)

    return pl.pallas_call(
        body,
        grid=(_cdiv(N, _BN),),
        in_specs=[
            pl.BlockSpec((_BN, H), lambda i: (i, 0)),
            pl.BlockSpec((_BN, H), lambda i: (i, 0)),
        ],
        out_specs=pl.BlockSpec((_BN, 1), lambda i: (i, 0)),
        out_shape=jax.ShapeDtypeStruct((N, 1), jnp.float32),
    )(d0, d1)


def _tc_matmul_scale(x, W, dinv):
    N, D = x.shape
    H = W.shape[1]

    def body(x_ref, w_ref, dinv_ref, o_ref):
        y = jnp.dot(x_ref[...], w_ref[...], preferred_element_type=jnp.float32)
        o_ref[...] = dinv_ref[...] * y

    return pl.pallas_call(
        body,
        grid=(_cdiv(N, _BN),),
        in_specs=[
            pl.BlockSpec((_BN, D), lambda i: (i, 0)),
            pl.BlockSpec((D, H), lambda i: (0, 0)),
            pl.BlockSpec((_BN, 1), lambda i: (i, 0)),
        ],
        out_specs=pl.BlockSpec((_BN, H), lambda i: (i, 0)),
        out_shape=jax.ShapeDtypeStruct((N, H), jnp.float32),
    )(x, W, dinv)


def _tc_combine_matmul(p0, p1, dinv, b, W, bout, scale_out):
    N, D = p0.shape
    H = W.shape[1]

    def body(p0_ref, p1_ref, dinv_ref, b_ref, w_ref, bout_ref, o_ref):
        h = dinv_ref[...] * (p0_ref[...] + p1_ref[...]) + b_ref[...]
        h = jnp.maximum(h, 0.0)
        y = jnp.dot(h, w_ref[...], preferred_element_type=jnp.float32)
        if scale_out:
            y = dinv_ref[...] * y
        o_ref[...] = y + bout_ref[...]

    return pl.pallas_call(
        body,
        grid=(_cdiv(N, _BN),),
        in_specs=[
            pl.BlockSpec((_BN, D), lambda i: (i, 0)),
            pl.BlockSpec((_BN, D), lambda i: (i, 0)),
            pl.BlockSpec((_BN, 1), lambda i: (i, 0)),
            pl.BlockSpec((1, D), lambda i: (0, 0)),
            pl.BlockSpec((D, H), lambda i: (0, 0)),
            pl.BlockSpec((1, H), lambda i: (0, 0)),
        ],
        out_specs=pl.BlockSpec((_BN, H), lambda i: (i, 0)),
        out_shape=jax.ShapeDtypeStruct((N, H), jnp.float32),
    )(p0, p1, dinv, b, W, bout)


def kernel(x, edge_index, W1, b1, W2, b2, W3, b3, Wp, bp):
    N, D = x.shape
    NP = _cdiv(N, _NS * 8) * _NS * 8
    xp = jnp.pad(x, ((0, NP - N), (0, 0)))
    src = edge_index[0]
    dst = edge_index[1]

    zerosH = jnp.zeros((NP, D), jnp.float32)
    onesH = jnp.ones((NP, D), jnp.float32)

    dpart = _sc_deg_partials(dst, onesH, zerosH)
    dinv = _tc_dinv(dpart[0], dpart[1])

    zH = jnp.zeros((1, W2.shape[1]), jnp.float32)
    y = _tc_matmul_scale(xp, W1, dinv)
    p = _sc_scatter_partials(y, src, dst, zerosH)
    y = _tc_combine_matmul(p[0], p[1], dinv, b1.reshape(1, -1), W2, zH, True)
    p = _sc_scatter_partials(y, src, dst, zerosH)
    y = _tc_combine_matmul(p[0], p[1], dinv, b2.reshape(1, -1), W3, zH, True)
    p = _sc_scatter_partials(y, src, dst, zerosH)
    out = _tc_combine_matmul(p[0], p[1], dinv, b3.reshape(1, -1), Wp,
                             bp.reshape(1, -1), False)
    return out[:N]

# --- scband reference (transcript-rebuilt; emitter-appended) ---
"""Pipeline reference for scband-gcn-60928406061383 (READ-ONLY COPY).

The authoritative reference and input builder live on the scoring server;
editing this copy changes nothing except your own understanding.
"""

import jax, jax.numpy as jnp
import numpy as np

N = 10000
E = 320000
D = 128
H = 128
C = 40


def setup_inputs(seed: int = 0) -> dict:
    key = jax.random.key(seed)
    ks = jax.random.split(key, 12)
    x = jax.random.normal(ks[0], (N, D), dtype=jnp.float32)
    edge_index = jax.random.randint(ks[1], (2, E), 0, N, dtype=jnp.int32)
    s = 0.1  # matches param_init: uniform(-0.1, 0.1)
    W1 = jax.random.uniform(ks[2], (D, H), minval=-s, maxval=s, dtype=jnp.float32)
    b1 = jax.random.uniform(ks[3], (H,), minval=-s, maxval=s, dtype=jnp.float32)
    W2 = jax.random.uniform(ks[4], (H, H), minval=-s, maxval=s, dtype=jnp.float32)
    b2 = jax.random.uniform(ks[5], (H,), minval=-s, maxval=s, dtype=jnp.float32)
    W3 = jax.random.uniform(ks[6], (H, H), minval=-s, maxval=s, dtype=jnp.float32)
    b3 = jax.random.uniform(ks[7], (H,), minval=-s, maxval=s, dtype=jnp.float32)
    Wp = jax.random.uniform(ks[8], (H, C), minval=-s, maxval=s, dtype=jnp.float32)
    bp = jax.random.uniform(ks[9], (C,), minval=-s, maxval=s, dtype=jnp.float32)
    return {"x": x, "edge_index": edge_index, "W1": W1, "b1": b1, "W2": W2, "b2": b2, "W3": W3, "b3": b3, "Wp": Wp, "bp": bp}


def _gcn_conv(x, src, dst, W, b):
    # GCNConv: linear transform, add self-loops, symmetric deg normalization, scatter-add aggregate
    xw = x @ W
    loop = jnp.arange(N, dtype=src.dtype)
    s = jnp.concatenate([src, loop])
    d = jnp.concatenate([dst, loop])
    deg = jnp.zeros((N,), jnp.float32).at[d].add(1.0)
    dinv = jnp.where(deg > 0, jax.lax.rsqrt(deg), 0.0)
    norm = dinv[s] * dinv[d]
    msg = xw[s] * norm[:, None]
    out = jnp.zeros((N, xw.shape[1]), jnp.float32).at[d].add(msg)
    return out + b


def reference(x, edge_index, W1, b1, W2, b2, W3, b3, Wp, bp):
    src = edge_index[0]
    dst = edge_index[1]
    h = x
    for (W, b) in ((W1, b1), (W2, b2), (W3, b3)):
        h = _gcn_conv(h, src, dst, W, b)
        h = jax.nn.relu(h)
        # dropout is identity in eval mode
    return h @ Wp + bp

if __name__ == "__main__":
    import jax
    _d = setup_inputs()
    print(jax.jit(kernel)(*tuple(_d.values())))

</pallas_src>

<mosaic_0001>
#map = affine_map<(d0, d1) -> (0, 0)>
#map1 = affine_map<(d0, d1) -> (0)>
#map2 = affine_map<(d0, d1) -> (0, 0, 0)>
module attributes {stable_mosaic.version = 14 : i64} {
  func.func @k(%arg0: i32, %arg1: i32, %arg2: memref<10112x128xf32, #tpu.memory_space<hbm>>, %arg3: memref<320000xi32, #tpu.memory_space<hbm>>, %arg4: memref<320000xi32, #tpu.memory_space<hbm>>, %arg5: memref<10112x128xf32, #tpu.memory_space<hbm>>, %arg6: memref<2x10112x128xf32, #tpu.memory_space<hbm>>, %arg7: memref<80xi32, #tpu.memory_space<vmem>>, %arg8: memref<80xi32, #tpu.memory_space<vmem>>, %arg9: memref<80xi32, #tpu.memory_space<vmem>>, %arg10: memref<80xi32, #tpu.memory_space<vmem>>, %arg11: memref<80x128xf32, #tpu.memory_space<vmem>>, %arg12: memref<10112x128xf32, #tpu.memory_space<vmem_shared>>, %arg13: memref<!tpu.dma_semaphore, #tpu.memory_space<semaphore_mem>>, %arg14: memref<!tpu.dma_semaphore, #tpu.memory_space<semaphore_mem>>) attributes {dimension_semantics = [#tpu.dimension_semantics<core_parallel>, #tpu.dimension_semantics<subcore_parallel>], iteration_bounds = array<i64: 2, 16>, scalar_prefetch = 0 : i64, scratch_operands = 8 : i64, tpu.core_type = #tpu.core_type<sc_vector_subcore>, window_params = [{transform_indices = #map}, {transform_indices = #map1}, {transform_indices = #map1}, {transform_indices = #map}, {transform_indices = #map2}]} {
    %mul3A = arith.constant 16 : i32
    %mul3A_0 = arith.muli %arg0, %mul3A : i32
    %add3A = arith.addi %mul3A_0, %arg1 : i32
    %mul3A_1 = arith.constant 632 : i32
    %mul3A_2 = arith.muli %arg1, %mul3A_1 : i32
    %eq3A = arith.constant 0 : i32
    %eq3A_3 = arith.cmpi eq, %arg0, %eq3A : i32
    %convert_element_type3A = arith.extui %eq3A_3 : i1 to i32
    %cond3A = arith.constant 0 : i32
    %cond3A_4 = arith.cmpi ne, %convert_element_type3A, %cond3A : i32
    scf.if %cond3A_4 {
      "tpu.region"() ({
        %run_scoped3A = tpu.sem_alloc : memref<!tpu.dma_semaphore, #tpu.memory_space<semaphore_mem>>
        %dma_start3A_75 = arith.constant 0 : i32
        %dma_start3A_76 = tpu.memref_slice %arg12[%mul3A_2, %dma_start3A_75] : memref<10112x128xf32, #tpu.memory_space<vmem_shared>> -> memref<632x128xf32, #tpu.memory_space<vmem_shared>>
        %dma_start3A_77 = arith.constant 0 : i32
        %dma_start3A_78 = tpu.memref_slice %arg2[%mul3A_2, %dma_start3A_77] : memref<10112x128xf32, #tpu.memory_space<hbm>> -> memref<632x128xf32, #tpu.memory_space<hbm>>
        tpu.enqueue_dma source(%dma_start3A_78 : memref<632x128xf32, #tpu.memory_space<hbm>>) target(%dma_start3A_76 : memref<632x128xf32, #tpu.memory_space<vmem_shared>>) target_semaphore(%run_scoped3A : memref<!tpu.dma_semaphore, #tpu.memory_space<semaphore_mem>>)
        %dma_wait3A_79 = arith.constant 0 : i32
        %dma_wait3A_80 = tpu.memref_slice %arg12[%mul3A_2, %dma_wait3A_79] : memref<10112x128xf32, #tpu.memory_space<vmem_shared>> -> memref<632x128xf32, #tpu.memory_space<vmem_shared>>
        %dma_wait3A_81 = arith.constant 0 : i32
        %dma_wait3A_82 = tpu.memref_slice %arg2[%mul3A_2, %dma_wait3A_81] : memref<10112x128xf32, #tpu.memory_space<hbm>> -> memref<632x128xf32, #tpu.memory_space<hbm>>
        tpu.wait_dma2 semaphore(%run_scoped3A : memref<!tpu.dma_semaphore, #tpu.memory_space<semaphore_mem>>) src(%dma_wait3A_82 : memref<632x128xf32, #tpu.memory_space<hbm>>) dst(%dma_wait3A_80 : memref<632x128xf32, #tpu.memory_space<vmem_shared>>)
        tpu.yield
      }) : () -> ()
    } else {
    }
    %ne3A = arith.constant 0 : i32
    %ne3A_5 = arith.cmpi ne, %arg0, %ne3A : i32
    %convert_element_type3A_6 = arith.extui %ne3A_5 : i1 to i32
    %cond3A_7 = arith.constant 0 : i32
    %cond3A_8 = arith.cmpi ne, %convert_element_type3A_6, %cond3A_7 : i32
    scf.if %cond3A_8 {
      "tpu.region"() ({
        %run_scoped3A = tpu.sem_alloc : memref<!tpu.dma_semaphore, #tpu.memory_space<semaphore_mem>>
        %dma_start3A_75 = arith.constant 0 : i32
        %dma_start3A_76 = tpu.memref_slice %arg12[%mul3A_2, %dma_start3A_75] : memref<10112x128xf32, #tpu.memory_space<vmem_shared>> -> memref<632x128xf32, #tpu.memory_space<vmem_shared>>
        %dma_start3A_77 = arith.constant 0 : i32
        %dma_start3A_78 = tpu.memref_slice %arg5[%mul3A_2, %dma_start3A_77] : memref<10112x128xf32, #tpu.memory_space<hbm>> -> memref<632x128xf32, #tpu.memory_space<hbm>>
        tpu.enqueue_dma source(%dma_start3A_78 : memref<632x128xf32, #tpu.memory_space<hbm>>) target(%dma_start3A_76 : memref<632x128xf32, #tpu.memory_space<vmem_shared>>) target_semaphore(%run_scoped3A : memref<!tpu.dma_semaphore, #tpu.memory_space<semaphore_mem>>)
        %dma_wait3A_79 = arith.constant 0 : i32
        %dma_wait3A_80 = tpu.memref_slice %arg12[%mul3A_2, %dma_wait3A_79] : memref<10112x128xf32, #tpu.memory_space<vmem_shared>> -> memref<632x128xf32, #tpu.memory_space<vmem_shared>>
        %dma_wait3A_81 = arith.constant 0 : i32
        %dma_wait3A_82 = tpu.memref_slice %arg5[%mul3A_2, %dma_wait3A_81] : memref<10112x128xf32, #tpu.memory_space<hbm>> -> memref<632x128xf32, #tpu.memory_space<hbm>>
        tpu.wait_dma2 semaphore(%run_scoped3A : memref<!tpu.dma_semaphore, #tpu.memory_space<semaphore_mem>>) src(%dma_wait3A_82 : memref<632x128xf32, #tpu.memory_space<hbm>>) dst(%dma_wait3A_80 : memref<632x128xf32, #tpu.memory_space<vmem_shared>>)
        tpu.yield
      }) : () -> ()
    } else {
    }
    %barrier3A = arith.constant 0 : index
    tpu.barrier barrier_id(%barrier3A)
    %mul3A_9 = arith.constant 10000 : i32
    %mul3A_10 = arith.muli %add3A, %mul3A_9 : i32
    %add3A_11 = arith.constant 0 : i32
    %add3A_12 = arith.addi %mul3A_10, %add3A_11 : i32
    %dma_start3A = tpu.memref_slice %arg3[%add3A_12] : memref<320000xi32, #tpu.memory_space<hbm>> -> memref<80xi32, #tpu.memory_space<hbm>>
    %dma_start3A_13 = tpu.memref_slice %arg3[%add3A_12] : memref<320000xi32, #tpu.memory_space<hbm>> -> memref<80xi32, #tpu.memory_space<hbm>>
    tpu.enqueue_dma source(%dma_start3A_13 : memref<80xi32, #tpu.memory_space<hbm>>) target(%arg7 : memref<80xi32, #tpu.memory_space<vmem>>) target_semaphore(%arg14 : memref<!tpu.dma_semaphore, #tpu.memory_space<semaphore_mem>>)
    %dma_start3A_14 = tpu.memref_slice %arg4[%add3A_12] : memref<320000xi32, #tpu.memory_space<hbm>> -> memref<80xi32, #tpu.memory_space<hbm>>
    %dma_start3A_15 = tpu.memref_slice %arg4[%add3A_12] : memref<320000xi32, #tpu.memory_space<hbm>> -> memref<80xi32, #tpu.memory_space<hbm>>
    tpu.enqueue_dma source(%dma_start3A_15 : memref<80xi32, #tpu.memory_space<hbm>>) target(%arg9 : memref<80xi32, #tpu.memory_space<vmem>>) target_semaphore(%arg14 : memref<!tpu.dma_semaphore, #tpu.memory_space<semaphore_mem>>)
    %dma_wait3A = arith.constant 0 : i32
    %dma_wait3A_16 = tpu.memref_slice %arg3[%dma_wait3A] : memref<320000xi32, #tpu.memory_space<hbm>> -> memref<80xi32, #tpu.memory_space<hbm>>
    %dma_wait3A_17 = arith.constant 0 : i32
    %dma_wait3A_18 = tpu.memref_slice %arg3[%dma_wait3A_17] : memref<320000xi32, #tpu.memory_space<hbm>> -> memref<80xi32, #tpu.memory_space<hbm>>
    tpu.wait_dma2 semaphore(%arg14 : memref<!tpu.dma_semaphore, #tpu.memory_space<semaphore_mem>>) src(%dma_wait3A_18 : memref<80xi32, #tpu.memory_space<hbm>>) dst(%arg7 : memref<80xi32, #tpu.memory_space<vmem>>)
    %dma_wait3A_19 = arith.constant 0 : i32
    %dma_wait3A_20 = tpu.memref_slice %arg4[%dma_wait3A_19] : memref<320000xi32, #tpu.memory_space<hbm>> -> memref<80xi32, #tpu.memory_space<hbm>>
    %dma_wait3A_21 = arith.constant 0 : i32
    %dma_wait3A_22 = tpu.memref_slice %arg4[%dma_wait3A_21] : memref<320000xi32, #tpu.memory_space<hbm>> -> memref<80xi32, #tpu.memory_space<hbm>>
    tpu.wait_dma2 semaphore(%arg14 : memref<!tpu.dma_semaphore, #tpu.memory_space<semaphore_mem>>) src(%dma_wait3A_22 : memref<80xi32, #tpu.memory_space<hbm>>) dst(%arg9 : memref<80xi32, #tpu.memory_space<vmem>>)
    %add3A_23 = arith.constant 80 : i32
    %add3A_24 = arith.addi %mul3A_10, %add3A_23 : i32
    %dma_start3A_25 = tpu.memref_slice %arg3[%add3A_24] : memref<320000xi32, #tpu.memory_space<hbm>> -> memref<80xi32, #tpu.memory_space<hbm>>
    %dma_start3A_26 = tpu.memref_slice %arg3[%add3A_24] : memref<320000xi32, #tpu.memory_space<hbm>> -> memref<80xi32, #tpu.memory_space<hbm>>
    tpu.enqueue_dma source(%dma_start3A_26 : memref<80xi32, #tpu.memory_space<hbm>>) target(%arg8 : memref<80xi32, #tpu.memory_space<vmem>>) target_semaphore(%arg14 : memref<!tpu.dma_semaphore, #tpu.memory_space<semaphore_mem>>)
    %dma_start3A_27 = tpu.memref_slice %arg4[%add3A_24] : memref<320000xi32, #tpu.memory_space<hbm>> -> memref<80xi32, #tpu.memory_space<hbm>>
    %dma_start3A_28 = tpu.memref_slice %arg4[%add3A_24] : memref<320000xi32, #tpu.memory_space<hbm>> -> memref<80xi32, #tpu.memory_space<hbm>>
    tpu.enqueue_dma source(%dma_start3A_28 : memref<80xi32, #tpu.memory_space<hbm>>) target(%arg10 : memref<80xi32, #tpu.memory_space<vmem>>) target_semaphore(%arg14 : memref<!tpu.dma_semaphore, #tpu.memory_space<semaphore_mem>>)
    %dma_start3A_29 = arith.constant 0 : i32
    %dma_start3A_30 = arith.constant 0 : i32
    %dma_start3A_31 = tpu.memref_slice %arg2[%dma_start3A_29, %dma_start3A_30] : memref<10112x128xf32, #tpu.memory_space<hbm>> -> memref<10112x128xf32, #tpu.memory_space<hbm>>
    tpu.enqueue_indirect_dma source(%dma_start3A_31 : memref<10112x128xf32, #tpu.memory_space<hbm>>) target(%arg11 : memref<80x128xf32, #tpu.memory_space<vmem>>) offsets(%arg7 : memref<80xi32, #tpu.memory_space<vmem>>) semaphore(%arg13 : memref<!tpu.dma_semaphore, #tpu.memory_space<semaphore_mem>>)
    %dma_wait3A_32 = arith.constant 0 : i32
    %dma_wait3A_33 = arith.constant 0 : i32
    %dma_wait3A_34 = tpu.memref_slice %arg2[%dma_wait3A_32, %dma_wait3A_33] : memref<10112x128xf32, #tpu.memory_space<hbm>> -> memref<10112x128xf32, #tpu.memory_space<hbm>>
    tpu.wait_indirect_dma semaphore(%arg13 : memref<!tpu.dma_semaphore, #tpu.memory_space<semaphore_mem>>) src(%dma_wait3A_34 : memref<10112x128xf32, #tpu.memory_space<hbm>>) dst(%arg11 : memref<80x128xf32, #tpu.memory_space<vmem>>)
    "tpu.region"() ({
      %run_scoped3A = tpu.sem_alloc : memref<!tpu.dma_semaphore, #tpu.memory_space<semaphore_mem>>
      %dma_start3A_75 = arith.constant 0 : i32
      %dma_start3A_76 = arith.constant 0 : i32
      %dma_start3A_77 = tpu.memref_slice %arg12[%dma_start3A_75, %dma_start3A_76] : memref<10112x128xf32, #tpu.memory_space<vmem_shared>> -> memref<10112x128xf32, #tpu.memory_space<vmem_shared>>
      tpu.enqueue_indirect_dma source(%arg11 : memref<80x128xf32, #tpu.memory_space<vmem>>) target(%dma_start3A_77 : memref<10112x128xf32, #tpu.memory_space<vmem_shared>>) offsets(%arg9 : memref<80xi32, #tpu.memory_space<vmem>>) semaphore(%run_scoped3A : memref<!tpu.dma_semaphore, #tpu.memory_space<semaphore_mem>>) {add = true}
      %dma_wait3A_78 = arith.constant 0 : i32
      %dma_wait3A_79 = arith.constant 0 : i32
      %dma_wait3A_80 = tpu.memref_slice %arg12[%dma_wait3A_78, %dma_wait3A_79] : memref<10112x128xf32, #tpu.memory_space<vmem_shared>> -> memref<10112x128xf32, #tpu.memory_space<vmem_shared>>
      tpu.wait_indirect_dma semaphore(%run_scoped3A : memref<!tpu.dma_semaphore, #tpu.memory_space<semaphore_mem>>) src(%arg11 : memref<80x128xf32, #tpu.memory_space<vmem>>) dst(%dma_wait3A_80 : memref<10112x128xf32, #tpu.memory_space<vmem_shared>>)
      tpu.yield
    }) : () -> ()
    %scan3A = arith.constant 0 : i32
    %scan3A_35 = arith.constant 0 : i32
    %scan3A_36 = arith.constant 61 : i32
    %scan3A_37 = arith.addi %scan3A_35, %scan3A_36 : i32
    %scan3A_38 = arith.constant 1 : i32
    scf.for %scan3A_75 = %scan3A_35 to %scan3A_37 step %scan3A_38  : i32 {
      %mul3A_76 = arith.constant 2 : i32
      %mul3A_77 = arith.muli %mul3A_76, %scan3A_75 : i32
      %add3A_78 = arith.constant 1 : i32
      %add3A_79 = arith.addi %mul3A_77, %add3A_78 : i32
      %dma_wait3A_80 = arith.constant 0 : i32
      %dma_wait3A_81 = tpu.memref_slice %arg3[%dma_wait3A_80] : memref<320000xi32, #tpu.memory_space<hbm>> -> memref<80xi32, #tpu.memory_space<hbm>>
      %dma_wait3A_82 = arith.constant 0 : i32
      %dma_wait3A_83 = tpu.memref_slice %arg3[%dma_wait3A_82] : memref<320000xi32, #tpu.memory_space<hbm>> -> memref<80xi32, #tpu.memory_space<hbm>>
      tpu.wait_dma2 semaphore(%arg14 : memref<!tpu.dma_semaphore, #tpu.memory_space<semaphore_mem>>) src(%dma_wait3A_83 : memref<80xi32, #tpu.memory_space<hbm>>) dst(%arg8 : memref<80xi32, #tpu.memory_space<vmem>>)
      %dma_wait3A_84 = arith.constant 0 : i32
      %dma_wait3A_85 = tpu.memref_slice %arg4[%dma_wait3A_84] : memref<320000xi32, #tpu.memory_space<hbm>> -> memref<80xi32, #tpu.memory_space<hbm>>
      %dma_wait3A_86 = arith.constant 0 : i32
      %dma_wait3A_87 = tpu.memref_slice %arg4[%dma_wait3A_86] : memref<320000xi32, #tpu.memory_space<hbm>> -> memref<80xi32, #tpu.memory_space<hbm>>
      tpu.wait_dma2 semaphore(%arg14 : memref<!tpu.dma_semaphore, #tpu.memory_space<semaphore_mem>>) src(%dma_wait3A_87 : memref<80xi32, #tpu.memory_space<hbm>>) dst(%arg10 : memref<80xi32, #tpu.memory_space<vmem>>)
      %add3A_88 = arith.constant 1 : i32
      %add3A_89 = arith.addi %add3A_79, %add3A_88 : i32
      %mul3A_90 = arith.constant 80 : i32
      %mul3A_91 = arith.muli %add3A_89, %mul3A_90 : i32
      %add3A_92 = arith.addi %mul3A_10, %mul3A_91 : i32
      %dma_start3A_93 = tpu.memref_slice %arg3[%add3A_92] : memref<320000xi32, #tpu.memory_space<hbm>> -> memref<80xi32, #tpu.memory_space<hbm>>
      %dma_start3A_94 = tpu.memref_slice %arg3[%add3A_92] : memref<320000xi32, #tpu.memory_space<hbm>> -> memref<80xi32, #tpu.memory_space<hbm>>
      tpu.enqueue_dma source(%dma_start3A_94 : memref<80xi32, #tpu.memory_space<hbm>>) target(%arg7 : memref<80xi32, #tpu.memory_space<vmem>>) target_semaphore(%arg14 : memref<!tpu.dma_semaphore, #tpu.memory_space<semaphore_mem>>)
      %dma_start3A_95 = tpu.memref_slice %arg4[%add3A_92] : memref<320000xi32, #tpu.memory_space<hbm>> -> memref<80xi32, #tpu.memory_space<hbm>>
      %dma_start3A_96 = tpu.memref_slice %arg4[%add3A_92] : memref<320000xi32, #tpu.memory_space<hbm>> -> memref<80xi32, #tpu.memory_space<hbm>>
      tpu.enqueue_dma source(%dma_start3A_96 : memref<80xi32, #tpu.memory_space<hbm>>) target(%arg9 : memref<80xi32, #tpu.memory_space<vmem>>) target_semaphore(%arg14 : memref<!tpu.dma_semaphore, #tpu.memory_space<semaphore_mem>>)
      %dma_start3A_97 = arith.constant 0 : i32
      %dma_start3A_98 = arith.constant 0 : i32
      %dma_start3A_99 = tpu.memref_slice %arg2[%dma_start3A_97, %dma_start3A_98] : memref<10112x128xf32, #tpu.memory_space<hbm>> -> memref<10112x128xf32, #tpu.memory_space<hbm>>
      tpu.enqueue_indirect_dma source(%dma_start3A_99 : memref<10112x128xf32, #tpu.memory_space<hbm>>) target(%arg11 : memref<80x128xf32, #tpu.memory_space<vmem>>) offsets(%arg8 : memref<80xi32, #tpu.memory_space<vmem>>) semaphore(%arg13 : memref<!tpu.dma_semaphore, #tpu.memory_space<semaphore_mem>>)
      %dma_wait3A_100 = arith.constant 0 : i32
      %dma_wait3A_101 = arith.constant 0 : i32
      %dma_wait3A_102 = tpu.memref_slice %arg2[%dma_wait3A_100, %dma_wait3A_101] : memref<10112x128xf32, #tpu.memory_space<hbm>> -> memref<10112x128xf32, #tpu.memory_space<hbm>>
      tpu.wait_indirect_dma semaphore(%arg13 : memref<!tpu.dma_semaphore, #tpu.memory_space<semaphore_mem>>) src(%dma_wait3A_102 : memref<10112x128xf32, #tpu.memory_space<hbm>>) dst(%arg11 : memref<80x128xf32, #tpu.memory_space<vmem>>)
      "tpu.region"() ({
        %run_scoped3A = tpu.sem_alloc : memref<!tpu.dma_semaphore, #tpu.memory_space<semaphore_mem>>
        %dma_start3A_130 = arith.constant 0 : i32
        %dma_start3A_131 = arith.constant 0 : i32
        %dma_start3A_132 = tpu.memref_slice %arg12[%dma_start3A_130, %dma_start3A_131] : memref<10112x128xf32, #tpu.memory_space<vmem_shared>> -> memref<10112x128xf32, #tpu.memory_space<vmem_shared>>
        tpu.enqueue_indirect_dma source(%arg11 : memref<80x128xf32, #tpu.memory_space<vmem>>) target(%dma_start3A_132 : memref<10112x128xf32, #tpu.memory_space<vmem_shared>>) offsets(%arg10 : memref<80xi32, #tpu.memory_space<vmem>>) semaphore(%run_scoped3A : memref<!tpu.dma_semaphore, #tpu.memory_space<semaphore_mem>>) {add = true}
        %dma_wait3A_133 = arith.constant 0 : i32
        %dma_wait3A_134 = arith.constant 0 : i32
        %dma_wait3A_135 = tpu.memref_slice %arg12[%dma_wait3A_133, %dma_wait3A_134] : memref<10112x128xf32, #tpu.memory_space<vmem_shared>> -> memref<10112x128xf32, #tpu.memory_space<vmem_shared>>
        tpu.wait_indirect_dma semaphore(%run_scoped3A : memref<!tpu.dma_semaphore, #tpu.memory_space<semaphore_mem>>) src(%arg11 : memref<80x128xf32, #tpu.memory_space<vmem>>) dst(%dma_wait3A_135 : memref<10112x128xf32, #tpu.memory_space<vmem_shared>>)
        tpu.yield
      }) : () -> ()
      %mul3A_103 = arith.constant 2 : i32
      %mul3A_104 = arith.muli %mul3A_103, %scan3A_75 : i32
      %add3A_105 = arith.constant 2 : i32
      %add3A_106 = arith.addi %mul3A_104, %add3A_105 : i32
      %dma_wait3A_107 = arith.constant 0 : i32
      %dma_wait3A_108 = tpu.memref_slice %arg3[%dma_wait3A_107] : memref<320000xi32, #tpu.memory_space<hbm>> -> memref<80xi32, #tpu.memory_space<hbm>>
      %dma_wait3A_109 = arith.constant 0 : i32
      %dma_wait3A_110 = tpu.memref_slice %arg3[%dma_wait3A_109] : memref<320000xi32, #tpu.memory_space<hbm>> -> memref<80xi32, #tpu.memory_space<hbm>>
      tpu.wait_dma2 semaphore(%arg14 : memref<!tpu.dma_semaphore, #tpu.memory_space<semaphore_mem>>) src(%dma_wait3A_110 : memref<80xi32, #tpu.memory_space<hbm>>) dst(%arg7 : memref<80xi32, #tpu.memory_space<vmem>>)
      %dma_wait3A_111 = arith.constant 0 : i32
      %dma_wait3A_112 = tpu.memref_slice %arg4[%dma_wait3A_111] : memref<320000xi32, #tpu.memory_space<hbm>> -> memref<80xi32, #tpu.memory_space<hbm>>
      %dma_wait3A_113 = arith.constant 0 : i32
      %dma_wait3A_114 = tpu.memref_slice %arg4[%dma_wait3A_113] : memref<320000xi32, #tpu.memory_space<hbm>> -> memref<80xi32, #tpu.memory_space<hbm>>
      tpu.wait_dma2 semaphore(%arg14 : memref<!tpu.dma_semaphore, #tpu.memory_space<semaphore_mem>>) src(%dma_wait3A_114 : memref<80xi32, #tpu.memory_space<hbm>>) dst(%arg9 : memref<80xi32, #tpu.memory_space<vmem>>)
      %add3A_115 = arith.constant 1 : i32
      %add3A_116 = arith.addi %add3A_106, %add3A_115 : i32
      %mul3A_117 = arith.constant 80 : i32
      %mul3A_118 = arith.muli %add3A_116, %mul3A_117 : i32
      %add3A_119 = arith.addi %mul3A_10, %mul3A_118 : i32
      %dma_start3A_120 = tpu.memref_slice %arg3[%add3A_119] : memref<320000xi32, #tpu.memory_space<hbm>> -> memref<80xi32, #tpu.memory_space<hbm>>
      %dma_start3A_121 = tpu.memref_slice %arg3[%add3A_119] : memref<320000xi32, #tpu.memory_space<hbm>> -> memref<80xi32, #tpu.memory_space<hbm>>
      tpu.enqueue_dma source(%dma_start3A_121 : memref<80xi32, #tpu.memory_space<hbm>>) target(%arg8 : memref<80xi32, #tpu.memory_space<vmem>>) target_semaphore(%arg14 : memref<!tpu.dma_semaphore, #tpu.memory_space<semaphore_mem>>)
      %dma_start3A_122 = tpu.memref_slice %arg4[%add3A_119] : memref<320000xi32, #tpu.memory_space<hbm>> -> memref<80xi32, #tpu.memory_space<hbm>>
      %dma_start3A_123 = tpu.memref_slice %arg4[%add3A_119] : memref<320000xi32, #tpu.memory_space<hbm>> -> memref<80xi32, #tpu.memory_space<hbm>>
      tpu.enqueue_dma source(%dma_start3A_123 : memref<80xi32, #tpu.memory_space<hbm>>) target(%arg10 : memref<80xi32, #tpu.memory_space<vmem>>) target_semaphore(%arg14 : memref<!tpu.dma_semaphore, #tpu.memory_space<semaphore_mem>>)
      %dma_start3A_124 = arith.constant 0 : i32
      %dma_start3A_125 = arith.constant 0 : i32
      %dma_start3A_126 = tpu.memref_slice %arg2[%dma_start3A_124, %dma_start3A_125] : memref<10112x128xf32, #tpu.memory_space<hbm>> -> memref<10112x128xf32, #tpu.memory_space<hbm>>
      tpu.enqueue_indirect_dma source(%dma_start3A_126 : memref<10112x128xf32, #tpu.memory_space<hbm>>) target(%arg11 : memref<80x128xf32, #tpu.memory_space<vmem>>) offsets(%arg7 : memref<80xi32, #tpu.memory_space<vmem>>) semaphore(%arg13 : memref<!tpu.dma_semaphore, #tpu.memory_space<semaphore_mem>>)
      %dma_wait3A_127 = arith.constant 0 : i32
      %dma_wait3A_128 = arith.constant 0 : i32
      %dma_wait3A_129 = tpu.memref_slice %arg2[%dma_wait3A_127, %dma_wait3A_128] : memref<10112x128xf32, #tpu.memory_space<hbm>> -> memref<10112x128xf32, #tpu.memory_space<hbm>>
      tpu.wait_indirect_dma semaphore(%arg13 : memref<!tpu.dma_semaphore, #tpu.memory_space<semaphore_mem>>) src(%dma_wait3A_129 : memref<10112x128xf32, #tpu.memory_space<hbm>>) dst(%arg11 : memref<80x128xf32, #tpu.memory_space<vmem>>)
      "tpu.region"() ({
        %run_scoped3A = tpu.sem_alloc : memref<!tpu.dma_semaphore, #tpu.memory_space<semaphore_mem>>
        %dma_start3A_130 = arith.constant 0 : i32
        %dma_start3A_131 = arith.constant 0 : i32
        %dma_start3A_132 = tpu.memref_slice %arg12[%dma_start3A_130, %dma_start3A_131] : memref<10112x128xf32, #tpu.memory_space<vmem_shared>> -> memref<10112x128xf32, #tpu.memory_space<vmem_shared>>
        tpu.enqueue_indirect_dma source(%arg11 : memref<80x128xf32, #tpu.memory_space<vmem>>) target(%dma_start3A_132 : memref<10112x128xf32, #tpu.memory_space<vmem_shared>>) offsets(%arg9 : memref<80xi32, #tpu.memory_space<vmem>>) semaphore(%run_scoped3A : memref<!tpu.dma_semaphore, #tpu.memory_space<semaphore_mem>>) {add = true}
        %dma_wait3A_133 = arith.constant 0 : i32
        %dma_wait3A_134 = arith.constant 0 : i32
        %dma_wait3A_135 = tpu.memref_slice %arg12[%dma_wait3A_133, %dma_wait3A_134] : memref<10112x128xf32, #tpu.memory_space<vmem_shared>> -> memref<10112x128xf32, #tpu.memory_space<vmem_shared>>
        tpu.wait_indirect_dma semaphore(%run_scoped3A : memref<!tpu.dma_semaphore, #tpu.memory_space<semaphore_mem>>) src(%arg11 : memref<80x128xf32, #tpu.memory_space<vmem>>) dst(%dma_wait3A_135 : memref<10112x128xf32, #tpu.memory_space<vmem_shared>>)
        tpu.yield
      }) : () -> ()
    }
    %scan3A_39 = arith.constant 61 : i32
    %dma_wait3A_40 = arith.constant 0 : i32
    %dma_wait3A_41 = tpu.memref_slice %arg3[%dma_wait3A_40] : memref<320000xi32, #tpu.memory_space<hbm>> -> memref<80xi32, #tpu.memory_space<hbm>>
    %dma_wait3A_42 = arith.constant 0 : i32
    %dma_wait3A_43 = tpu.memref_slice %arg3[%dma_wait3A_42] : memref<320000xi32, #tpu.memory_space<hbm>> -> memref<80xi32, #tpu.memory_space<hbm>>
    tpu.wait_dma2 semaphore(%arg14 : memref<!tpu.dma_semaphore, #tpu.memory_space<semaphore_mem>>) src(%dma_wait3A_43 : memref<80xi32, #tpu.memory_space<hbm>>) dst(%arg8 : memref<80xi32, #tpu.memory_space<vmem>>)
    %dma_wait3A_44 = arith.constant 0 : i32
    %dma_wait3A_45 = tpu.memref_slice %arg4[%dma_wait3A_44] : memref<320000xi32, #tpu.memory_space<hbm>> -> memref<80xi32, #tpu.memory_space<hbm>>
    %dma_wait3A_46 = arith.constant 0 : i32
    %dma_wait3A_47 = tpu.memref_slice %arg4[%dma_wait3A_46] : memref<320000xi32, #tpu.memory_space<hbm>> -> memref<80xi32, #tpu.memory_space<hbm>>
    tpu.wait_dma2 semaphore(%arg14 : memref<!tpu.dma_semaphore, #tpu.memory_space<semaphore_mem>>) src(%dma_wait3A_47 : memref<80xi32, #tpu.memory_space<hbm>>) dst(%arg10 : memref<80xi32, #tpu.memory_space<vmem>>)
    %add3A_48 = arith.constant 9920 : i32
    %add3A_49 = arith.addi %mul3A_10, %add3A_48 : i32
    %dma_start3A_50 = tpu.memref_slice %arg3[%add3A_49] : memref<320000xi32, #tpu.memory_space<hbm>> -> memref<80xi32, #tpu.memory_space<hbm>>
    %dma_start3A_51 = tpu.memref_slice %arg3[%add3A_49] : memref<320000xi32, #tpu.memory_space<hbm>> -> memref<80xi32, #tpu.memory_space<hbm>>
    tpu.enqueue_dma source(%dma_start3A_51 : memref<80xi32, #tpu.memory_space<hbm>>) target(%arg7 : memref<80xi32, #tpu.memory_space<vmem>>) target_semaphore(%arg14 : memref<!tpu.dma_semaphore, #tpu.memory_space<semaphore_mem>>)
    %dma_start3A_52 = tpu.memref_slice %arg4[%add3A_49] : memref<320000xi32, #tpu.memory_space<hbm>> -> memref<80xi32, #tpu.memory_space<hbm>>
    %dma_start3A_53 = tpu.memref_slice %arg4[%add3A_49] : memref<320000xi32, #tpu.memory_space<hbm>> -> memref<80xi32, #tpu.memory_space<hbm>>
    tpu.enqueue_dma source(%dma_start3A_53 : memref<80xi32, #tpu.memory_space<hbm>>) target(%arg9 : memref<80xi32, #tpu.memory_space<vmem>>) target_semaphore(%arg14 : memref<!tpu.dma_semaphore, #tpu.memory_space<semaphore_mem>>)
    %dma_start3A_54 = arith.constant 0 : i32
    %dma_start3A_55 = arith.constant 0 : i32
    %dma_start3A_56 = tpu.memref_slice %arg2[%dma_start3A_54, %dma_start3A_55] : memref<10112x128xf32, #tpu.memory_space<hbm>> -> memref<10112x128xf32, #tpu.memory_space<hbm>>
    tpu.enqueue_indirect_dma source(%dma_start3A_56 : memref<10112x128xf32, #tpu.memory_space<hbm>>) target(%arg11 : memref<80x128xf32, #tpu.memory_space<vmem>>) offsets(%arg8 : memref<80xi32, #tpu.memory_space<vmem>>) semaphore(%arg13 : memref<!tpu.dma_semaphore, #tpu.memory_space<semaphore_mem>>)
    %dma_wait3A_57 = arith.constant 0 : i32
    %dma_wait3A_58 = arith.constant 0 : i32
    %dma_wait3A_59 = tpu.memref_slice %arg2[%dma_wait3A_57, %dma_wait3A_58] : memref<10112x128xf32, #tpu.memory_space<hbm>> -> memref<10112x128xf32, #tpu.memory_space<hbm>>
    tpu.wait_indirect_dma semaphore(%arg13 : memref<!tpu.dma_semaphore, #tpu.memory_space<semaphore_mem>>) src(%dma_wait3A_59 : memref<10112x128xf32, #tpu.memory_space<hbm>>) dst(%arg11 : memref<80x128xf32, #tpu.memory_space<vmem>>)
    "tpu.region"() ({
      %run_scoped3A = tpu.sem_alloc : memref<!tpu.dma_semaphore, #tpu.memory_space<semaphore_mem>>
      %dma_start3A_75 = arith.constant 0 : i32
      %dma_start3A_76 = arith.constant 0 : i32
      %dma_start3A_77 = tpu.memref_slice %arg12[%dma_start3A_75, %dma_start3A_76] : memref<10112x128xf32, #tpu.memory_space<vmem_shared>> -> memref<10112x128xf32, #tpu.memory_space<vmem_shared>>
      tpu.enqueue_indirect_dma source(%arg11 : memref<80x128xf32, #tpu.memory_space<vmem>>) target(%dma_start3A_77 : memref<10112x128xf32, #tpu.memory_space<vmem_shared>>) offsets(%arg10 : memref<80xi32, #tpu.memory_space<vmem>>) semaphore(%run_scoped3A : memref<!tpu.dma_semaphore, #tpu.memory_space<semaphore_mem>>) {add = true}
      %dma_wait3A_78 = arith.constant 0 : i32
      %dma_wait3A_79 = arith.constant 0 : i32
      %dma_wait3A_80 = tpu.memref_slice %arg12[%dma_wait3A_78, %dma_wait3A_79] : memref<10112x128xf32, #tpu.memory_space<vmem_shared>> -> memref<10112x128xf32, #tpu.memory_space<vmem_shared>>
      tpu.wait_indirect_dma semaphore(%run_scoped3A : memref<!tpu.dma_semaphore, #tpu.memory_space<semaphore_mem>>) src(%arg11 : memref<80x128xf32, #tpu.memory_space<vmem>>) dst(%dma_wait3A_80 : memref<10112x128xf32, #tpu.memory_space<vmem_shared>>)
      tpu.yield
    }) : () -> ()
    %dma_wait3A_60 = arith.constant 0 : i32
    %dma_wait3A_61 = tpu.memref_slice %arg3[%dma_wait3A_60] : memref<320000xi32, #tpu.memory_space<hbm>> -> memref<80xi32, #tpu.memory_space<hbm>>
    %dma_wait3A_62 = arith.constant 0 : i32
    %dma_wait3A_63 = tpu.memref_slice %arg3[%dma_wait3A_62] : memref<320000xi32, #tpu.memory_space<hbm>> -> memref<80xi32, #tpu.memory_space<hbm>>
    tpu.wait_dma2 semaphore(%arg14 : memref<!tpu.dma_semaphore, #tpu.memory_space<semaphore_mem>>) src(%dma_wait3A_63 : memref<80xi32, #tpu.memory_space<hbm>>) dst(%arg7 : memref<80xi32, #tpu.memory_space<vmem>>)
    %dma_wait3A_64 = arith.constant 0 : i32
    %dma_wait3A_65 = tpu.memref_slice %arg4[%dma_wait3A_64] : memref<320000xi32, #tpu.memory_space<hbm>> -> memref<80xi32, #tpu.memory_space<hbm>>
    %dma_wait3A_66 = arith.constant 0 : i32
    %dma_wait3A_67 = tpu.memref_slice %arg4[%dma_wait3A_66] : memref<320000xi32, #tpu.memory_space<hbm>> -> memref<80xi32, #tpu.memory_space<hbm>>
    tpu.wait_dma2 semaphore(%arg14 : memref<!tpu.dma_semaphore, #tpu.memory_space<semaphore_mem>>) src(%dma_wait3A_67 : memref<80xi32, #tpu.memory_space<hbm>>) dst(%arg9 : memref<80xi32, #tpu.memory_space<vmem>>)
    %dma_start3A_68 = arith.constant 0 : i32
    %dma_start3A_69 = arith.constant 0 : i32
    %dma_start3A_70 = tpu.memref_slice %arg2[%dma_start3A_68, %dma_start3A_69] : memref<10112x128xf32, #tpu.memory_space<hbm>> -> memref<10112x128xf32, #tpu.memory_space<hbm>>
    tpu.enqueue_indirect_dma source(%dma_start3A_70 : memref<10112x128xf32, #tpu.memory_space<hbm>>) target(%arg11 : memref<80x128xf32, #tpu.memory_space<vmem>>) offsets(%arg7 : memref<80xi32, #tpu.memory_space<vmem>>) semaphore(%arg13 : memref<!tpu.dma_semaphore, #tpu.memory_space<semaphore_mem>>)
    %dma_wait3A_71 = arith.constant 0 : i32
    %dma_wait3A_72 = arith.constant 0 : i32
    %dma_wait3A_73 = tpu.memref_slice %arg2[%dma_wait3A_71, %dma_wait3A_72] : memref<10112x128xf32, #tpu.memory_space<hbm>> -> memref<10112x128xf32, #tpu.memory_space<hbm>>
    tpu.wait_indirect_dma semaphore(%arg13 : memref<!tpu.dma_semaphore, #tpu.memory_space<semaphore_mem>>) src(%dma_wait3A_73 : memref<10112x128xf32, #tpu.memory_space<hbm>>) dst(%arg11 : memref<80x128xf32, #tpu.memory_space<vmem>>)
    "tpu.region"() ({
      %run_scoped3A = tpu.sem_alloc : memref<!tpu.dma_semaphore, #tpu.memory_space<semaphore_mem>>
      %dma_start3A_75 = arith.constant 0 : i32
      %dma_start3A_76 = arith.constant 0 : i32
      %dma_start3A_77 = tpu.memref_slice %arg12[%dma_start3A_75, %dma_start3A_76] : memref<10112x128xf32, #tpu.memory_space<vmem_shared>> -> memref<10112x128xf32, #tpu.memory_space<vmem_shared>>
      tpu.enqueue_indirect_dma source(%arg11 : memref<80x128xf32, #tpu.memory_space<vmem>>) target(%dma_start3A_77 : memref<10112x128xf32, #tpu.memory_space<vmem_shared>>) offsets(%arg9 : memref<80xi32, #tpu.memory_space<vmem>>) semaphore(%run_scoped3A : memref<!tpu.dma_semaphore, #tpu.memory_space<semaphore_mem>>) {add = true}
      %dma_wait3A_78 = arith.constant 0 : i32
      %dma_wait3A_79 = arith.constant 0 : i32
      %dma_wait3A_80 = tpu.memref_slice %arg12[%dma_wait3A_78, %dma_wait3A_79] : memref<10112x128xf32, #tpu.memory_space<vmem_shared>> -> memref<10112x128xf32, #tpu.memory_space<vmem_shared>>
      tpu.wait_indirect_dma semaphore(%run_scoped3A : memref<!tpu.dma_semaphore, #tpu.memory_space<semaphore_mem>>) src(%arg11 : memref<80x128xf32, #tpu.memory_space<vmem>>) dst(%dma_wait3A_80 : memref<10112x128xf32, #tpu.memory_space<vmem_shared>>)
      tpu.yield
    }) : () -> ()
    %barrier3A_74 = arith.constant 0 : index
    tpu.barrier barrier_id(%barrier3A_74)
    "tpu.region"() ({
      %run_scoped3A = tpu.sem_alloc : memref<!tpu.dma_semaphore, #tpu.memory_space<semaphore_mem>>
      %dma_start3A_75 = arith.constant 0 : i32
      %dma_start3A_76 = tpu.memref_slice %arg6[%arg0, %mul3A_2, %dma_start3A_75] : memref<2x10112x128xf32, #tpu.memory_space<hbm>> -> memref<1x632x128xf32, #tpu.memory_space<hbm>>
      %dma_start3A_77 = tpu.memref_squeeze %dma_start3A_76 : memref<1x632x128xf32, #tpu.memory_space<hbm>> -> memref<632x128xf32, #tpu.memory_space<hbm>>
      %dma_start3A_78 = arith.constant 0 : i32
      %dma_start3A_79 = tpu.memref_slice %arg12[%mul3A_2, %dma_start3A_78] : memref<10112x128xf32, #tpu.memory_space<vmem_shared>> -> memref<632x128xf32, #tpu.memory_space<vmem_shared>>
      tpu.enqueue_dma source(%dma_start3A_79 : memref<632x128xf32, #tpu.memory_space<vmem_shared>>) target(%dma_start3A_77 : memref<632x128xf32, #tpu.memory_space<hbm>>) target_semaphore(%run_scoped3A : memref<!tpu.dma_semaphore, #tpu.memory_space<semaphore_mem>>)
      %dma_wait3A_80 = arith.constant 0 : i32
      %dma_wait3A_81 = tpu.memref_slice %arg6[%arg0, %mul3A_2, %dma_wait3A_80] : memref<2x10112x128xf32, #tpu.memory_space<hbm>> -> memref<1x632x128xf32, #tpu.memory_space<hbm>>
      %dma_wait3A_82 = tpu.memref_squeeze %dma_wait3A_81 : memref<1x632x128xf32, #tpu.memory_space<hbm>> -> memref<632x128xf32, #tpu.memory_space<hbm>>
      %dma_wait3A_83 = arith.constant 0 : i32
      %dma_wait3A_84 = tpu.memref_slice %arg12[%mul3A_2, %dma_wait3A_83] : memref<10112x128xf32, #tpu.memory_space<vmem_shared>> -> memref<632x128xf32, #tpu.memory_space<vmem_shared>>
      tpu.wait_dma2 semaphore(%run_scoped3A : memref<!tpu.dma_semaphore, #tpu.memory_space<semaphore_mem>>) src(%dma_wait3A_84 : memref<632x128xf32, #tpu.memory_space<vmem_shared>>) dst(%dma_wait3A_82 : memref<632x128xf32, #tpu.memory_space<hbm>>)
      tpu.yield
    }) : () -> ()
    return
  }
}

#map = affine_map<(d0, d1) -> (0)>
#map1 = affine_map<(d0, d1) -> (0, 0)>
#map2 = affine_map<(d0, d1) -> (0, 0, 0)>
module attributes {stable_mosaic.version = 14 : i64} {
  func.func @k(%arg0: i32, %arg1: i32, %arg2: memref<320000xi32, #tpu.memory_space<hbm>>, %arg3: memref<10112x128xf32, #tpu.memory_space<hbm>>, %arg4: memref<10112x128xf32, #tpu.memory_space<hbm>>, %arg5: memref<2x10112x128xf32, #tpu.memory_space<hbm>>, %arg6: memref<80xi32, #tpu.memory_space<vmem>>, %arg7: memref<80x128xf32, #tpu.memory_space<vmem>>, %arg8: memref<10112x128xf32, #tpu.memory_space<vmem_shared>>, %arg9: memref<!tpu.dma_semaphore, #tpu.memory_space<semaphore_mem>>) attributes {dimension_semantics = [#tpu.dimension_semantics<core_parallel>, #tpu.dimension_semantics<subcore_parallel>], iteration_bounds = array<i64: 2, 16>, scalar_prefetch = 0 : i64, scratch_operands = 4 : i64, tpu.core_type = #tpu.core_type<sc_vector_subcore>, window_params = [{transform_indices = #map}, {transform_indices = #map1}, {transform_indices = #map1}, {transform_indices = #map2}]} {
    %mul3A = arith.constant 16 : i32
    %mul3A_0 = arith.muli %arg0, %mul3A : i32
    %add3A = arith.addi %mul3A_0, %arg1 : i32
    %mul3A_1 = arith.constant 632 : i32
    %mul3A_2 = arith.muli %arg1, %mul3A_1 : i32
    %eq3A = arith.constant 0 : i32
    %eq3A_3 = arith.cmpi eq, %arg0, %eq3A : i32
    %convert_element_type3A = arith.extui %eq3A_3 : i1 to i32
    %cond3A = arith.constant 0 : i32
    %cond3A_4 = arith.cmpi ne, %convert_element_type3A, %cond3A : i32
    scf.if %cond3A_4 {
      "tpu.region"() ({
        %run_scoped3A = tpu.sem_alloc : memref<!tpu.dma_semaphore, #tpu.memory_space<semaphore_mem>>
        %dma_start3A = arith.constant 0 : i32
        %dma_start3A_17 = tpu.memref_slice %arg8[%mul3A_2, %dma_start3A] : memref<10112x128xf32, #tpu.memory_space<vmem_shared>> -> memref<632x128xf32, #tpu.memory_space<vmem_shared>>
        %dma_start3A_18 = arith.constant 0 : i32
        %dma_start3A_19 = tpu.memref_slice %arg3[%mul3A_2, %dma_start3A_18] : memref<10112x128xf32, #tpu.memory_space<hbm>> -> memref<632x128xf32, #tpu.memory_space<hbm>>
        tpu.enqueue_dma source(%dma_start3A_19 : memref<632x128xf32, #tpu.memory_space<hbm>>) target(%dma_start3A_17 : memref<632x128xf32, #tpu.memory_space<vmem_shared>>) target_semaphore(%run_scoped3A : memref<!tpu.dma_semaphore, #tpu.memory_space<semaphore_mem>>)
        %dma_wait3A = arith.constant 0 : i32
        %dma_wait3A_20 = tpu.memref_slice %arg8[%mul3A_2, %dma_wait3A] : memref<10112x128xf32, #tpu.memory_space<vmem_shared>> -> memref<632x128xf32, #tpu.memory_space<vmem_shared>>
        %dma_wait3A_21 = arith.constant 0 : i32
        %dma_wait3A_22 = tpu.memref_slice %arg3[%mul3A_2, %dma_wait3A_21] : memref<10112x128xf32, #tpu.memory_space<hbm>> -> memref<632x128xf32, #tpu.memory_space<hbm>>
        tpu.wait_dma2 semaphore(%run_scoped3A : memref<!tpu.dma_semaphore, #tpu.memory_space<semaphore_mem>>) src(%dma_wait3A_22 : memref<632x128xf32, #tpu.memory_space<hbm>>) dst(%dma_wait3A_20 : memref<632x128xf32, #tpu.memory_space<vmem_shared>>)
        tpu.yield
      }) : () -> ()
    } else {
    }
    %ne3A = arith.constant 0 : i32
    %ne3A_5 = arith.cmpi ne, %arg0, %ne3A : i32
    %convert_element_type3A_6 = arith.extui %ne3A_5 : i1 to i32
    %cond3A_7 = arith.constant 0 : i32
    %cond3A_8 = arith.cmpi ne, %convert_element_type3A_6, %cond3A_7 : i32
    scf.if %cond3A_8 {
      "tpu.region"() ({
        %run_scoped3A = tpu.sem_alloc : memref<!tpu.dma_semaphore, #tpu.memory_space<semaphore_mem>>
        %dma_start3A = arith.constant 0 : i32
        %dma_start3A_17 = tpu.memref_slice %arg8[%mul3A_2, %dma_start3A] : memref<10112x128xf32, #tpu.memory_space<vmem_shared>> -> memref<632x128xf32, #tpu.memory_space<vmem_shared>>
        %dma_start3A_18 = arith.constant 0 : i32
        %dma_start3A_19 = tpu.memref_slice %arg4[%mul3A_2, %dma_start3A_18] : memref<10112x128xf32, #tpu.memory_space<hbm>> -> memref<632x128xf32, #tpu.memory_space<hbm>>
        tpu.enqueue_dma source(%dma_start3A_19 : memref<632x128xf32, #tpu.memory_space<hbm>>) target(%dma_start3A_17 : memref<632x128xf32, #tpu.memory_space<vmem_shared>>) target_semaphore(%run_scoped3A : memref<!tpu.dma_semaphore, #tpu.memory_space<semaphore_mem>>)
        %dma_wait3A = arith.constant 0 : i32
        %dma_wait3A_20 = tpu.memref_slice %arg8[%mul3A_2, %dma_wait3A] : memref<10112x128xf32, #tpu.memory_space<vmem_shared>> -> memref<632x128xf32, #tpu.memory_space<vmem_shared>>
        %dma_wait3A_21 = arith.constant 0 : i32
        %dma_wait3A_22 = tpu.memref_slice %arg4[%mul3A_2, %dma_wait3A_21] : memref<10112x128xf32, #tpu.memory_space<hbm>> -> memref<632x128xf32, #tpu.memory_space<hbm>>
        tpu.wait_dma2 semaphore(%run_scoped3A : memref<!tpu.dma_semaphore, #tpu.memory_space<semaphore_mem>>) src(%dma_wait3A_22 : memref<632x128xf32, #tpu.memory_space<hbm>>) dst(%dma_wait3A_20 : memref<632x128xf32, #tpu.memory_space<vmem_shared>>)
        tpu.yield
      }) : () -> ()
    } else {
    }
    "tpu.region"() ({
      %run_scoped3A = tpu.sem_alloc : memref<!tpu.dma_semaphore, #tpu.memory_space<semaphore_mem>>
      %dma_start3A = arith.constant 0 : i32
      %dma_start3A_17 = arith.constant 0 : i32
      %dma_start3A_18 = tpu.memref_slice %arg3[%dma_start3A, %dma_start3A_17] : memref<10112x128xf32, #tpu.memory_space<hbm>> -> memref<80x128xf32, #tpu.memory_space<hbm>>
      %dma_start3A_19 = arith.constant 0 : i32
      %dma_start3A_20 = arith.constant 0 : i32
      %dma_start3A_21 = tpu.memref_slice %arg3[%dma_start3A_19, %dma_start3A_20] : memref<10112x128xf32, #tpu.memory_space<hbm>> -> memref<80x128xf32, #tpu.memory_space<hbm>>
      tpu.enqueue_dma source(%dma_start3A_21 : memref<80x128xf32, #tpu.memory_space<hbm>>) target(%arg7 : memref<80x128xf32, #tpu.memory_space<vmem>>) target_semaphore(%run_scoped3A : memref<!tpu.dma_semaphore, #tpu.memory_space<semaphore_mem>>)
      %dma_wait3A = arith.constant 0 : i32
      %dma_wait3A_22 = arith.constant 0 : i32
      %dma_wait3A_23 = tpu.memref_slice %arg3[%dma_wait3A, %dma_wait3A_22] : memref<10112x128xf32, #tpu.memory_space<hbm>> -> memref<80x128xf32, #tpu.memory_space<hbm>>
      %dma_wait3A_24 = arith.constant 0 : i32
      %dma_wait3A_25 = arith.constant 0 : i32
      %dma_wait3A_26 = tpu.memref_slice %arg3[%dma_wait3A_24, %dma_wait3A_25] : memref<10112x128xf32, #tpu.memory_space<hbm>> -> memref<80x128xf32, #tpu.memory_space<hbm>>
      tpu.wait_dma2 semaphore(%run_scoped3A : memref<!tpu.dma_semaphore, #tpu.memory_space<semaphore_mem>>) src(%dma_wait3A_26 : memref<80x128xf32, #tpu.memory_space<hbm>>) dst(%arg7 : memref<80x128xf32, #tpu.memory_space<vmem>>)
      tpu.yield
    }) : () -> ()
    %barrier3A = arith.constant 0 : index
    tpu.barrier barrier_id(%barrier3A)
    %mul3A_9 = arith.constant 10000 : i32
    %mul3A_10 = arith.muli %add3A, %mul3A_9 : i32
    %scan3A = arith.constant 0 : i32
    %scan3A_11 = arith.constant 0 : i32
    %scan3A_12 = arith.constant 125 : i32
    %scan3A_13 = arith.addi %scan3A_11, %scan3A_12 : i32
    %scan3A_14 = arith.constant 1 : i32
    scf.for %scan3A_17 = %scan3A_11 to %scan3A_13 step %scan3A_14  : i32 {
      %mul3A_18 = arith.constant 80 : i32
      %mul3A_19 = arith.muli %scan3A_17, %mul3A_18 : i32
      %add3A_20 = arith.addi %mul3A_10, %mul3A_19 : i32
      "tpu.region"() ({
        %run_scoped3A = tpu.sem_alloc : memref<!tpu.dma_semaphore, #tpu.memory_space<semaphore_mem>>
        %dma_start3A = tpu.memref_slice %arg2[%add3A_20] : memref<320000xi32, #tpu.memory_space<hbm>> -> memref<80xi32, #tpu.memory_space<hbm>>
        %dma_start3A_21 = tpu.memref_slice %arg2[%add3A_20] : memref<320000xi32, #tpu.memory_space<hbm>> -> memref<80xi32, #tpu.memory_space<hbm>>
        tpu.enqueue_dma source(%dma_start3A_21 : memref<80xi32, #tpu.memory_space<hbm>>) target(%arg6 : memref<80xi32, #tpu.memory_space<vmem>>) target_semaphore(%run_scoped3A : memref<!tpu.dma_semaphore, #tpu.memory_space<semaphore_mem>>)
        %dma_wait3A = tpu.memref_slice %arg2[%add3A_20] : memref<320000xi32, #tpu.memory_space<hbm>> -> memref<80xi32, #tpu.memory_space<hbm>>
        %dma_wait3A_22 = tpu.memref_slice %arg2[%add3A_20] : memref<320000xi32, #tpu.memory_space<hbm>> -> memref<80xi32, #tpu.memory_space<hbm>>
        tpu.wait_dma2 semaphore(%run_scoped3A : memref<!tpu.dma_semaphore, #tpu.memory_space<semaphore_mem>>) src(%dma_wait3A_22 : memref<80xi32, #tpu.memory_space<hbm>>) dst(%arg6 : memref<80xi32, #tpu.memory_space<vmem>>)
        tpu.yield
      }) : () -> ()
      "tpu.region"() ({
        %run_scoped3A = tpu.sem_alloc : memref<!tpu.dma_semaphore, #tpu.memory_space<semaphore_mem>>
        %dma_start3A = arith.constant 0 : i32
        %dma_start3A_21 = arith.constant 0 : i32
        %dma_start3A_22 = tpu.memref_slice %arg8[%dma_start3A, %dma_start3A_21] : memref<10112x128xf32, #tpu.memory_space<vmem_shared>> -> memref<10112x128xf32, #tpu.memory_space<vmem_shared>>
        tpu.enqueue_indirect_dma source(%arg7 : memref<80x128xf32, #tpu.memory_space<vmem>>) target(%dma_start3A_22 : memref<10112x128xf32, #tpu.memory_space<vmem_shared>>) offsets(%arg6 : memref<80xi32, #tpu.memory_space<vmem>>) semaphore(%run_scoped3A : memref<!tpu.dma_semaphore, #tpu.memory_space<semaphore_mem>>) {add = true}
        %dma_wait3A = arith.constant 0 : i32
        %dma_wait3A_23 = arith.constant 0 : i32
        %dma_wait3A_24 = tpu.memref_slice %arg8[%dma_wait3A, %dma_wait3A_23] : memref<10112x128xf32, #tpu.memory_space<vmem_shared>> -> memref<10112x128xf32, #tpu.memory_space<vmem_shared>>
        tpu.wait_indirect_dma semaphore(%run_scoped3A : memref<!tpu.dma_semaphore, #tpu.memory_space<semaphore_mem>>) src(%arg7 : memref<80x128xf32, #tpu.memory_space<vmem>>) dst(%dma_wait3A_24 : memref<10112x128xf32, #tpu.memory_space<vmem_shared>>)
        tpu.yield
      }) : () -> ()
    }
    %scan3A_15 = arith.constant 125 : i32
    %barrier3A_16 = arith.constant 0 : index
    tpu.barrier barrier_id(%barrier3A_16)
    "tpu.region"() ({
      %run_scoped3A = tpu.sem_alloc : memref<!tpu.dma_semaphore, #tpu.memory_space<semaphore_mem>>
      %dma_start3A = arith.constant 0 : i32
      %dma_start3A_17 = tpu.memref_slice %arg5[%arg0, %mul3A_2, %dma_start3A] : memref<2x10112x128xf32, #tpu.memory_space<hbm>> -> memref<1x632x128xf32, #tpu.memory_space<hbm>>
      %dma_start3A_18 = tpu.memref_squeeze %dma_start3A_17 : memref<1x632x128xf32, #tpu.memory_space<hbm>> -> memref<632x128xf32, #tpu.memory_space<hbm>>
      %dma_start3A_19 = arith.constant 0 : i32
      %dma_start3A_20 = tpu.memref_slice %arg8[%mul3A_2, %dma_start3A_19] : memref<10112x128xf32, #tpu.memory_space<vmem_shared>> -> memref<632x128xf32, #tpu.memory_space<vmem_shared>>
      tpu.enqueue_dma source(%dma_start3A_20 : memref<632x128xf32, #tpu.memory_space<vmem_shared>>) target(%dma_start3A_18 : memref<632x128xf32, #tpu.memory_space<hbm>>) target_semaphore(%run_scoped3A : memref<!tpu.dma_semaphore, #tpu.memory_space<semaphore_mem>>)
      %dma_wait3A = arith.constant 0 : i32
      %dma_wait3A_21 = tpu.memref_slice %arg5[%arg0, %mul3A_2, %dma_wait3A] : memref<2x10112x128xf32, #tpu.memory_space<hbm>> -> memref<1x632x128xf32, #tpu.memory_space<hbm>>
      %dma_wait3A_22 = tpu.memref_squeeze %dma_wait3A_21 : memref<1x632x128xf32, #tpu.memory_space<hbm>> -> memref<632x128xf32, #tpu.memory_space<hbm>>
      %dma_wait3A_23 = arith.constant 0 : i32
      %dma_wait3A_24 = tpu.memref_slice %arg8[%mul3A_2, %dma_wait3A_23] : memref<10112x128xf32, #tpu.memory_space<vmem_shared>> -> memref<632x128xf32, #tpu.memory_space<vmem_shared>>
      tpu.wait_dma2 semaphore(%run_scoped3A : memref<!tpu.dma_semaphore, #tpu.memory_space<semaphore_mem>>) src(%dma_wait3A_24 : memref<632x128xf32, #tpu.memory_space<vmem_shared>>) dst(%dma_wait3A_22 : memref<632x128xf32, #tpu.memory_space<hbm>>)
      tpu.yield
    }) : () -> ()
    return
  }
}

#map = affine_map<(d0, d1) -> (0, 0)>
#map1 = affine_map<(d0, d1) -> (0)>
#map2 = affine_map<(d0, d1) -> (0, 0, 0)>
module attributes {stable_mosaic.version = 14 : i64} {
  func.func @k(%arg0: i32, %arg1: i32, %arg2: memref<10112x128xf32, #tpu.memory_space<hbm>>, %arg3: memref<320000xi32, #tpu.memory_space<hbm>>, %arg4: memref<320000xi32, #tpu.memory_space<hbm>>, %arg5: memref<10112x128xf32, #tpu.memory_space<hbm>>, %arg6: memref<2x10112x128xf32, #tpu.memory_space<hbm>>, %arg7: memref<80xi32, #tpu.memory_space<vmem>>, %arg8: memref<80xi32, #tpu.memory_space<vmem>>, %arg9: memref<80xi32, #tpu.memory_space<vmem>>, %arg10: memref<80xi32, #tpu.memory_space<vmem>>, %arg11: memref<80x128xf32, #tpu.memory_space<vmem>>, %arg12: memref<10112x128xf32, #tpu.memory_space<vmem_shared>>, %arg13: memref<!tpu.dma_semaphore, #tpu.memory_space<semaphore_mem>>, %arg14: memref<!tpu.dma_semaphore, #tpu.memory_space<semaphore_mem>>) attributes {dimension_semantics = [#tpu.dimension_semantics<core_parallel>, #tpu.dimension_semantics<subcore_parallel>], iteration_bounds = array<i64: 2, 16>, scalar_prefetch = 0 : i64, scratch_operands = 8 : i64, tpu.core_type = #tpu.core_type<sc_vector_subcore>, window_params = [{transform_indices = #map}, {transform_indices = #map1}, {transform_indices = #map1}, {transform_indices = #map}, {transform_indices = #map2}]} {
    %mul3A = arith.constant 16 : i32
    %mul3A_0 = arith.muli %arg0, %mul3A : i32
    %add3A = arith.addi %mul3A_0, %arg1 : i32
    %mul3A_1 = arith.constant 632 : i32
    %mul3A_2 = arith.muli %arg1, %mul3A_1 : i32
    %eq3A = arith.constant 0 : i32
    %eq3A_3 = arith.cmpi eq, %arg0, %eq3A : i32
    %convert_element_type3A = arith.extui %eq3A_3 : i1 to i32
    %cond3A = arith.constant 0 : i32
    %cond3A_4 = arith.cmpi ne, %convert_element_type3A, %cond3A : i32
    scf.if %cond3A_4 {
      "tpu.region"() ({
        %run_scoped3A = tpu.sem_alloc : memref<!tpu.dma_semaphore, #tpu.memory_space<semaphore_mem>>
        %dma_start3A_75 = arith.constant 0 : i32
        %dma_start3A_76 = tpu.memref_slice %arg12[%mul3A_2, %dma_start3A_75] : memref<10112x128xf32, #tpu.memory_space<vmem_shared>> -> memref<632x128xf32, #tpu.memory_space<vmem_shared>>
        %dma_start3A_77 = arith.constant 0 : i32
        %dma_start3A_78 = tpu.memref_slice %arg2[%mul3A_2, %dma_start3A_77] : memref<10112x128xf32, #tpu.memory_space<hbm>> -> memref<632x128xf32, #tpu.memory_space<hbm>>
        tpu.enqueue_dma source(%dma_start3A_78 : memref<632x128xf32, #tpu.memory_space<hbm>>) target(%dma_start3A_76 : memref<632x128xf32, #tpu.memory_space<vmem_shared>>) target_semaphore(%run_scoped3A : memref<!tpu.dma_semaphore, #tpu.memory_space<semaphore_mem>>)
        %dma_wait3A_79 = arith.constant 0 : i32
        %dma_wait3A_80 = tpu.memref_slice %arg12[%mul3A_2, %dma_wait3A_79] : memref<10112x128xf32, #tpu.memory_space<vmem_shared>> -> memref<632x128xf32, #tpu.memory_space<vmem_shared>>
        %dma_wait3A_81 = arith.constant 0 : i32
        %dma_wait3A_82 = tpu.memref_slice %arg2[%mul3A_2, %dma_wait3A_81] : memref<10112x128xf32, #tpu.memory_space<hbm>> -> memref<632x128xf32, #tpu.memory_space<hbm>>
        tpu.wait_dma2 semaphore(%run_scoped3A : memref<!tpu.dma_semaphore, #tpu.memory_space<semaphore_mem>>) src(%dma_wait3A_82 : memref<632x128xf32, #tpu.memory_space<hbm>>) dst(%dma_wait3A_80 : memref<632x128xf32, #tpu.memory_space<vmem_shared>>)
        tpu.yield
      }) : () -> ()
    } else {
    }
    %ne3A = arith.constant 0 : i32
    %ne3A_5 = arith.cmpi ne, %arg0, %ne3A : i32
    %convert_element_type3A_6 = arith.extui %ne3A_5 : i1 to i32
    %cond3A_7 = arith.constant 0 : i32
    %cond3A_8 = arith.cmpi ne, %convert_element_type3A_6, %cond3A_7 : i32
    scf.if %cond3A_8 {
      "tpu.region"() ({
        %run_scoped3A = tpu.sem_alloc : memref<!tpu.dma_semaphore, #tpu.memory_space<semaphore_mem>>
        %dma_start3A_75 = arith.constant 0 : i32
        %dma_start3A_76 = tpu.memref_slice %arg12[%mul3A_2, %dma_start3A_75] : memref<10112x128xf32, #tpu.memory_space<vmem_shared>> -> memref<632x128xf32, #tpu.memory_space<vmem_shared>>
        %dma_start3A_77 = arith.constant 0 : i32
        %dma_start3A_78 = tpu.memref_slice %arg5[%mul3A_2, %dma_start3A_77] : memref<10112x128xf32, #tpu.memory_space<hbm>> -> memref<632x128xf32, #tpu.memory_space<hbm>>
        tpu.enqueue_dma source(%dma_start3A_78 : memref<632x128xf32, #tpu.memory_space<hbm>>) target(%dma_start3A_76 : memref<632x128xf32, #tpu.memory_space<vmem_shared>>) target_semaphore(%run_scoped3A : memref<!tpu.dma_semaphore, #tpu.memory_space<semaphore_mem>>)
        %dma_wait3A_79 = arith.constant 0 : i32
        %dma_wait3A_80 = tpu.memref_slice %arg12[%mul3A_2, %dma_wait3A_79] : memref<10112x128xf32, #tpu.memory_space<vmem_shared>> -> memref<632x128xf32, #tpu.memory_space<vmem_shared>>
        %dma_wait3A_81 = arith.constant 0 : i32
        %dma_wait3A_82 = tpu.memref_slice %arg5[%mul3A_2, %dma_wait3A_81] : memref<10112x128xf32, #tpu.memory_space<hbm>> -> memref<632x128xf32, #tpu.memory_space<hbm>>
        tpu.wait_dma2 semaphore(%run_scoped3A : memref<!tpu.dma_semaphore, #tpu.memory_space<semaphore_mem>>) src(%dma_wait3A_82 : memref<632x128xf32, #tpu.memory_space<hbm>>) dst(%dma_wait3A_80 : memref<632x128xf32, #tpu.memory_space<vmem_shared>>)
        tpu.yield
      }) : () -> ()
    } else {
    }
    %barrier3A = arith.constant 0 : index
    tpu.barrier barrier_id(%barrier3A)
    %mul3A_9 = arith.constant 10000 : i32
    %mul3A_10 = arith.muli %add3A, %mul3A_9 : i32
    %add3A_11 = arith.constant 0 : i32
    %add3A_12 = arith.addi %mul3A_10, %add3A_11 : i32
    %dma_start3A = tpu.memref_slice %arg3[%add3A_12] : memref<320000xi32, #tpu.memory_space<hbm>> -> memref<80xi32, #tpu.memory_space<hbm>>
    %dma_start3A_13 = tpu.memref_slice %arg3[%add3A_12] : memref<320000xi32, #tpu.memory_space<hbm>> -> memref<80xi32, #tpu.memory_space<hbm>>
    tpu.enqueue_dma source(%dma_start3A_13 : memref<80xi32, #tpu.memory_space<hbm>>) target(%arg7 : memref<80xi32, #tpu.memory_space<vmem>>) target_semaphore(%arg14 : memref<!tpu.dma_semaphore, #tpu.memory_space<semaphore_mem>>)
    %dma_start3A_14 = tpu.memref_slice %arg4[%add3A_12] : memref<320000xi32, #tpu.memory_space<hbm>> -> memref<80xi32, #tpu.memory_space<hbm>>
    %dma_start3A_15 = tpu.memref_slice %arg4[%add3A_12] : memref<320000xi32, #tpu.memory_space<hbm>> -> memref<80xi32, #tpu.memory_space<hbm>>
    tpu.enqueue_dma source(%dma_start3A_15 : memref<80xi32, #tpu.memory_space<hbm>>) target(%arg9 : memref<80xi32, #tpu.memory_space<vmem>>) target_semaphore(%arg14 : memref<!tpu.dma_semaphore, #tpu.memory_space<semaphore_mem>>)
    %dma_wait3A = arith.constant 0 : i32
    %dma_wait3A_16 = tpu.memref_slice %arg3[%dma_wait3A] : memref<320000xi32, #tpu.memory_space<hbm>> -> memref<80xi32, #tpu.memory_space<hbm>>
    %dma_wait3A_17 = arith.constant 0 : i32
    %dma_wait3A_18 = tpu.memref_slice %arg3[%dma_wait3A_17] : memref<320000xi32, #tpu.memory_space<hbm>> -> memref<80xi32, #tpu.memory_space<hbm>>
    tpu.wait_dma2 semaphore(%arg14 : memref<!tpu.dma_semaphore, #tpu.memory_space<semaphore_mem>>) src(%dma_wait3A_18 : memref<80xi32, #tpu.memory_space<hbm>>) dst(%arg7 : memref<80xi32, #tpu.memory_space<vmem>>)
    %dma_wait3A_19 = arith.constant 0 : i32
    %dma_wait3A_20 = tpu.memref_slice %arg4[%dma_wait3A_19] : memref<320000xi32, #tpu.memory_space<hbm>> -> memref<80xi32, #tpu.memory_space<hbm>>
    %dma_wait3A_21 = arith.constant 0 : i32
    %dma_wait3A_22 = tpu.memref_slice %arg4[%dma_wait3A_21] : memref<320000xi32, #tpu.memory_space<hbm>> -> memref<80xi32, #tpu.memory_space<hbm>>
    tpu.wait_dma2 semaphore(%arg14 : memref<!tpu.dma_semaphore, #tpu.memory_space<semaphore_mem>>) src(%dma_wait3A_22 : memref<80xi32, #tpu.memory_space<hbm>>) dst(%arg9 : memref<80xi32, #tpu.memory_space<vmem>>)
    %add3A_23 = arith.constant 80 : i32
    %add3A_24 = arith.addi %mul3A_10, %add3A_23 : i32
    %dma_start3A_25 = tpu.memref_slice %arg3[%add3A_24] : memref<320000xi32, #tpu.memory_space<hbm>> -> memref<80xi32, #tpu.memory_space<hbm>>
    %dma_start3A_26 = tpu.memref_slice %arg3[%add3A_24] : memref<320000xi32, #tpu.memory_space<hbm>> -> memref<80xi32, #tpu.memory_space<hbm>>
    tpu.enqueue_dma source(%dma_start3A_26 : memref<80xi32, #tpu.memory_space<hbm>>) target(%arg8 : memref<80xi32, #tpu.memory_space<vmem>>) target_semaphore(%arg14 : memref<!tpu.dma_semaphore, #tpu.memory_space<semaphore_mem>>)
    %dma_start3A_27 = tpu.memref_slice %arg4[%add3A_24] : memref<320000xi32, #tpu.memory_space<hbm>> -> memref<80xi32, #tpu.memory_space<hbm>>
    %dma_start3A_28 = tpu.memref_slice %arg4[%add3A_24] : memref<320000xi32, #tpu.memory_space<hbm>> -> memref<80xi32, #tpu.memory_space<hbm>>
    tpu.enqueue_dma source(%dma_start3A_28 : memref<80xi32, #tpu.memory_space<hbm>>) target(%arg10 : memref<80xi32, #tpu.memory_space<vmem>>) target_semaphore(%arg14 : memref<!tpu.dma_semaphore, #tpu.memory_space<semaphore_mem>>)
    %dma_start3A_29 = arith.constant 0 : i32
    %dma_start3A_30 = arith.constant 0 : i32
    %dma_start3A_31 = tpu.memref_slice %arg2[%dma_start3A_29, %dma_start3A_30] : memref<10112x128xf32, #tpu.memory_space<hbm>> -> memref<10112x128xf32, #tpu.memory_space<hbm>>
    tpu.enqueue_indirect_dma source(%dma_start3A_31 : memref<10112x128xf32, #tpu.memory_space<hbm>>) target(%arg11 : memref<80x128xf32, #tpu.memory_space<vmem>>) offsets(%arg7 : memref<80xi32, #tpu.memory_space<vmem>>) semaphore(%arg13 : memref<!tpu.dma_semaphore, #tpu.memory_space<semaphore_mem>>)
    %dma_wait3A_32 = arith.constant 0 : i32
    %dma_wait3A_33 = arith.constant 0 : i32
    %dma_wait3A_34 = tpu.memref_slice %arg2[%dma_wait3A_32, %dma_wait3A_33] : memref<10112x128xf32, #tpu.memory_space<hbm>> -> memref<10112x128xf32, #tpu.memory_space<hbm>>
    tpu.wait_indirect_dma semaphore(%arg13 : memref<!tpu.dma_semaphore, #tpu.memory_space<semaphore_mem>>) src(%dma_wait3A_34 : memref<10112x128xf32, #tpu.memory_space<hbm>>) dst(%arg11 : memref<80x128xf32, #tpu.memory_space<vmem>>)
    "tpu.region"() ({
      %run_scoped3A = tpu.sem_alloc : memref<!tpu.dma_semaphore, #tpu.memory_space<semaphore_mem>>
      %dma_start3A_75 = arith.constant 0 : i32
      %dma_start3A_76 = arith.constant 0 : i32
      %dma_start3A_77 = tpu.memref_slice %arg12[%dma_start3A_75, %dma_start3A_76] : memref<10112x128xf32, #tpu.memory_space<vmem_shared>> -> memref<10112x128xf32, #tpu.memory_space<vmem_shared>>
      tpu.enqueue_indirect_dma source(%arg11 : memref<80x128xf32, #tpu.memory_space<vmem>>) target(%dma_start3A_77 : memref<10112x128xf32, #tpu.memory_space<vmem_shared>>) offsets(%arg9 : memref<80xi32, #tpu.memory_space<vmem>>) semaphore(%run_scoped3A : memref<!tpu.dma_semaphore, #tpu.memory_space<semaphore_mem>>) {add = true}
      %dma_wait3A_78 = arith.constant 0 : i32
      %dma_wait3A_79 = arith.constant 0 : i32
      %dma_wait3A_80 = tpu.memref_slice %arg12[%dma_wait3A_78, %dma_wait3A_79] : memref<10112x128xf32, #tpu.memory_space<vmem_shared>> -> memref<10112x128xf32, #tpu.memory_space<vmem_shared>>
      tpu.wait_indirect_dma semaphore(%run_scoped3A : memref<!tpu.dma_semaphore, #tpu.memory_space<semaphore_mem>>) src(%arg11 : memref<80x128xf32, #tpu.memory_space<vmem>>) dst(%dma_wait3A_80 : memref<10112x128xf32, #tpu.memory_space<vmem_shared>>)
      tpu.yield
    }) : () -> ()
    %scan3A = arith.constant 0 : i32
    %scan3A_35 = arith.constant 0 : i32
    %scan3A_36 = arith.constant 61 : i32
    %scan3A_37 = arith.addi %scan3A_35, %scan3A_36 : i32
    %scan3A_38 = arith.constant 1 : i32
    scf.for %scan3A_75 = %scan3A_35 to %scan3A_37 step %scan3A_38  : i32 {
      %mul3A_76 = arith.constant 2 : i32
      %mul3A_77 = arith.muli %mul3A_76, %scan3A_75 : i32
      %add3A_78 = arith.constant 1 : i32
      %add3A_79 = arith.addi %mul3A_77, %add3A_78 : i32
      %dma_wait3A_80 = arith.constant 0 : i32
      %dma_wait3A_81 = tpu.memref_slice %arg3[%dma_wait3A_80] : memref<320000xi32, #tpu.memory_space<hbm>> -> memref<80xi32, #tpu.memory_space<hbm>>
      %dma_wait3A_82 = arith.constant 0 : i32
      %dma_wait3A_83 = tpu.memref_slice %arg3[%dma_wait3A_82] : memref<320000xi32, #tpu.memory_space<hbm>> -> memref<80xi32, #tpu.memory_space<hbm>>
      tpu.wait_dma2 semaphore(%arg14 : memref<!tpu.dma_semaphore, #tpu.memory_space<semaphore_mem>>) src(%dma_wait3A_83 : memref<80xi32, #tpu.memory_space<hbm>>) dst(%arg8 : memref<80xi32, #tpu.memory_space<vmem>>)
      %dma_wait3A_84 = arith.constant 0 : i32
      %dma_wait3A_85 = tpu.memref_slice %arg4[%dma_wait3A_84] : memref<320000xi32, #tpu.memory_space<hbm>> -> memref<80xi32, #tpu.memory_space<hbm>>
      %dma_wait3A_86 = arith.constant 0 : i32
      %dma_wait3A_87 = tpu.memref_slice %arg4[%dma_wait3A_86] : memref<320000xi32, #tpu.memory_space<hbm>> -> memref<80xi32, #tpu.memory_space<hbm>>
      tpu.wait_dma2 semaphore(%arg14 : memref<!tpu.dma_semaphore, #tpu.memory_space<semaphore_mem>>) src(%dma_wait3A_87 : memref<80xi32, #tpu.memory_space<hbm>>) dst(%arg10 : memref<80xi32, #tpu.memory_space<vmem>>)
      %add3A_88 = arith.constant 1 : i32
      %add3A_89 = arith.addi %add3A_79, %add3A_88 : i32
      %mul3A_90 = arith.constant 80 : i32
      %mul3A_91 = arith.muli %add3A_89, %mul3A_90 : i32
      %add3A_92 = arith.addi %mul3A_10, %mul3A_91 : i32
      %dma_start3A_93 = tpu.memref_slice %arg3[%add3A_92] : memref<320000xi32, #tpu.memory_space<hbm>> -> memref<80xi32, #tpu.memory_space<hbm>>
      %dma_start3A_94 = tpu.memref_slice %arg3[%add3A_92] : memref<320000xi32, #tpu.memory_space<hbm>> -> memref<80xi32, #tpu.memory_space<hbm>>
      tpu.enqueue_dma source(%dma_start3A_94 : memref<80xi32, #tpu.memory_space<hbm>>) target(%arg7 : memref<80xi32, #tpu.memory_space<vmem>>) target_semaphore(%arg14 : memref<!tpu.dma_semaphore, #tpu.memory_space<semaphore_mem>>)
      %dma_start3A_95 = tpu.memref_slice %arg4[%add3A_92] : memref<320000xi32, #tpu.memory_space<hbm>> -> memref<80xi32, #tpu.memory_space<hbm>>
      %dma_start3A_96 = tpu.memref_slice %arg4[%add3A_92] : memref<320000xi32, #tpu.memory_space<hbm>> -> memref<80xi32, #tpu.memory_space<hbm>>
      tpu.enqueue_dma source(%dma_start3A_96 : memref<80xi32, #tpu.memory_space<hbm>>) target(%arg9 : memref<80xi32, #tpu.memory_space<vmem>>) target_semaphore(%arg14 : memref<!tpu.dma_semaphore, #tpu.memory_space<semaphore_mem>>)
      %dma_start3A_97 = arith.constant 0 : i32
      %dma_start3A_98 = arith.constant 0 : i32
      %dma_start3A_99 = tpu.memref_slice %arg2[%dma_start3A_97, %dma_start3A_98] : memref<10112x128xf32, #tpu.memory_space<hbm>> -> memref<10112x128xf32, #tpu.memory_space<hbm>>
      tpu.enqueue_indirect_dma source(%dma_start3A_99 : memref<10112x128xf32, #tpu.memory_space<hbm>>) target(%arg11 : memref<80x128xf32, #tpu.memory_space<vmem>>) offsets(%arg8 : memref<80xi32, #tpu.memory_space<vmem>>) semaphore(%arg13 : memref<!tpu.dma_semaphore, #tpu.memory_space<semaphore_mem>>)
      %dma_wait3A_100 = arith.constant 0 : i32
      %dma_wait3A_101 = arith.constant 0 : i32
      %dma_wait3A_102 = tpu.memref_slice %arg2[%dma_wait3A_100, %dma_wait3A_101] : memref<10112x128xf32, #tpu.memory_space<hbm>> -> memref<10112x128xf32, #tpu.memory_space<hbm>>
      tpu.wait_indirect_dma semaphore(%arg13 : memref<!tpu.dma_semaphore, #tpu.memory_space<semaphore_mem>>) src(%dma_wait3A_102 : memref<10112x128xf32, #tpu.memory_space<hbm>>) dst(%arg11 : memref<80x128xf32, #tpu.memory_space<vmem>>)
      "tpu.region"() ({
        %run_scoped3A = tpu.sem_alloc : memref<!tpu.dma_semaphore, #tpu.memory_space<semaphore_mem>>
        %dma_start3A_130 = arith.constant 0 : i32
        %dma_start3A_131 = arith.constant 0 : i32
        %dma_start3A_132 = tpu.memref_slice %arg12[%dma_start3A_130, %dma_start3A_131] : memref<10112x128xf32, #tpu.memory_space<vmem_shared>> -> memref<10112x128xf32, #tpu.memory_space<vmem_shared>>
        tpu.enqueue_indirect_dma source(%arg11 : memref<80x128xf32, #tpu.memory_space<vmem>>) target(%dma_start3A_132 : memref<10112x128xf32, #tpu.memory_space<vmem_shared>>) offsets(%arg10 : memref<80xi32, #tpu.memory_space<vmem>>) semaphore(%run_scoped3A : memref<!tpu.dma_semaphore, #tpu.memory_space<semaphore_mem>>) {add = true}
        %dma_wait3A_133 = arith.constant 0 : i32
        %dma_wait3A_134 = arith.constant 0 : i32
        %dma_wait3A_135 = tpu.memref_slice %arg12[%dma_wait3A_133, %dma_wait3A_134] : memref<10112x128xf32, #tpu.memory_space<vmem_shared>> -> memref<10112x128xf32, #tpu.memory_space<vmem_shared>>
        tpu.wait_indirect_dma semaphore(%run_scoped3A : memref<!tpu.dma_semaphore, #tpu.memory_space<semaphore_mem>>) src(%arg11 : memref<80x128xf32, #tpu.memory_space<vmem>>) dst(%dma_wait3A_135 : memref<10112x128xf32, #tpu.memory_space<vmem_shared>>)
        tpu.yield
      }) : () -> ()
      %mul3A_103 = arith.constant 2 : i32
      %mul3A_104 = arith.muli %mul3A_103, %scan3A_75 : i32
      %add3A_105 = arith.constant 2 : i32
      %add3A_106 = arith.addi %mul3A_104, %add3A_105 : i32
      %dma_wait3A_107 = arith.constant 0 : i32
      %dma_wait3A_108 = tpu.memref_slice %arg3[%dma_wait3A_107] : memref<320000xi32, #tpu.memory_space<hbm>> -> memref<80xi32, #tpu.memory_space<hbm>>
      %dma_wait3A_109 = arith.constant 0 : i32
      %dma_wait3A_110 = tpu.memref_slice %arg3[%dma_wait3A_109] : memref<320000xi32, #tpu.memory_space<hbm>> -> memref<80xi32, #tpu.memory_space<hbm>>
      tpu.wait_dma2 semaphore(%arg14 : memref<!tpu.dma_semaphore, #tpu.memory_space<semaphore_mem>>) src(%dma_wait3A_110 : memref<80xi32, #tpu.memory_space<hbm>>) dst(%arg7 : memref<80xi32, #tpu.memory_space<vmem>>)
      %dma_wait3A_111 = arith.constant 0 : i32
      %dma_wait3A_112 = tpu.memref_slice %arg4[%dma_wait3A_111] : memref<320000xi32, #tpu.memory_space<hbm>> -> memref<80xi32, #tpu.memory_space<hbm>>
      %dma_wait3A_113 = arith.constant 0 : i32
      %dma_wait3A_114 = tpu.memref_slice %arg4[%dma_wait3A_113] : memref<320000xi32, #tpu.memory_space<hbm>> -> memref<80xi32, #tpu.memory_space<hbm>>
      tpu.wait_dma2 semaphore(%arg14 : memref<!tpu.dma_semaphore, #tpu.memory_space<semaphore_mem>>) src(%dma_wait3A_114 : memref<80xi32, #tpu.memory_space<hbm>>) dst(%arg9 : memref<80xi32, #tpu.memory_space<vmem>>)
      %add3A_115 = arith.constant 1 : i32
      %add3A_116 = arith.addi %add3A_106, %add3A_115 : i32
      %mul3A_117 = arith.constant 80 : i32
      %mul3A_118 = arith.muli %add3A_116, %mul3A_117 : i32
      %add3A_119 = arith.addi %mul3A_10, %mul3A_118 : i32
      %dma_start3A_120 = tpu.memref_slice %arg3[%add3A_119] : memref<320000xi32, #tpu.memory_space<hbm>> -> memref<80xi32, #tpu.memory_space<hbm>>
      %dma_start3A_121 = tpu.memref_slice %arg3[%add3A_119] : memref<320000xi32, #tpu.memory_space<hbm>> -> memref<80xi32, #tpu.memory_space<hbm>>
      tpu.enqueue_dma source(%dma_start3A_121 : memref<80xi32, #tpu.memory_space<hbm>>) target(%arg8 : memref<80xi32, #tpu.memory_space<vmem>>) target_semaphore(%arg14 : memref<!tpu.dma_semaphore, #tpu.memory_space<semaphore_mem>>)
      %dma_start3A_122 = tpu.memref_slice %arg4[%add3A_119] : memref<320000xi32, #tpu.memory_space<hbm>> -> memref<80xi32, #tpu.memory_space<hbm>>
      %dma_start3A_123 = tpu.memref_slice %arg4[%add3A_119] : memref<320000xi32, #tpu.memory_space<hbm>> -> memref<80xi32, #tpu.memory_space<hbm>>
      tpu.enqueue_dma source(%dma_start3A_123 : memref<80xi32, #tpu.memory_space<hbm>>) target(%arg10 : memref<80xi32, #tpu.memory_space<vmem>>) target_semaphore(%arg14 : memref<!tpu.dma_semaphore, #tpu.memory_space<semaphore_mem>>)
      %dma_start3A_124 = arith.constant 0 : i32
      %dma_start3A_125 = arith.constant 0 : i32
      %dma_start3A_126 = tpu.memref_slice %arg2[%dma_start3A_124, %dma_start3A_125] : memref<10112x128xf32, #tpu.memory_space<hbm>> -> memref<10112x128xf32, #tpu.memory_space<hbm>>
      tpu.enqueue_indirect_dma source(%dma_start3A_126 : memref<10112x128xf32, #tpu.memory_space<hbm>>) target(%arg11 : memref<80x128xf32, #tpu.memory_space<vmem>>) offsets(%arg7 : memref<80xi32, #tpu.memory_space<vmem>>) semaphore(%arg13 : memref<!tpu.dma_semaphore, #tpu.memory_space<semaphore_mem>>)
      %dma_wait3A_127 = arith.constant 0 : i32
      %dma_wait3A_128 = arith.constant 0 : i32
      %dma_wait3A_129 = tpu.memref_slice %arg2[%dma_wait3A_127, %dma_wait3A_128] : memref<10112x128xf32, #tpu.memory_space<hbm>> -> memref<10112x128xf32, #tpu.memory_space<hbm>>
      tpu.wait_indirect_dma semaphore(%arg13 : memref<!tpu.dma_semaphore, #tpu.memory_space<semaphore_mem>>) src(%dma_wait3A_129 : memref<10112x128xf32, #tpu.memory_space<hbm>>) dst(%arg11 : memref<80x128xf32, #tpu.memory_space<vmem>>)
      "tpu.region"() ({
        %run_scoped3A = tpu.sem_alloc : memref<!tpu.dma_semaphore, #tpu.memory_space<semaphore_mem>>
        %dma_start3A_130 = arith.constant 0 : i32
        %dma_start3A_131 = arith.constant 0 : i32
        %dma_start3A_132 = tpu.memref_slice %arg12[%dma_start3A_130, %dma_start3A_131] : memref<10112x128xf32, #tpu.memory_space<vmem_shared>> -> memref<10112x128xf32, #tpu.memory_space<vmem_shared>>
        tpu.enqueue_indirect_dma source(%arg11 : memref<80x128xf32, #tpu.memory_space<vmem>>) target(%dma_start3A_132 : memref<10112x128xf32, #tpu.memory_space<vmem_shared>>) offsets(%arg9 : memref<80xi32, #tpu.memory_space<vmem>>) semaphore(%run_scoped3A : memref<!tpu.dma_semaphore, #tpu.memory_space<semaphore_mem>>) {add = true}
        %dma_wait3A_133 = arith.constant 0 : i32
        %dma_wait3A_134 = arith.constant 0 : i32
        %dma_wait3A_135 = tpu.memref_slice %arg12[%dma_wait3A_133, %dma_wait3A_134] : memref<10112x128xf32, #tpu.memory_space<vmem_shared>> -> memref<10112x128xf32, #tpu.memory_space<vmem_shared>>
        tpu.wait_indirect_dma semaphore(%run_scoped3A : memref<!tpu.dma_semaphore, #tpu.memory_space<semaphore_mem>>) src(%arg11 : memref<80x128xf32, #tpu.memory_space<vmem>>) dst(%dma_wait3A_135 : memref<10112x128xf32, #tpu.memory_space<vmem_shared>>)
        tpu.yield
      }) : () -> ()
    }
    %scan3A_39 = arith.constant 61 : i32
    %dma_wait3A_40 = arith.constant 0 : i32
    %dma_wait3A_41 = tpu.memref_slice %arg3[%dma_wait3A_40] : memref<320000xi32, #tpu.memory_space<hbm>> -> memref<80xi32, #tpu.memory_space<hbm>>
    %dma_wait3A_42 = arith.constant 0 : i32
    %dma_wait3A_43 = tpu.memref_slice %arg3[%dma_wait3A_42] : memref<320000xi32, #tpu.memory_space<hbm>> -> memref<80xi32, #tpu.memory_space<hbm>>
    tpu.wait_dma2 semaphore(%arg14 : memref<!tpu.dma_semaphore, #tpu.memory_space<semaphore_mem>>) src(%dma_wait3A_43 : memref<80xi32, #tpu.memory_space<hbm>>) dst(%arg8 : memref<80xi32, #tpu.memory_space<vmem>>)
    %dma_wait3A_44 = arith.constant 0 : i32
    %dma_wait3A_45 = tpu.memref_slice %arg4[%dma_wait3A_44] : memref<320000xi32, #tpu.memory_space<hbm>> -> memref<80xi32, #tpu.memory_space<hbm>>
    %dma_wait3A_46 = arith.constant 0 : i32
    %dma_wait3A_47 = tpu.memref_slice %arg4[%dma_wait3A_46] : memref<320000xi32, #tpu.memory_space<hbm>> -> memref<80xi32, #tpu.memory_space<hbm>>
    tpu.wait_dma2 semaphore(%arg14 : memref<!tpu.dma_semaphore, #tpu.memory_space<semaphore_mem>>) src(%dma_wait3A_47 : memref<80xi32, #tpu.memory_space<hbm>>) dst(%arg10 : memref<80xi32, #tpu.memory_space<vmem>>)
    %add3A_48 = arith.constant 9920 : i32
    %add3A_49 = arith.addi %mul3A_10, %add3A_48 : i32
    %dma_start3A_50 = tpu.memref_slice %arg3[%add3A_49] : memref<320000xi32, #tpu.memory_space<hbm>> -> memref<80xi32, #tpu.memory_space<hbm>>
    %dma_start3A_51 = tpu.memref_slice %arg3[%add3A_49] : memref<320000xi32, #tpu.memory_space<hbm>> -> memref<80xi32, #tpu.memory_space<hbm>>
    tpu.enqueue_dma source(%dma_start3A_51 : memref<80xi32, #tpu.memory_space<hbm>>) target(%arg7 : memref<80xi32, #tpu.memory_space<vmem>>) target_semaphore(%arg14 : memref<!tpu.dma_semaphore, #tpu.memory_space<semaphore_mem>>)
    %dma_start3A_52 = tpu.memref_slice %arg4[%add3A_49] : memref<320000xi32, #tpu.memory_space<hbm>> -> memref<80xi32, #tpu.memory_space<hbm>>
    %dma_start3A_53 = tpu.memref_slice %arg4[%add3A_49] : memref<320000xi32, #tpu.memory_space<hbm>> -> memref<80xi32, #tpu.memory_space<hbm>>
    tpu.enqueue_dma source(%dma_start3A_53 : memref<80xi32, #tpu.memory_space<hbm>>) target(%arg9 : memref<80xi32, #tpu.memory_space<vmem>>) target_semaphore(%arg14 : memref<!tpu.dma_semaphore, #tpu.memory_space<semaphore_mem>>)
    %dma_start3A_54 = arith.constant 0 : i32
    %dma_start3A_55 = arith.constant 0 : i32
    %dma_start3A_56 = tpu.memref_slice %arg2[%dma_start3A_54, %dma_start3A_55] : memref<10112x128xf32, #tpu.memory_space<hbm>> -> memref<10112x128xf32, #tpu.memory_space<hbm>>
    tpu.enqueue_indirect_dma source(%dma_start3A_56 : memref<10112x128xf32, #tpu.memory_space<hbm>>) target(%arg11 : memref<80x128xf32, #tpu.memory_space<vmem>>) offsets(%arg8 : memref<80xi32, #tpu.memory_space<vmem>>) semaphore(%arg13 : memref<!tpu.dma_semaphore, #tpu.memory_space<semaphore_mem>>)
    %dma_wait3A_57 = arith.constant 0 : i32
    %dma_wait3A_58 = arith.constant 0 : i32
    %dma_wait3A_59 = tpu.memref_slice %arg2[%dma_wait3A_57, %dma_wait3A_58] : memref<10112x128xf32, #tpu.memory_space<hbm>> -> memref<10112x128xf32, #tpu.memory_space<hbm>>
    tpu.wait_indirect_dma semaphore(%arg13 : memref<!tpu.dma_semaphore, #tpu.memory_space<semaphore_mem>>) src(%dma_wait3A_59 : memref<10112x128xf32, #tpu.memory_space<hbm>>) dst(%arg11 : memref<80x128xf32, #tpu.memory_space<vmem>>)
    "tpu.region"() ({
      %run_scoped3A = tpu.sem_alloc : memref<!tpu.dma_semaphore, #tpu.memory_space<semaphore_mem>>
      %dma_start3A_75 = arith.constant 0 : i32
      %dma_start3A_76 = arith.constant 0 : i32
      %dma_start3A_77 = tpu.memref_slice %arg12[%dma_start3A_75, %dma_start3A_76] : memref<10112x128xf32, #tpu.memory_space<vmem_shared>> -> memref<10112x128xf32, #tpu.memory_space<vmem_shared>>
      tpu.enqueue_indirect_dma source(%arg11 : memref<80x128xf32, #tpu.memory_space<vmem>>) target(%dma_start3A_77 : memref<10112x128xf32, #tpu.memory_space<vmem_shared>>) offsets(%arg10 : memref<80xi32, #tpu.memory_space<vmem>>) semaphore(%run_scoped3A : memref<!tpu.dma_semaphore, #tpu.memory_space<semaphore_mem>>) {add = true}
      %dma_wait3A_78 = arith.constant 0 : i32
      %dma_wait3A_79 = arith.constant 0 : i32
      %dma_wait3A_80 = tpu.memref_slice %arg12[%dma_wait3A_78, %dma_wait3A_79] : memref<10112x128xf32, #tpu.memory_space<vmem_shared>> -> memref<10112x128xf32, #tpu.memory_space<vmem_shared>>
      tpu.wait_indirect_dma semaphore(%run_scoped3A : memref<!tpu.dma_semaphore, #tpu.memory_space<semaphore_mem>>) src(%arg11 : memref<80x128xf32, #tpu.memory_space<vmem>>) dst(%dma_wait3A_80 : memref<10112x128xf32, #tpu.memory_space<vmem_shared>>)
      tpu.yield
    }) : () -> ()
    %dma_wait3A_60 = arith.constant 0 : i32
    %dma_wait3A_61 = tpu.memref_slice %arg3[%dma_wait3A_60] : memref<320000xi32, #tpu.memory_space<hbm>> -> memref<80xi32, #tpu.memory_space<hbm>>
    %dma_wait3A_62 = arith.constant 0 : i32
    %dma_wait3A_63 = tpu.memref_slice %arg3[%dma_wait3A_62] : memref<320000xi32, #tpu.memory_space<hbm>> -> memref<80xi32, #tpu.memory_space<hbm>>
    tpu.wait_dma2 semaphore(%arg14 : memref<!tpu.dma_semaphore, #tpu.memory_space<semaphore_mem>>) src(%dma_wait3A_63 : memref<80xi32, #tpu.memory_space<hbm>>) dst(%arg7 : memref<80xi32, #tpu.memory_space<vmem>>)
    %dma_wait3A_64 = arith.constant 0 : i32
    %dma_wait3A_65 = tpu.memref_slice %arg4[%dma_wait3A_64] : memref<320000xi32, #tpu.memory_space<hbm>> -> memref<80xi32, #tpu.memory_space<hbm>>
    %dma_wait3A_66 = arith.constant 0 : i32
    %dma_wait3A_67 = tpu.memref_slice %arg4[%dma_wait3A_66] : memref<320000xi32, #tpu.memory_space<hbm>> -> memref<80xi32, #tpu.memory_space<hbm>>
    tpu.wait_dma2 semaphore(%arg14 : memref<!tpu.dma_semaphore, #tpu.memory_space<semaphore_mem>>) src(%dma_wait3A_67 : memref<80xi32, #tpu.memory_space<hbm>>) dst(%arg9 : memref<80xi32, #tpu.memory_space<vmem>>)
    %dma_start3A_68 = arith.constant 0 : i32
    %dma_start3A_69 = arith.constant 0 : i32
    %dma_start3A_70 = tpu.memref_slice %arg2[%dma_start3A_68, %dma_start3A_69] : memref<10112x128xf32, #tpu.memory_space<hbm>> -> memref<10112x128xf32, #tpu.memory_space<hbm>>
    tpu.enqueue_indirect_dma source(%dma_start3A_70 : memref<10112x128xf32, #tpu.memory_space<hbm>>) target(%arg11 : memref<80x128xf32, #tpu.memory_space<vmem>>) offsets(%arg7 : memref<80xi32, #tpu.memory_space<vmem>>) semaphore(%arg13 : memref<!tpu.dma_semaphore, #tpu.memory_space<semaphore_mem>>)
    %dma_wait3A_71 = arith.constant 0 : i32
    %dma_wait3A_72 = arith.constant 0 : i32
    %dma_wait3A_73 = tpu.memref_slice %arg2[%dma_wait3A_71, %dma_wait3A_72] : memref<10112x128xf32, #tpu.memory_space<hbm>> -> memref<10112x128xf32, #tpu.memory_space<hbm>>
    tpu.wait_indirect_dma semaphore(%arg13 : memref<!tpu.dma_semaphore, #tpu.memory_space<semaphore_mem>>) src(%dma_wait3A_73 : memref<10112x128xf32, #tpu.memory_space<hbm>>) dst(%arg11 : memref<80x128xf32, #tpu.memory_space<vmem>>)
    "tpu.region"() ({
      %run_scoped3A = tpu.sem_alloc : memref<!tpu.dma_semaphore, #tpu.memory_space<semaphore_mem>>
      %dma_start3A_75 = arith.constant 0 : i32
      %dma_start3A_76 = arith.constant 0 : i32
      %dma_start3A_77 = tpu.memref_slice %arg12[%dma_start3A_75, %dma_start3A_76] : memref<10112x128xf32, #tpu.memory_space<vmem_shared>> -> memref<10112x128xf32, #tpu.memory_space<vmem_shared>>
      tpu.enqueue_indirect_dma source(%arg11 : memref<80x128xf32, #tpu.memory_space<vmem>>) target(%dma_start3A_77 : memref<10112x128xf32, #tpu.memory_space<vmem_shared>>) offsets(%arg9 : memref<80xi32, #tpu.memory_space<vmem>>) semaphore(%run_scoped3A : memref<!tpu.dma_semaphore, #tpu.memory_space<semaphore_mem>>) {add = true}
      %dma_wait3A_78 = arith.constant 0 : i32
      %dma_wait3A_79 = arith.constant 0 : i32
      %dma_wait3A_80 = tpu.memref_slice %arg12[%dma_wait3A_78, %dma_wait3A_79] : memref<10112x128xf32, #tpu.memory_space<vmem_shared>> -> memref<10112x128xf32, #tpu.memory_space<vmem_shared>>
      tpu.wait_indirect_dma semaphore(%run_scoped3A : memref<!tpu.dma_semaphore, #tpu.memory_space<semaphore_mem>>) src(%arg11 : memref<80x128xf32, #tpu.memory_space<vmem>>) dst(%dma_wait3A_80 : memref<10112x128xf32, #tpu.memory_space<vmem_shared>>)
      tpu.yield
    }) : () -> ()
    %barrier3A_74 = arith.constant 0 : index
    tpu.barrier barrier_id(%barrier3A_74)
    "tpu.region"() ({
      %run_scoped3A = tpu.sem_alloc : memref<!tpu.dma_semaphore, #tpu.memory_space<semaphore_mem>>
      %dma_start3A_75 = arith.constant 0 : i32
      %dma_start3A_76 = tpu.memref_slice %arg6[%arg0, %mul3A_2, %dma_start3A_75] : memref<2x10112x128xf32, #tpu.memory_space<hbm>> -> memref<1x632x128xf32, #tpu.memory_space<hbm>>
      %dma_start3A_77 = tpu.memref_squeeze %dma_start3A_76 : memref<1x632x128xf32, #tpu.memory_space<hbm>> -> memref<632x128xf32, #tpu.memory_space<hbm>>
      %dma_start3A_78 = arith.constant 0 : i32
      %dma_start3A_79 = tpu.memref_slice %arg12[%mul3A_2, %dma_start3A_78] : memref<10112x128xf32, #tpu.memory_space<vmem_shared>> -> memref<632x128xf32, #tpu.memory_space<vmem_shared>>
      tpu.enqueue_dma source(%dma_start3A_79 : memref<632x128xf32, #tpu.memory_space<vmem_shared>>) target(%dma_start3A_77 : memref<632x128xf32, #tpu.memory_space<hbm>>) target_semaphore(%run_scoped3A : memref<!tpu.dma_semaphore, #tpu.memory_space<semaphore_mem>>)
      %dma_wait3A_80 = arith.constant 0 : i32
      %dma_wait3A_81 = tpu.memref_slice %arg6[%arg0, %mul3A_2, %dma_wait3A_80] : memref<2x10112x128xf32, #tpu.memory_space<hbm>> -> memref<1x632x128xf32, #tpu.memory_space<hbm>>
      %dma_wait3A_82 = tpu.memref_squeeze %dma_wait3A_81 : memref<1x632x128xf32, #tpu.memory_space<hbm>> -> memref<632x128xf32, #tpu.memory_space<hbm>>
      %dma_wait3A_83 = arith.constant 0 : i32
      %dma_wait3A_84 = tpu.memref_slice %arg12[%mul3A_2, %dma_wait3A_83] : memref<10112x128xf32, #tpu.memory_space<vmem_shared>> -> memref<632x128xf32, #tpu.memory_space<vmem_shared>>
      tpu.wait_dma2 semaphore(%run_scoped3A : memref<!tpu.dma_semaphore, #tpu.memory_space<semaphore_mem>>) src(%dma_wait3A_84 : memref<632x128xf32, #tpu.memory_space<vmem_shared>>) dst(%dma_wait3A_82 : memref<632x128xf32, #tpu.memory_space<hbm>>)
      tpu.yield
    }) : () -> ()
    return
  }
}

#map = affine_map<(d0, d1) -> (0, 0)>
#map1 = affine_map<(d0, d1) -> (0)>
#map2 = affine_map<(d0, d1) -> (0, 0, 0)>
module attributes {stable_mosaic.version = 14 : i64} {
  func.func @k(%arg0: i32, %arg1: i32, %arg2: memref<10112x128xf32, #tpu.memory_space<hbm>>, %arg3: memref<320000xi32, #tpu.memory_space<hbm>>, %arg4: memref<320000xi32, #tpu.memory_space<hbm>>, %arg5: memref<10112x128xf32, #tpu.memory_space<hbm>>, %arg6: memref<2x10112x128xf32, #tpu.memory_space<hbm>>, %arg7: memref<80xi32, #tpu.memory_space<vmem>>, %arg8: memref<80xi32, #tpu.memory_space<vmem>>, %arg9: memref<80xi32, #tpu.memory_space<vmem>>, %arg10: memref<80xi32, #tpu.memory_space<vmem>>, %arg11: memref<80x128xf32, #tpu.memory_space<vmem>>, %arg12: memref<10112x128xf32, #tpu.memory_space<vmem_shared>>, %arg13: memref<!tpu.dma_semaphore, #tpu.memory_space<semaphore_mem>>, %arg14: memref<!tpu.dma_semaphore, #tpu.memory_space<semaphore_mem>>) attributes {dimension_semantics = [#tpu.dimension_semantics<core_parallel>, #tpu.dimension_semantics<subcore_parallel>], iteration_bounds = array<i64: 2, 16>, scalar_prefetch = 0 : i64, scratch_operands = 8 : i64, tpu.core_type = #tpu.core_type<sc_vector_subcore>, window_params = [{transform_indices = #map}, {transform_indices = #map1}, {transform_indices = #map1}, {transform_indices = #map}, {transform_indices = #map2}]} {
    %mul3A = arith.constant 16 : i32
    %mul3A_0 = arith.muli %arg0, %mul3A : i32
    %add3A = arith.addi %mul3A_0, %arg1 : i32
    %mul3A_1 = arith.constant 632 : i32
    %mul3A_2 = arith.muli %arg1, %mul3A_1 : i32
    %eq3A = arith.constant 0 : i32
    %eq3A_3 = arith.cmpi eq, %arg0, %eq3A : i32
    %convert_element_type3A = arith.extui %eq3A_3 : i1 to i32
    %cond3A = arith.constant 0 : i32
    %cond3A_4 = arith.cmpi ne, %convert_element_type3A, %cond3A : i32
    scf.if %cond3A_4 {
      "tpu.region"() ({
        %run_scoped3A = tpu.sem_alloc : memref<!tpu.dma_semaphore, #tpu.memory_space<semaphore_mem>>
        %dma_start3A_75 = arith.constant 0 : i32
        %dma_start3A_76 = tpu.memref_slice %arg12[%mul3A_2, %dma_start3A_75] : memref<10112x128xf32, #tpu.memory_space<vmem_shared>> -> memref<632x128xf32, #tpu.memory_space<vmem_shared>>
        %dma_start3A_77 = arith.constant 0 : i32
        %dma_start3A_78 = tpu.memref_slice %arg2[%mul3A_2, %dma_start3A_77] : memref<10112x128xf32, #tpu.memory_space<hbm>> -> memref<632x128xf32, #tpu.memory_space<hbm>>
        tpu.enqueue_dma source(%dma_start3A_78 : memref<632x128xf32, #tpu.memory_space<hbm>>) target(%dma_start3A_76 : memref<632x128xf32, #tpu.memory_space<vmem_shared>>) target_semaphore(%run_scoped3A : memref<!tpu.dma_semaphore, #tpu.memory_space<semaphore_mem>>)
        %dma_wait3A_79 = arith.constant 0 : i32
        %dma_wait3A_80 = tpu.memref_slice %arg12[%mul3A_2, %dma_wait3A_79] : memref<10112x128xf32, #tpu.memory_space<vmem_shared>> -> memref<632x128xf32, #tpu.memory_space<vmem_shared>>
        %dma_wait3A_81 = arith.constant 0 : i32
        %dma_wait3A_82 = tpu.memref_slice %arg2[%mul3A_2, %dma_wait3A_81] : memref<10112x128xf32, #tpu.memory_space<hbm>> -> memref<632x128xf32, #tpu.memory_space<hbm>>
        tpu.wait_dma2 semaphore(%run_scoped3A : memref<!tpu.dma_semaphore, #tpu.memory_space<semaphore_mem>>) src(%dma_wait3A_82 : memref<632x128xf32, #tpu.memory_space<hbm>>) dst(%dma_wait3A_80 : memref<632x128xf32, #tpu.memory_space<vmem_shared>>)
        tpu.yield
      }) : () -> ()
    } else {
    }
    %ne3A = arith.constant 0 : i32
    %ne3A_5 = arith.cmpi ne, %arg0, %ne3A : i32
    %convert_element_type3A_6 = arith.extui %ne3A_5 : i1 to i32
    %cond3A_7 = arith.constant 0 : i32
    %cond3A_8 = arith.cmpi ne, %convert_element_type3A_6, %cond3A_7 : i32
    scf.if %cond3A_8 {
      "tpu.region"() ({
        %run_scoped3A = tpu.sem_alloc : memref<!tpu.dma_semaphore, #tpu.memory_space<semaphore_mem>>
        %dma_start3A_75 = arith.constant 0 : i32
        %dma_start3A_76 = tpu.memref_slice %arg12[%mul3A_2, %dma_start3A_75] : memref<10112x128xf32, #tpu.memory_space<vmem_shared>> -> memref<632x128xf32, #tpu.memory_space<vmem_shared>>
        %dma_start3A_77 = arith.constant 0 : i32
        %dma_start3A_78 = tpu.memref_slice %arg5[%mul3A_2, %dma_start3A_77] : memref<10112x128xf32, #tpu.memory_space<hbm>> -> memref<632x128xf32, #tpu.memory_space<hbm>>
        tpu.enqueue_dma source(%dma_start3A_78 : memref<632x128xf32, #tpu.memory_space<hbm>>) target(%dma_start3A_76 : memref<632x128xf32, #tpu.memory_space<vmem_shared>>) target_semaphore(%run_scoped3A : memref<!tpu.dma_semaphore, #tpu.memory_space<semaphore_mem>>)
        %dma_wait3A_79 = arith.constant 0 : i32
        %dma_wait3A_80 = tpu.memref_slice %arg12[%mul3A_2, %dma_wait3A_79] : memref<10112x128xf32, #tpu.memory_space<vmem_shared>> -> memref<632x128xf32, #tpu.memory_space<vmem_shared>>
        %dma_wait3A_81 = arith.constant 0 : i32
        %dma_wait3A_82 = tpu.memref_slice %arg5[%mul3A_2, %dma_wait3A_81] : memref<10112x128xf32, #tpu.memory_space<hbm>> -> memref<632x128xf32, #tpu.memory_space<hbm>>
        tpu.wait_dma2 semaphore(%run_scoped3A : memref<!tpu.dma_semaphore, #tpu.memory_space<semaphore_mem>>) src(%dma_wait3A_82 : memref<632x128xf32, #tpu.memory_space<hbm>>) dst(%dma_wait3A_80 : memref<632x128xf32, #tpu.memory_space<vmem_shared>>)
        tpu.yield
      }) : () -> ()
    } else {
    }
    %barrier3A = arith.constant 0 : index
    tpu.barrier barrier_id(%barrier3A)
    %mul3A_9 = arith.constant 10000 : i32
    %mul3A_10 = arith.muli %add3A, %mul3A_9 : i32
    %add3A_11 = arith.constant 0 : i32
    %add3A_12 = arith.addi %mul3A_10, %add3A_11 : i32
    %dma_start3A = tpu.memref_slice %arg3[%add3A_12] : memref<320000xi32, #tpu.memory_space<hbm>> -> memref<80xi32, #tpu.memory_space<hbm>>
    %dma_start3A_13 = tpu.memref_slice %arg3[%add3A_12] : memref<320000xi32, #tpu.memory_space<hbm>> -> memref<80xi32, #tpu.memory_space<hbm>>
    tpu.enqueue_dma source(%dma_start3A_13 : memref<80xi32, #tpu.memory_space<hbm>>) target(%arg7 : memref<80xi32, #tpu.memory_space<vmem>>) target_semaphore(%arg14 : memref<!tpu.dma_semaphore, #tpu.memory_space<semaphore_mem>>)
    %dma_start3A_14 = tpu.memref_slice %arg4[%add3A_12] : memref<320000xi32, #tpu.memory_space<hbm>> -> memref<80xi32, #tpu.memory_space<hbm>>
    %dma_start3A_15 = tpu.memref_slice %arg4[%add3A_12] : memref<320000xi32, #tpu.memory_space<hbm>> -> memref<80xi32, #tpu.memory_space<hbm>>
    tpu.enqueue_dma source(%dma_start3A_15 : memref<80xi32, #tpu.memory_space<hbm>>) target(%arg9 : memref<80xi32, #tpu.memory_space<vmem>>) target_semaphore(%arg14 : memref<!tpu.dma_semaphore, #tpu.memory_space<semaphore_mem>>)
    %dma_wait3A = arith.constant 0 : i32
    %dma_wait3A_16 = tpu.memref_slice %arg3[%dma_wait3A] : memref<320000xi32, #tpu.memory_space<hbm>> -> memref<80xi32, #tpu.memory_space<hbm>>
    %dma_wait3A_17 = arith.constant 0 : i32
    %dma_wait3A_18 = tpu.memref_slice %arg3[%dma_wait3A_17] : memref<320000xi32, #tpu.memory_space<hbm>> -> memref<80xi32, #tpu.memory_space<hbm>>
    tpu.wait_dma2 semaphore(%arg14 : memref<!tpu.dma_semaphore, #tpu.memory_space<semaphore_mem>>) src(%dma_wait3A_18 : memref<80xi32, #tpu.memory_space<hbm>>) dst(%arg7 : memref<80xi32, #tpu.memory_space<vmem>>)
    %dma_wait3A_19 = arith.constant 0 : i32
    %dma_wait3A_20 = tpu.memref_slice %arg4[%dma_wait3A_19] : memref<320000xi32, #tpu.memory_space<hbm>> -> memref<80xi32, #tpu.memory_space<hbm>>
    %dma_wait3A_21 = arith.constant 0 : i32
    %dma_wait3A_22 = tpu.memref_slice %arg4[%dma_wait3A_21] : memref<320000xi32, #tpu.memory_space<hbm>> -> memref<80xi32, #tpu.memory_space<hbm>>
    tpu.wait_dma2 semaphore(%arg14 : memref<!tpu.dma_semaphore, #tpu.memory_space<semaphore_mem>>) src(%dma_wait3A_22 : memref<80xi32, #tpu.memory_space<hbm>>) dst(%arg9 : memref<80xi32, #tpu.memory_space<vmem>>)
    %add3A_23 = arith.constant 80 : i32
    %add3A_24 = arith.addi %mul3A_10, %add3A_23 : i32
    %dma_start3A_25 = tpu.memref_slice %arg3[%add3A_24] : memref<320000xi32, #tpu.memory_space<hbm>> -> memref<80xi32, #tpu.memory_space<hbm>>
    %dma_start3A_26 = tpu.memref_slice %arg3[%add3A_24] : memref<320000xi32, #tpu.memory_space<hbm>> -> memref<80xi32, #tpu.memory_space<hbm>>
    tpu.enqueue_dma source(%dma_start3A_26 : memref<80xi32, #tpu.memory_space<hbm>>) target(%arg8 : memref<80xi32, #tpu.memory_space<vmem>>) target_semaphore(%arg14 : memref<!tpu.dma_semaphore, #tpu.memory_space<semaphore_mem>>)
    %dma_start3A_27 = tpu.memref_slice %arg4[%add3A_24] : memref<320000xi32, #tpu.memory_space<hbm>> -> memref<80xi32, #tpu.memory_space<hbm>>
    %dma_start3A_28 = tpu.memref_slice %arg4[%add3A_24] : memref<320000xi32, #tpu.memory_space<hbm>> -> memref<80xi32, #tpu.memory_space<hbm>>
    tpu.enqueue_dma source(%dma_start3A_28 : memref<80xi32, #tpu.memory_space<hbm>>) target(%arg10 : memref<80xi32, #tpu.memory_space<vmem>>) target_semaphore(%arg14 : memref<!tpu.dma_semaphore, #tpu.memory_space<semaphore_mem>>)
    %dma_start3A_29 = arith.constant 0 : i32
    %dma_start3A_30 = arith.constant 0 : i32
    %dma_start3A_31 = tpu.memref_slice %arg2[%dma_start3A_29, %dma_start3A_30] : memref<10112x128xf32, #tpu.memory_space<hbm>> -> memref<10112x128xf32, #tpu.memory_space<hbm>>
    tpu.enqueue_indirect_dma source(%dma_start3A_31 : memref<10112x128xf32, #tpu.memory_space<hbm>>) target(%arg11 : memref<80x128xf32, #tpu.memory_space<vmem>>) offsets(%arg7 : memref<80xi32, #tpu.memory_space<vmem>>) semaphore(%arg13 : memref<!tpu.dma_semaphore, #tpu.memory_space<semaphore_mem>>)
    %dma_wait3A_32 = arith.constant 0 : i32
    %dma_wait3A_33 = arith.constant 0 : i32
    %dma_wait3A_34 = tpu.memref_slice %arg2[%dma_wait3A_32, %dma_wait3A_33] : memref<10112x128xf32, #tpu.memory_space<hbm>> -> memref<10112x128xf32, #tpu.memory_space<hbm>>
    tpu.wait_indirect_dma semaphore(%arg13 : memref<!tpu.dma_semaphore, #tpu.memory_space<semaphore_mem>>) src(%dma_wait3A_34 : memref<10112x128xf32, #tpu.memory_space<hbm>>) dst(%arg11 : memref<80x128xf32, #tpu.memory_space<vmem>>)
    "tpu.region"() ({
      %run_scoped3A = tpu.sem_alloc : memref<!tpu.dma_semaphore, #tpu.memory_space<semaphore_mem>>
      %dma_start3A_75 = arith.constant 0 : i32
      %dma_start3A_76 = arith.constant 0 : i32
      %dma_start3A_77 = tpu.memref_slice %arg12[%dma_start3A_75, %dma_start3A_76] : memref<10112x128xf32, #tpu.memory_space<vmem_shared>> -> memref<10112x128xf32, #tpu.memory_space<vmem_shared>>
      tpu.enqueue_indirect_dma source(%arg11 : memref<80x128xf32, #tpu.memory_space<vmem>>) target(%dma_start3A_77 : memref<10112x128xf32, #tpu.memory_space<vmem_shared>>) offsets(%arg9 : memref<80xi32, #tpu.memory_space<vmem>>) semaphore(%run_scoped3A : memref<!tpu.dma_semaphore, #tpu.memory_space<semaphore_mem>>) {add = true}
      %dma_wait3A_78 = arith.constant 0 : i32
      %dma_wait3A_79 = arith.constant 0 : i32
      %dma_wait3A_80 = tpu.memref_slice %arg12[%dma_wait3A_78, %dma_wait3A_79] : memref<10112x128xf32, #tpu.memory_space<vmem_shared>> -> memref<10112x128xf32, #tpu.memory_space<vmem_shared>>
      tpu.wait_indirect_dma semaphore(%run_scoped3A : memref<!tpu.dma_semaphore, #tpu.memory_space<semaphore_mem>>) src(%arg11 : memref<80x128xf32, #tpu.memory_space<vmem>>) dst(%dma_wait3A_80 : memref<10112x128xf32, #tpu.memory_space<vmem_shared>>)
      tpu.yield
    }) : () -> ()
    %scan3A = arith.constant 0 : i32
    %scan3A_35 = arith.constant 0 : i32
    %scan3A_36 = arith.constant 61 : i32
    %scan3A_37 = arith.addi %scan3A_35, %scan3A_36 : i32
    %scan3A_38 = arith.constant 1 : i32
    scf.for %scan3A_75 = %scan3A_35 to %scan3A_37 step %scan3A_38  : i32 {
      %mul3A_76 = arith.constant 2 : i32
      %mul3A_77 = arith.muli %mul3A_76, %scan3A_75 : i32
      %add3A_78 = arith.constant 1 : i32
      %add3A_79 = arith.addi %mul3A_77, %add3A_78 : i32
      %dma_wait3A_80 = arith.constant 0 : i32
      %dma_wait3A_81 = tpu.memref_slice %arg3[%dma_wait3A_80] : memref<320000xi32, #tpu.memory_space<hbm>> -> memref<80xi32, #tpu.memory_space<hbm>>
      %dma_wait3A_82 = arith.constant 0 : i32
      %dma_wait3A_83 = tpu.memref_slice %arg3[%dma_wait3A_82] : memref<320000xi32, #tpu.memory_space<hbm>> -> memref<80xi32, #tpu.memory_space<hbm>>
      tpu.wait_dma2 semaphore(%arg14 : memref<!tpu.dma_semaphore, #tpu.memory_space<semaphore_mem>>) src(%dma_wait3A_83 : memref<80xi32, #tpu.memory_space<hbm>>) dst(%arg8 : memref<80xi32, #tpu.memory_space<vmem>>)
      %dma_wait3A_84 = arith.constant 0 : i32
      %dma_wait3A_85 = tpu.memref_slice %arg4[%dma_wait3A_84] : memref<320000xi32, #tpu.memory_space<hbm>> -> memref<80xi32, #tpu.memory_space<hbm>>
      %dma_wait3A_86 = arith.constant 0 : i32
      %dma_wait3A_87 = tpu.memref_slice %arg4[%dma_wait3A_86] : memref<320000xi32, #tpu.memory_space<hbm>> -> memref<80xi32, #tpu.memory_space<hbm>>
      tpu.wait_dma2 semaphore(%arg14 : memref<!tpu.dma_semaphore, #tpu.memory_space<semaphore_mem>>) src(%dma_wait3A_87 : memref<80xi32, #tpu.memory_space<hbm>>) dst(%arg10 : memref<80xi32, #tpu.memory_space<vmem>>)
      %add3A_88 = arith.constant 1 : i32
      %add3A_89 = arith.addi %add3A_79, %add3A_88 : i32
      %mul3A_90 = arith.constant 80 : i32
      %mul3A_91 = arith.muli %add3A_89, %mul3A_90 : i32
      %add3A_92 = arith.addi %mul3A_10, %mul3A_91 : i32
      %dma_start3A_93 = tpu.memref_slice %arg3[%add3A_92] : memref<320000xi32, #tpu.memory_space<hbm>> -> memref<80xi32, #tpu.memory_space<hbm>>
      %dma_start3A_94 = tpu.memref_slice %arg3[%add3A_92] : memref<320000xi32, #tpu.memory_space<hbm>> -> memref<80xi32, #tpu.memory_space<hbm>>
      tpu.enqueue_dma source(%dma_start3A_94 : memref<80xi32, #tpu.memory_space<hbm>>) target(%arg7 : memref<80xi32, #tpu.memory_space<vmem>>) target_semaphore(%arg14 : memref<!tpu.dma_semaphore, #tpu.memory_space<semaphore_mem>>)
      %dma_start3A_95 = tpu.memref_slice %arg4[%add3A_92] : memref<320000xi32, #tpu.memory_space<hbm>> -> memref<80xi32, #tpu.memory_space<hbm>>
      %dma_start3A_96 = tpu.memref_slice %arg4[%add3A_92] : memref<320000xi32, #tpu.memory_space<hbm>> -> memref<80xi32, #tpu.memory_space<hbm>>
      tpu.enqueue_dma source(%dma_start3A_96 : memref<80xi32, #tpu.memory_space<hbm>>) target(%arg9 : memref<80xi32, #tpu.memory_space<vmem>>) target_semaphore(%arg14 : memref<!tpu.dma_semaphore, #tpu.memory_space<semaphore_mem>>)
      %dma_start3A_97 = arith.constant 0 : i32
      %dma_start3A_98 = arith.constant 0 : i32
      %dma_start3A_99 = tpu.memref_slice %arg2[%dma_start3A_97, %dma_start3A_98] : memref<10112x128xf32, #tpu.memory_space<hbm>> -> memref<10112x128xf32, #tpu.memory_space<hbm>>
      tpu.enqueue_indirect_dma source(%dma_start3A_99 : memref<10112x128xf32, #tpu.memory_space<hbm>>) target(%arg11 : memref<80x128xf32, #tpu.memory_space<vmem>>) offsets(%arg8 : memref<80xi32, #tpu.memory_space<vmem>>) semaphore(%arg13 : memref<!tpu.dma_semaphore, #tpu.memory_space<semaphore_mem>>)
      %dma_wait3A_100 = arith.constant 0 : i32
      %dma_wait3A_101 = arith.constant 0 : i32
      %dma_wait3A_102 = tpu.memref_slice %arg2[%dma_wait3A_100, %dma_wait3A_101] : memref<10112x128xf32, #tpu.memory_space<hbm>> -> memref<10112x128xf32, #tpu.memory_space<hbm>>
      tpu.wait_indirect_dma semaphore(%arg13 : memref<!tpu.dma_semaphore, #tpu.memory_space<semaphore_mem>>) src(%dma_wait3A_102 : memref<10112x128xf32, #tpu.memory_space<hbm>>) dst(%arg11 : memref<80x128xf32, #tpu.memory_space<vmem>>)
      "tpu.region"() ({
        %run_scoped3A = tpu.sem_alloc : memref<!tpu.dma_semaphore, #tpu.memory_space<semaphore_mem>>
        %dma_start3A_130 = arith.constant 0 : i32
        %dma_start3A_131 = arith.constant 0 : i32
        %dma_start3A_132 = tpu.memref_slice %arg12[%dma_start3A_130, %dma_start3A_131] : memref<10112x128xf32, #tpu.memory_space<vmem_shared>> -> memref<10112x128xf32, #tpu.memory_space<vmem_shared>>
        tpu.enqueue_indirect_dma source(%arg11 : memref<80x128xf32, #tpu.memory_space<vmem>>) target(%dma_start3A_132 : memref<10112x128xf32, #tpu.memory_space<vmem_shared>>) offsets(%arg10 : memref<80xi32, #tpu.memory_space<vmem>>) semaphore(%run_scoped3A : memref<!tpu.dma_semaphore, #tpu.memory_space<semaphore_mem>>) {add = true}
        %dma_wait3A_133 = arith.constant 0 : i32
        %dma_wait3A_134 = arith.constant 0 : i32
        %dma_wait3A_135 = tpu.memref_slice %arg12[%dma_wait3A_133, %dma_wait3A_134] : memref<10112x128xf32, #tpu.memory_space<vmem_shared>> -> memref<10112x128xf32, #tpu.memory_space<vmem_shared>>
        tpu.wait_indirect_dma semaphore(%run_scoped3A : memref<!tpu.dma_semaphore, #tpu.memory_space<semaphore_mem>>) src(%arg11 : memref<80x128xf32, #tpu.memory_space<vmem>>) dst(%dma_wait3A_135 : memref<10112x128xf32, #tpu.memory_space<vmem_shared>>)
        tpu.yield
      }) : () -> ()
      %mul3A_103 = arith.constant 2 : i32
      %mul3A_104 = arith.muli %mul3A_103, %scan3A_75 : i32
      %add3A_105 = arith.constant 2 : i32
      %add3A_106 = arith.addi %mul3A_104, %add3A_105 : i32
      %dma_wait3A_107 = arith.constant 0 : i32
      %dma_wait3A_108 = tpu.memref_slice %arg3[%dma_wait3A_107] : memref<320000xi32, #tpu.memory_space<hbm>> -> memref<80xi32, #tpu.memory_space<hbm>>
      %dma_wait3A_109 = arith.constant 0 : i32
      %dma_wait3A_110 = tpu.memref_slice %arg3[%dma_wait3A_109] : memref<320000xi32, #tpu.memory_space<hbm>> -> memref<80xi32, #tpu.memory_space<hbm>>
      tpu.wait_dma2 semaphore(%arg14 : memref<!tpu.dma_semaphore, #tpu.memory_space<semaphore_mem>>) src(%dma_wait3A_110 : memref<80xi32, #tpu.memory_space<hbm>>) dst(%arg7 : memref<80xi32, #tpu.memory_space<vmem>>)
      %dma_wait3A_111 = arith.constant 0 : i32
      %dma_wait3A_112 = tpu.memref_slice %arg4[%dma_wait3A_111] : memref<320000xi32, #tpu.memory_space<hbm>> -> memref<80xi32, #tpu.memory_space<hbm>>
      %dma_wait3A_113 = arith.constant 0 : i32
      %dma_wait3A_114 = tpu.memref_slice %arg4[%dma_wait3A_113] : memref<320000xi32, #tpu.memory_space<hbm>> -> memref<80xi32, #tpu.memory_space<hbm>>
      tpu.wait_dma2 semaphore(%arg14 : memref<!tpu.dma_semaphore, #tpu.memory_space<semaphore_mem>>) src(%dma_wait3A_114 : memref<80xi32, #tpu.memory_space<hbm>>) dst(%arg9 : memref<80xi32, #tpu.memory_space<vmem>>)
      %add3A_115 = arith.constant 1 : i32
      %add3A_116 = arith.addi %add3A_106, %add3A_115 : i32
      %mul3A_117 = arith.constant 80 : i32
      %mul3A_118 = arith.muli %add3A_116, %mul3A_117 : i32
      %add3A_119 = arith.addi %mul3A_10, %mul3A_118 : i32
      %dma_start3A_120 = tpu.memref_slice %arg3[%add3A_119] : memref<320000xi32, #tpu.memory_space<hbm>> -> memref<80xi32, #tpu.memory_space<hbm>>
      %dma_start3A_121 = tpu.memref_slice %arg3[%add3A_119] : memref<320000xi32, #tpu.memory_space<hbm>> -> memref<80xi32, #tpu.memory_space<hbm>>
      tpu.enqueue_dma source(%dma_start3A_121 : memref<80xi32, #tpu.memory_space<hbm>>) target(%arg8 : memref<80xi32, #tpu.memory_space<vmem>>) target_semaphore(%arg14 : memref<!tpu.dma_semaphore, #tpu.memory_space<semaphore_mem>>)
      %dma_start3A_122 = tpu.memref_slice %arg4[%add3A_119] : memref<320000xi32, #tpu.memory_space<hbm>> -> memref<80xi32, #tpu.memory_space<hbm>>
      %dma_start3A_123 = tpu.memref_slice %arg4[%add3A_119] : memref<320000xi32, #tpu.memory_space<hbm>> -> memref<80xi32, #tpu.memory_space<hbm>>
      tpu.enqueue_dma source(%dma_start3A_123 : memref<80xi32, #tpu.memory_space<hbm>>) target(%arg10 : memref<80xi32, #tpu.memory_space<vmem>>) target_semaphore(%arg14 : memref<!tpu.dma_semaphore, #tpu.memory_space<semaphore_mem>>)
      %dma_start3A_124 = arith.constant 0 : i32
      %dma_start3A_125 = arith.constant 0 : i32
      %dma_start3A_126 = tpu.memref_slice %arg2[%dma_start3A_124, %dma_start3A_125] : memref<10112x128xf32, #tpu.memory_space<hbm>> -> memref<10112x128xf32, #tpu.memory_space<hbm>>
      tpu.enqueue_indirect_dma source(%dma_start3A_126 : memref<10112x128xf32, #tpu.memory_space<hbm>>) target(%arg11 : memref<80x128xf32, #tpu.memory_space<vmem>>) offsets(%arg7 : memref<80xi32, #tpu.memory_space<vmem>>) semaphore(%arg13 : memref<!tpu.dma_semaphore, #tpu.memory_space<semaphore_mem>>)
      %dma_wait3A_127 = arith.constant 0 : i32
      %dma_wait3A_128 = arith.constant 0 : i32
      %dma_wait3A_129 = tpu.memref_slice %arg2[%dma_wait3A_127, %dma_wait3A_128] : memref<10112x128xf32, #tpu.memory_space<hbm>> -> memref<10112x128xf32, #tpu.memory_space<hbm>>
      tpu.wait_indirect_dma semaphore(%arg13 : memref<!tpu.dma_semaphore, #tpu.memory_space<semaphore_mem>>) src(%dma_wait3A_129 : memref<10112x128xf32, #tpu.memory_space<hbm>>) dst(%arg11 : memref<80x128xf32, #tpu.memory_space<vmem>>)
      "tpu.region"() ({
        %run_scoped3A = tpu.sem_alloc : memref<!tpu.dma_semaphore, #tpu.memory_space<semaphore_mem>>
        %dma_start3A_130 = arith.constant 0 : i32
        %dma_start3A_131 = arith.constant 0 : i32
        %dma_start3A_132 = tpu.memref_slice %arg12[%dma_start3A_130, %dma_start3A_131] : memref<10112x128xf32, #tpu.memory_space<vmem_shared>> -> memref<10112x128xf32, #tpu.memory_space<vmem_shared>>
        tpu.enqueue_indirect_dma source(%arg11 : memref<80x128xf32, #tpu.memory_space<vmem>>) target(%dma_start3A_132 : memref<10112x128xf32, #tpu.memory_space<vmem_shared>>) offsets(%arg9 : memref<80xi32, #tpu.memory_space<vmem>>) semaphore(%run_scoped3A : memref<!tpu.dma_semaphore, #tpu.memory_space<semaphore_mem>>) {add = true}
        %dma_wait3A_133 = arith.constant 0 : i32
        %dma_wait3A_134 = arith.constant 0 : i32
        %dma_wait3A_135 = tpu.memref_slice %arg12[%dma_wait3A_133, %dma_wait3A_134] : memref<10112x128xf32, #tpu.memory_space<vmem_shared>> -> memref<10112x128xf32, #tpu.memory_space<vmem_shared>>
        tpu.wait_indirect_dma semaphore(%run_scoped3A : memref<!tpu.dma_semaphore, #tpu.memory_space<semaphore_mem>>) src(%arg11 : memref<80x128xf32, #tpu.memory_space<vmem>>) dst(%dma_wait3A_135 : memref<10112x128xf32, #tpu.memory_space<vmem_shared>>)
        tpu.yield
      }) : () -> ()
    }
    %scan3A_39 = arith.constant 61 : i32
    %dma_wait3A_40 = arith.constant 0 : i32
    %dma_wait3A_41 = tpu.memref_slice %arg3[%dma_wait3A_40] : memref<320000xi32, #tpu.memory_space<hbm>> -> memref<80xi32, #tpu.memory_space<hbm>>
    %dma_wait3A_42 = arith.constant 0 : i32
    %dma_wait3A_43 = tpu.memref_slice %arg3[%dma_wait3A_42] : memref<320000xi32, #tpu.memory_space<hbm>> -> memref<80xi32, #tpu.memory_space<hbm>>
    tpu.wait_dma2 semaphore(%arg14 : memref<!tpu.dma_semaphore, #tpu.memory_space<semaphore_mem>>) src(%dma_wait3A_43 : memref<80xi32, #tpu.memory_space<hbm>>) dst(%arg8 : memref<80xi32, #tpu.memory_space<vmem>>)
    %dma_wait3A_44 = arith.constant 0 : i32
    %dma_wait3A_45 = tpu.memref_slice %arg4[%dma_wait3A_44] : memref<320000xi32, #tpu.memory_space<hbm>> -> memref<80xi32, #tpu.memory_space<hbm>>
    %dma_wait3A_46 = arith.constant 0 : i32
    %dma_wait3A_47 = tpu.memref_slice %arg4[%dma_wait3A_46] : memref<320000xi32, #tpu.memory_space<hbm>> -> memref<80xi32, #tpu.memory_space<hbm>>
    tpu.wait_dma2 semaphore(%arg14 : memref<!tpu.dma_semaphore, #tpu.memory_space<semaphore_mem>>) src(%dma_wait3A_47 : memref<80xi32, #tpu.memory_space<hbm>>) dst(%arg10 : memref<80xi32, #tpu.memory_space<vmem>>)
    %add3A_48 = arith.constant 9920 : i32
    %add3A_49 = arith.addi %mul3A_10, %add3A_48 : i32
    %dma_start3A_50 = tpu.memref_slice %arg3[%add3A_49] : memref<320000xi32, #tpu.memory_space<hbm>> -> memref<80xi32, #tpu.memory_space<hbm>>
    %dma_start3A_51 = tpu.memref_slice %arg3[%add3A_49] : memref<320000xi32, #tpu.memory_space<hbm>> -> memref<80xi32, #tpu.memory_space<hbm>>
    tpu.enqueue_dma source(%dma_start3A_51 : memref<80xi32, #tpu.memory_space<hbm>>) target(%arg7 : memref<80xi32, #tpu.memory_space<vmem>>) target_semaphore(%arg14 : memref<!tpu.dma_semaphore, #tpu.memory_space<semaphore_mem>>)
    %dma_start3A_52 = tpu.memref_slice %arg4[%add3A_49] : memref<320000xi32, #tpu.memory_space<hbm>> -> memref<80xi32, #tpu.memory_space<hbm>>
    %dma_start3A_53 = tpu.memref_slice %arg4[%add3A_49] : memref<320000xi32, #tpu.memory_space<hbm>> -> memref<80xi32, #tpu.memory_space<hbm>>
    tpu.enqueue_dma source(%dma_start3A_53 : memref<80xi32, #tpu.memory_space<hbm>>) target(%arg9 : memref<80xi32, #tpu.memory_space<vmem>>) target_semaphore(%arg14 : memref<!tpu.dma_semaphore, #tpu.memory_space<semaphore_mem>>)
    %dma_start3A_54 = arith.constant 0 : i32
    %dma_start3A_55 = arith.constant 0 : i32
    %dma_start3A_56 = tpu.memref_slice %arg2[%dma_start3A_54, %dma_start3A_55] : memref<10112x128xf32, #tpu.memory_space<hbm>> -> memref<10112x128xf32, #tpu.memory_space<hbm>>
    tpu.enqueue_indirect_dma source(%dma_start3A_56 : memref<10112x128xf32, #tpu.memory_space<hbm>>) target(%arg11 : memref<80x128xf32, #tpu.memory_space<vmem>>) offsets(%arg8 : memref<80xi32, #tpu.memory_space<vmem>>) semaphore(%arg13 : memref<!tpu.dma_semaphore, #tpu.memory_space<semaphore_mem>>)
    %dma_wait3A_57 = arith.constant 0 : i32
    %dma_wait3A_58 = arith.constant 0 : i32
    %dma_wait3A_59 = tpu.memref_slice %arg2[%dma_wait3A_57, %dma_wait3A_58] : memref<10112x128xf32, #tpu.memory_space<hbm>> -> memref<10112x128xf32, #tpu.memory_space<hbm>>
    tpu.wait_indirect_dma semaphore(%arg13 : memref<!tpu.dma_semaphore, #tpu.memory_space<semaphore_mem>>) src(%dma_wait3A_59 : memref<10112x128xf32, #tpu.memory_space<hbm>>) dst(%arg11 : memref<80x128xf32, #tpu.memory_space<vmem>>)
    "tpu.region"() ({
      %run_scoped3A = tpu.sem_alloc : memref<!tpu.dma_semaphore, #tpu.memory_space<semaphore_mem>>
      %dma_start3A_75 = arith.constant 0 : i32
      %dma_start3A_76 = arith.constant 0 : i32
      %dma_start3A_77 = tpu.memref_slice %arg12[%dma_start3A_75, %dma_start3A_76] : memref<10112x128xf32, #tpu.memory_space<vmem_shared>> -> memref<10112x128xf32, #tpu.memory_space<vmem_shared>>
      tpu.enqueue_indirect_dma source(%arg11 : memref<80x128xf32, #tpu.memory_space<vmem>>) target(%dma_start3A_77 : memref<10112x128xf32, #tpu.memory_space<vmem_shared>>) offsets(%arg10 : memref<80xi32, #tpu.memory_space<vmem>>) semaphore(%run_scoped3A : memref<!tpu.dma_semaphore, #tpu.memory_space<semaphore_mem>>) {add = true}
      %dma_wait3A_78 = arith.constant 0 : i32
      %dma_wait3A_79 = arith.constant 0 : i32
      %dma_wait3A_80 = tpu.memref_slice %arg12[%dma_wait3A_78, %dma_wait3A_79] : memref<10112x128xf32, #tpu.memory_space<vmem_shared>> -> memref<10112x128xf32, #tpu.memory_space<vmem_shared>>
      tpu.wait_indirect_dma semaphore(%run_scoped3A : memref<!tpu.dma_semaphore, #tpu.memory_space<semaphore_mem>>) src(%arg11 : memref<80x128xf32, #tpu.memory_space<vmem>>) dst(%dma_wait3A_80 : memref<10112x128xf32, #tpu.memory_space<vmem_shared>>)
      tpu.yield
    }) : () -> ()
    %dma_wait3A_60 = arith.constant 0 : i32
    %dma_wait3A_61 = tpu.memref_slice %arg3[%dma_wait3A_60] : memref<320000xi32, #tpu.memory_space<hbm>> -> memref<80xi32, #tpu.memory_space<hbm>>
    %dma_wait3A_62 = arith.constant 0 : i32
    %dma_wait3A_63 = tpu.memref_slice %arg3[%dma_wait3A_62] : memref<320000xi32, #tpu.memory_space<hbm>> -> memref<80xi32, #tpu.memory_space<hbm>>
    tpu.wait_dma2 semaphore(%arg14 : memref<!tpu.dma_semaphore, #tpu.memory_space<semaphore_mem>>) src(%dma_wait3A_63 : memref<80xi32, #tpu.memory_space<hbm>>) dst(%arg7 : memref<80xi32, #tpu.memory_space<vmem>>)
    %dma_wait3A_64 = arith.constant 0 : i32
    %dma_wait3A_65 = tpu.memref_slice %arg4[%dma_wait3A_64] : memref<320000xi32, #tpu.memory_space<hbm>> -> memref<80xi32, #tpu.memory_space<hbm>>
    %dma_wait3A_66 = arith.constant 0 : i32
    %dma_wait3A_67 = tpu.memref_slice %arg4[%dma_wait3A_66] : memref<320000xi32, #tpu.memory_space<hbm>> -> memref<80xi32, #tpu.memory_space<hbm>>
    tpu.wait_dma2 semaphore(%arg14 : memref<!tpu.dma_semaphore, #tpu.memory_space<semaphore_mem>>) src(%dma_wait3A_67 : memref<80xi32, #tpu.memory_space<hbm>>) dst(%arg9 : memref<80xi32, #tpu.memory_space<vmem>>)
    %dma_start3A_68 = arith.constant 0 : i32
    %dma_start3A_69 = arith.constant 0 : i32
    %dma_start3A_70 = tpu.memref_slice %arg2[%dma_start3A_68, %dma_start3A_69] : memref<10112x128xf32, #tpu.memory_space<hbm>> -> memref<10112x128xf32, #tpu.memory_space<hbm>>
    tpu.enqueue_indirect_dma source(%dma_start3A_70 : memref<10112x128xf32, #tpu.memory_space<hbm>>) target(%arg11 : memref<80x128xf32, #tpu.memory_space<vmem>>) offsets(%arg7 : memref<80xi32, #tpu.memory_space<vmem>>) semaphore(%arg13 : memref<!tpu.dma_semaphore, #tpu.memory_space<semaphore_mem>>)
    %dma_wait3A_71 = arith.constant 0 : i32
    %dma_wait3A_72 = arith.constant 0 : i32
    %dma_wait3A_73 = tpu.memref_slice %arg2[%dma_wait3A_71, %dma_wait3A_72] : memref<10112x128xf32, #tpu.memory_space<hbm>> -> memref<10112x128xf32, #tpu.memory_space<hbm>>
    tpu.wait_indirect_dma semaphore(%arg13 : memref<!tpu.dma_semaphore, #tpu.memory_space<semaphore_mem>>) src(%dma_wait3A_73 : memref<10112x128xf32, #tpu.memory_space<hbm>>) dst(%arg11 : memref<80x128xf32, #tpu.memory_space<vmem>>)
    "tpu.region"() ({
      %run_scoped3A = tpu.sem_alloc : memref<!tpu.dma_semaphore, #tpu.memory_space<semaphore_mem>>
      %dma_start3A_75 = arith.constant 0 : i32
      %dma_start3A_76 = arith.constant 0 : i32
      %dma_start3A_77 = tpu.memref_slice %arg12[%dma_start3A_75, %dma_start3A_76] : memref<10112x128xf32, #tpu.memory_space<vmem_shared>> -> memref<10112x128xf32, #tpu.memory_space<vmem_shared>>
      tpu.enqueue_indirect_dma source(%arg11 : memref<80x128xf32, #tpu.memory_space<vmem>>) target(%dma_start3A_77 : memref<10112x128xf32, #tpu.memory_space<vmem_shared>>) offsets(%arg9 : memref<80xi32, #tpu.memory_space<vmem>>) semaphore(%run_scoped3A : memref<!tpu.dma_semaphore, #tpu.memory_space<semaphore_mem>>) {add = true}
      %dma_wait3A_78 = arith.constant 0 : i32
      %dma_wait3A_79 = arith.constant 0 : i32
      %dma_wait3A_80 = tpu.memref_slice %arg12[%dma_wait3A_78, %dma_wait3A_79] : memref<10112x128xf32, #tpu.memory_space<vmem_shared>> -> memref<10112x128xf32, #tpu.memory_space<vmem_shared>>
      tpu.wait_indirect_dma semaphore(%run_scoped3A : memref<!tpu.dma_semaphore, #tpu.memory_space<semaphore_mem>>) src(%arg11 : memref<80x128xf32, #tpu.memory_space<vmem>>) dst(%dma_wait3A_80 : memref<10112x128xf32, #tpu.memory_space<vmem_shared>>)
      tpu.yield
    }) : () -> ()
    %barrier3A_74 = arith.constant 0 : index
    tpu.barrier barrier_id(%barrier3A_74)
    "tpu.region"() ({
      %run_scoped3A = tpu.sem_alloc : memref<!tpu.dma_semaphore, #tpu.memory_space<semaphore_mem>>
      %dma_start3A_75 = arith.constant 0 : i32
      %dma_start3A_76 = tpu.memref_slice %arg6[%arg0, %mul3A_2, %dma_start3A_75] : memref<2x10112x128xf32, #tpu.memory_space<hbm>> -> memref<1x632x128xf32, #tpu.memory_space<hbm>>
      %dma_start3A_77 = tpu.memref_squeeze %dma_start3A_76 : memref<1x632x128xf32, #tpu.memory_space<hbm>> -> memref<632x128xf32, #tpu.memory_space<hbm>>
      %dma_start3A_78 = arith.constant 0 : i32
      %dma_start3A_79 = tpu.memref_slice %arg12[%mul3A_2, %dma_start3A_78] : memref<10112x128xf32, #tpu.memory_space<vmem_shared>> -> memref<632x128xf32, #tpu.memory_space<vmem_shared>>
      tpu.enqueue_dma source(%dma_start3A_79 : memref<632x128xf32, #tpu.memory_space<vmem_shared>>) target(%dma_start3A_77 : memref<632x128xf32, #tpu.memory_space<hbm>>) target_semaphore(%run_scoped3A : memref<!tpu.dma_semaphore, #tpu.memory_space<semaphore_mem>>)
      %dma_wait3A_80 = arith.constant 0 : i32
      %dma_wait3A_81 = tpu.memref_slice %arg6[%arg0, %mul3A_2, %dma_wait3A_80] : memref<2x10112x128xf32, #tpu.memory_space<hbm>> -> memref<1x632x128xf32, #tpu.memory_space<hbm>>
      %dma_wait3A_82 = tpu.memref_squeeze %dma_wait3A_81 : memref<1x632x128xf32, #tpu.memory_space<hbm>> -> memref<632x128xf32, #tpu.memory_space<hbm>>
      %dma_wait3A_83 = arith.constant 0 : i32
      %dma_wait3A_84 = tpu.memref_slice %arg12[%mul3A_2, %dma_wait3A_83] : memref<10112x128xf32, #tpu.memory_space<vmem_shared>> -> memref<632x128xf32, #tpu.memory_space<vmem_shared>>
      tpu.wait_dma2 semaphore(%run_scoped3A : memref<!tpu.dma_semaphore, #tpu.memory_space<semaphore_mem>>) src(%dma_wait3A_84 : memref<632x128xf32, #tpu.memory_space<vmem_shared>>) dst(%dma_wait3A_82 : memref<632x128xf32, #tpu.memory_space<hbm>>)
      tpu.yield
    }) : () -> ()
    return
  }
}

module attributes {stable_mosaic.version = 14 : i64} {
  func.func @body(%arg0: i32, %arg1: memref<256x128xf32, #tpu.memory_space<vmem>>, %arg2: memref<256x128xf32, #tpu.memory_space<vmem>>, %arg3: memref<256x1xf32, #tpu.memory_space<vmem>>) attributes {dimension_semantics = [#tpu.dimension_semantics<arbitrary>], iteration_bounds = array<i64: 40>, scalar_prefetch = 0 : i64, scratch_operands = 0 : i64, tpu.core_type = #tpu.core_type<tc>, window_params = [{transform_indices = @transform_0, window_bounds = array<i64: 256, 128>}, {transform_indices = @transform_1, window_bounds = array<i64: 256, 128>}, {transform_indices = @transform_2, window_bounds = array<i64: 256, 1>}]} {
    %get3A = arith.constant 0 : index
    %get3A_0 = arith.constant 0 : index
    %get3A_1 = vector.load %arg1[%get3A, %get3A_0] : memref<256x128xf32, #tpu.memory_space<vmem>>, vector<256x1xf32>
    %get3A_2 = arith.constant 0 : index
    %get3A_3 = arith.constant 0 : index
    %get3A_4 = vector.load %arg2[%get3A_2, %get3A_3] : memref<256x128xf32, #tpu.memory_space<vmem>>, vector<256x1xf32>
    %add3A = arith.addf %get3A_1, %get3A_4 : vector<256x1xf32>
    %rsqrt3A = math.rsqrt %add3A : vector<256x1xf32>
    %swap3A = arith.constant 0 : index
    %swap3A_5 = arith.constant 0 : index
    %swap3A_6 = vector.load %arg3[%swap3A, %swap3A_5] : memref<256x1xf32, #tpu.memory_space<vmem>>, vector<256x1xf32>
    tpu.vector_store %arg3[%swap3A, %swap3A_5], %rsqrt3A {strides = array<i32>} : memref<256x1xf32, #tpu.memory_space<vmem>>, vector<256x1xf32>,
    return
  }
  func.func @transform_0(%arg0: i32) -> (i32, i32) {
    %c0_i32 = arith.constant 0 : i32
    %c0_i32_0 = arith.constant 0 : i32
    return %arg0, %c0_i32 : i32, i32
  }
  func.func @transform_1(%arg0: i32) -> (i32, i32) {
    %c0_i32 = arith.constant 0 : i32
    %c0_i32_0 = arith.constant 0 : i32
    return %arg0, %c0_i32 : i32, i32
  }
  func.func @transform_2(%arg0: i32) -> (i32, i32) {
    %c0_i32 = arith.constant 0 : i32
    %c0_i32_0 = arith.constant 0 : i32
    return %arg0, %c0_i32 : i32, i32
  }
}

module attributes {stable_mosaic.version = 14 : i64} {
  func.func @body(%arg0: i32, %arg1: memref<256x128xf32, #tpu.memory_space<vmem>>, %arg2: memref<128x128xf32, #tpu.memory_space<vmem>>, %arg3: memref<256x1xf32, #tpu.memory_space<vmem>>, %arg4: memref<256x128xf32, #tpu.memory_space<vmem>>) attributes {dimension_semantics = [#tpu.dimension_semantics<arbitrary>], iteration_bounds = array<i64: 40>, scalar_prefetch = 0 : i64, scratch_operands = 0 : i64, tpu.core_type = #tpu.core_type<tc>, window_params = [{transform_indices = @transform_0, window_bounds = array<i64: 256, 128>}, {pipeline_mode = #tpu.pipeline_mode<synchronous>, transform_indices = @transform_1, window_bounds = array<i64: 128, 128>}, {transform_indices = @transform_2, window_bounds = array<i64: 256, 1>}, {transform_indices = @transform_3, window_bounds = array<i64: 256, 128>}]} {
    %get3A = arith.constant 0 : index
    %get3A_0 = arith.constant 0 : index
    %get3A_1 = vector.load %arg1[%get3A, %get3A_0] : memref<256x128xf32, #tpu.memory_space<vmem>>, vector<256x128xf32>
    %get3A_2 = arith.constant 0 : index
    %get3A_3 = arith.constant 0 : index
    %get3A_4 = vector.load %arg2[%get3A_2, %get3A_3] : memref<128x128xf32, #tpu.memory_space<vmem>>, vector<128x128xf32>
    %dot_general3A = arith.constant dense<0.000000e+00> : vector<256x128xf32>
    %dot_general3A_5 = tpu.matmul %get3A_1, %get3A_4, %dot_general3A {dimension_numbers = #tpu.dot_dimension_numbers<[1], [0], [0], [1], [0, 0, 1, 1], [], []>, transpose_lhs_hint = false} : vector<256x128xf32>, vector<128x128xf32>, vector<256x128xf32> -> vector<256x128xf32>
    %get3A_6 = arith.constant 0 : index
    %get3A_7 = arith.constant 0 : index
    %get3A_8 = vector.load %arg3[%get3A_6, %get3A_7] : memref<256x1xf32, #tpu.memory_space<vmem>>, vector<256x1xf32>
    %mul3A = vector.broadcast %get3A_8 : vector<256x1xf32> to vector<256x128xf32>
    %mul3A_9 = arith.mulf %mul3A, %dot_general3A_5 : vector<256x128xf32>
    %swap3A = arith.constant 0 : index
    %swap3A_10 = arith.constant 0 : index
    %swap3A_11 = vector.load %arg4[%swap3A, %swap3A_10] : memref<256x128xf32, #tpu.memory_space<vmem>>, vector<256x128xf32>
    tpu.vector_store %arg4[%swap3A, %swap3A_10], %mul3A_9 {strides = array<i32>} : memref<256x128xf32, #tpu.memory_space<vmem>>, vector<256x128xf32>,
    return
  }
  func.func @transform_0(%arg0: i32) -> (i32, i32) {
    %c0_i32 = arith.constant 0 : i32
    %c0_i32_0 = arith.constant 0 : i32
    return %arg0, %c0_i32 : i32, i32
  }
  func.func @transform_1(%arg0: i32) -> (i32, i32) {
    %c0_i32 = arith.constant 0 : i32
    %c0_i32_0 = arith.constant 0 : i32
    %c0_i32_1 = arith.constant 0 : i32
    return %c0_i32, %c0_i32_0 : i32, i32
  }
  func.func @transform_2(%arg0: i32) -> (i32, i32) {
    %c0_i32 = arith.constant 0 : i32
    %c0_i32_0 = arith.constant 0 : i32
    return %arg0, %c0_i32 : i32, i32
  }
  func.func @transform_3(%arg0: i32) -> (i32, i32) {
    %c0_i32 = arith.constant 0 : i32
    %c0_i32_0 = arith.constant 0 : i32
    return %arg0, %c0_i32 : i32, i32
  }
}

module attributes {stable_mosaic.version = 14 : i64} {
  func.func @body(%arg0: i32, %arg1: memref<256x128xf32, #tpu.memory_space<vmem>>, %arg2: memref<256x128xf32, #tpu.memory_space<vmem>>, %arg3: memref<256x1xf32, #tpu.memory_space<vmem>>, %arg4: memref<1x128xf32, #tpu.memory_space<vmem>>, %arg5: memref<128x128xf32, #tpu.memory_space<vmem>>, %arg6: memref<1x128xf32, #tpu.memory_space<vmem>>, %arg7: memref<256x128xf32, #tpu.memory_space<vmem>>) attributes {dimension_semantics = [#tpu.dimension_semantics<arbitrary>], iteration_bounds = array<i64: 40>, scalar_prefetch = 0 : i64, scratch_operands = 0 : i64, tpu.core_type = #tpu.core_type<tc>, window_params = [{transform_indices = @transform_0, window_bounds = array<i64: 256, 128>}, {transform_indices = @transform_1, window_bounds = array<i64: 256, 128>}, {transform_indices = @transform_2, window_bounds = array<i64: 256, 1>}, {pipeline_mode = #tpu.pipeline_mode<synchronous>, transform_indices = @transform_3, window_bounds = array<i64: 1, 128>}, {pipeline_mode = #tpu.pipeline_mode<synchronous>, transform_indices = @transform_4, window_bounds = array<i64: 128, 128>}, {pipeline_mode = #tpu.pipeline_mode<synchronous>, transform_indices = @transform_5, window_bounds = array<i64: 1, 128>}, {transform_indices = @transform_6, window_bounds = array<i64: 256, 128>}]} {
    %get3A = arith.constant 0 : index
    %get3A_0 = arith.constant 0 : index
    %get3A_1 = vector.load %arg3[%get3A, %get3A_0] : memref<256x1xf32, #tpu.memory_space<vmem>>, vector<256x1xf32>
    %get3A_2 = arith.constant 0 : index
    %get3A_3 = arith.constant 0 : index
    %get3A_4 = vector.load %arg1[%get3A_2, %get3A_3] : memref<256x128xf32, #tpu.memory_space<vmem>>, vector<256x128xf32>
    %get3A_5 = arith.constant 0 : index
    %get3A_6 = arith.constant 0 : index
    %get3A_7 = vector.load %arg2[%get3A_5, %get3A_6] : memref<256x128xf32, #tpu.memory_space<vmem>>, vector<256x128xf32>
    %add3A = arith.addf %get3A_4, %get3A_7 : vector<256x128xf32>
    %mul3A = vector.broadcast %get3A_1 : vector<256x1xf32> to vector<256x128xf32>
    %mul3A_8 = arith.mulf %mul3A, %add3A : vector<256x128xf32>
    %get3A_9 = arith.constant 0 : index
    %get3A_10 = arith.constant 0 : index
    %get3A_11 = vector.load %arg4[%get3A_9, %get3A_10] : memref<1x128xf32, #tpu.memory_space<vmem>>, vector<1x128xf32>
    %add3A_12 = vector.broadcast %get3A_11 : vector<1x128xf32> to vector<256x128xf32>
    %add3A_13 = arith.addf %mul3A_8, %add3A_12 : vector<256x128xf32>
    %max3A = arith.constant 0.000000e+00 : f32
    %max3A_14 = vector.broadcast %max3A : f32 to vector<256x128xf32>
    %max3A_15 = arith.maximumf %add3A_13, %max3A_14 : vector<256x128xf32>
    %get3A_16 = arith.constant 0 : index
    %get3A_17 = arith.constant 0 : index
    %get3A_18 = vector.load %arg5[%get3A_16, %get3A_17] : memref<128x128xf32, #tpu.memory_space<vmem>>, vector<128x128xf32>
    %dot_general3A = arith.constant dense<0.000000e+00> : vector<256x128xf32>
    %dot_general3A_19 = tpu.matmul %max3A_15, %get3A_18, %dot_general3A {dimension_numbers = #tpu.dot_dimension_numbers<[1], [0], [0], [1], [0, 0, 1, 1], [], []>, transpose_lhs_hint = false} : vector<256x128xf32>, vector<128x128xf32>, vector<256x128xf32> -> vector<256x128xf32>
    %get3A_20 = arith.constant 0 : index
    %get3A_21 = arith.constant 0 : index
    %get3A_22 = vector.load %arg3[%get3A_20, %get3A_21] : memref<256x1xf32, #tpu.memory_space<vmem>>, vector<256x1xf32>
    %mul3A_23 = vector.broadcast %get3A_22 : vector<256x1xf32> to vector<256x128xf32>
    %mul3A_24 = arith.mulf %mul3A_23, %dot_general3A_19 : vector<256x128xf32>
    %get3A_25 = arith.constant 0 : index
    %get3A_26 = arith.constant 0 : index
    %get3A_27 = vector.load %arg6[%get3A_25, %get3A_26] : memref<1x128xf32, #tpu.memory_space<vmem>>, vector<1x128xf32>
    %add3A_28 = vector.broadcast %get3A_27 : vector<1x128xf32> to vector<256x128xf32>
    %add3A_29 = arith.addf %mul3A_24, %add3A_28 : vector<256x128xf32>
    %swap3A = arith.constant 0 : index
    %swap3A_30 = arith.constant 0 : index
    %swap3A_31 = vector.load %arg7[%swap3A, %swap3A_30] : memref<256x128xf32, #tpu.memory_space<vmem>>, vector<256x128xf32>
    tpu.vector_store %arg7[%swap3A, %swap3A_30], %add3A_29 {strides = array<i32>} : memref<256x128xf32, #tpu.memory_space<vmem>>, vector<256x128xf32>,
    return
  }
  func.func @transform_0(%arg0: i32) -> (i32, i32) {
    %c0_i32 = arith.constant 0 : i32
    %c0_i32_0 = arith.constant 0 : i32
    return %arg0, %c0_i32 : i32, i32
  }
  func.func @transform_1(%arg0: i32) -> (i32, i32) {
    %c0_i32 = arith.constant 0 : i32
    %c0_i32_0 = arith.constant 0 : i32
    return %arg0, %c0_i32 : i32, i32
  }
  func.func @transform_2(%arg0: i32) -> (i32, i32) {
    %c0_i32 = arith.constant 0 : i32
    %c0_i32_0 = arith.constant 0 : i32
    return %arg0, %c0_i32 : i32, i32
  }
  func.func @transform_3(%arg0: i32) -> (i32, i32) {
    %c0_i32 = arith.constant 0 : i32
    %c0_i32_0 = arith.constant 0 : i32
    %c0_i32_1 = arith.constant 0 : i32
    return %c0_i32, %c0_i32_0 : i32, i32
  }
  func.func @transform_4(%arg0: i32) -> (i32, i32) {
    %c0_i32 = arith.constant 0 : i32
    %c0_i32_0 = arith.constant 0 : i32
    %c0_i32_1 = arith.constant 0 : i32
    return %c0_i32, %c0_i32_0 : i32, i32
  }
  func.func @transform_5(%arg0: i32) -> (i32, i32) {
    %c0_i32 = arith.constant 0 : i32
    %c0_i32_0 = arith.constant 0 : i32
    %c0_i32_1 = arith.constant 0 : i32
    return %c0_i32, %c0_i32_0 : i32, i32
  }
  func.func @transform_6(%arg0: i32) -> (i32, i32) {
    %c0_i32 = arith.constant 0 : i32
    %c0_i32_0 = arith.constant 0 : i32
    return %arg0, %c0_i32 : i32, i32
  }
}

module attributes {stable_mosaic.version = 14 : i64} {
  func.func @body(%arg0: i32, %arg1: memref<256x128xf32, #tpu.memory_space<vmem>>, %arg2: memref<256x128xf32, #tpu.memory_space<vmem>>, %arg3: memref<256x1xf32, #tpu.memory_space<vmem>>, %arg4: memref<1x128xf32, #tpu.memory_space<vmem>>, %arg5: memref<128x40xf32, #tpu.memory_space<vmem>>, %arg6: memref<1x40xf32, #tpu.memory_space<vmem>>, %arg7: memref<256x40xf32, #tpu.memory_space<vmem>>) attributes {dimension_semantics = [#tpu.dimension_semantics<arbitrary>], iteration_bounds = array<i64: 40>, scalar_prefetch = 0 : i64, scratch_operands = 0 : i64, tpu.core_type = #tpu.core_type<tc>, window_params = [{transform_indices = @transform_0, window_bounds = array<i64: 256, 128>}, {transform_indices = @transform_1, window_bounds = array<i64: 256, 128>}, {transform_indices = @transform_2, window_bounds = array<i64: 256, 1>}, {pipeline_mode = #tpu.pipeline_mode<synchronous>, transform_indices = @transform_3, window_bounds = array<i64: 1, 128>}, {pipeline_mode = #tpu.pipeline_mode<synchronous>, transform_indices = @transform_4, window_bounds = array<i64: 128, 40>}, {pipeline_mode = #tpu.pipeline_mode<synchronous>, transform_indices = @transform_5, window_bounds = array<i64: 1, 40>}, {transform_indices = @transform_6, window_bounds = array<i64: 256, 40>}]} {
    %get3A = arith.constant 0 : index
    %get3A_0 = arith.constant 0 : index
    %get3A_1 = vector.load %arg3[%get3A, %get3A_0] : memref<256x1xf32, #tpu.memory_space<vmem>>, vector<256x1xf32>
    %get3A_2 = arith.constant 0 : index
    %get3A_3 = arith.constant 0 : index
    %get3A_4 = vector.load %arg1[%get3A_2, %get3A_3] : memref<256x128xf32, #tpu.memory_space<vmem>>, vector<256x128xf32>
    %get3A_5 = arith.constant 0 : index
    %get3A_6 = arith.constant 0 : index
    %get3A_7 = vector.load %arg2[%get3A_5, %get3A_6] : memref<256x128xf32, #tpu.memory_space<vmem>>, vector<256x128xf32>
    %add3A = arith.addf %get3A_4, %get3A_7 : vector<256x128xf32>
    %mul3A = vector.broadcast %get3A_1 : vector<256x1xf32> to vector<256x128xf32>
    %mul3A_8 = arith.mulf %mul3A, %add3A : vector<256x128xf32>
    %get3A_9 = arith.constant 0 : index
    %get3A_10 = arith.constant 0 : index
    %get3A_11 = vector.load %arg4[%get3A_9, %get3A_10] : memref<1x128xf32, #tpu.memory_space<vmem>>, vector<1x128xf32>
    %add3A_12 = vector.broadcast %get3A_11 : vector<1x128xf32> to vector<256x128xf32>
    %add3A_13 = arith.addf %mul3A_8, %add3A_12 : vector<256x128xf32>
    %max3A = arith.constant 0.000000e+00 : f32
    %max3A_14 = vector.broadcast %max3A : f32 to vector<256x128xf32>
    %max3A_15 = arith.maximumf %add3A_13, %max3A_14 : vector<256x128xf32>
    %get3A_16 = arith.constant 0 : index
    %get3A_17 = arith.constant 0 : index
    %get3A_18 = vector.load %arg5[%get3A_16, %get3A_17] : memref<128x40xf32, #tpu.memory_space<vmem>>, vector<128x40xf32>
    %dot_general3A = arith.constant dense<0.000000e+00> : vector<256x40xf32>
    %dot_general3A_19 = tpu.matmul %max3A_15, %get3A_18, %dot_general3A {dimension_numbers = #tpu.dot_dimension_numbers<[1], [0], [0], [1], [0, 0, 1, 1], [], []>, transpose_lhs_hint = false} : vector<256x128xf32>, vector<128x40xf32>, vector<256x40xf32> -> vector<256x40xf32>
    %get3A_20 = arith.constant 0 : index
    %get3A_21 = arith.constant 0 : index
    %get3A_22 = vector.load %arg6[%get3A_20, %get3A_21] : memref<1x40xf32, #tpu.memory_space<vmem>>, vector<1x40xf32>
    %add3A_23 = vector.broadcast %get3A_22 : vector<1x40xf32> to vector<256x40xf32>
    %add3A_24 = arith.addf %dot_general3A_19, %add3A_23 : vector<256x40xf32>
    %swap3A = arith.constant 0 : index
    %swap3A_25 = arith.constant 0 : index
    %swap3A_26 = vector.load %arg7[%swap3A, %swap3A_25] : memref<256x40xf32, #tpu.memory_space<vmem>>, vector<256x40xf32>
    tpu.vector_store %arg7[%swap3A, %swap3A_25], %add3A_24 {strides = array<i32>} : memref<256x40xf32, #tpu.memory_space<vmem>>, vector<256x40xf32>,
    return
  }
  func.func @transform_0(%arg0: i32) -> (i32, i32) {
    %c0_i32 = arith.constant 0 : i32
    %c0_i32_0 = arith.constant 0 : i32
    return %arg0, %c0_i32 : i32, i32
  }
  func.func @transform_1(%arg0: i32) -> (i32, i32) {
    %c0_i32 = arith.constant 0 : i32
    %c0_i32_0 = arith.constant 0 : i32
    return %arg0, %c0_i32 : i32, i32
  }
  func.func @transform_2(%arg0: i32) -> (i32, i32) {
    %c0_i32 = arith.constant 0 : i32
    %c0_i32_0 = arith.constant 0 : i32
    return %arg0, %c0_i32 : i32, i32
  }
  func.func @transform_3(%arg0: i32) -> (i32, i32) {
    %c0_i32 = arith.constant 0 : i32
    %c0_i32_0 = arith.constant 0 : i32
    %c0_i32_1 = arith.constant 0 : i32
    return %c0_i32, %c0_i32_0 : i32, i32
  }
  func.func @transform_4(%arg0: i32) -> (i32, i32) {
    %c0_i32 = arith.constant 0 : i32
    %c0_i32_0 = arith.constant 0 : i32
    %c0_i32_1 = arith.constant 0 : i32
    return %c0_i32, %c0_i32_0 : i32, i32
  }
  func.func @transform_5(%arg0: i32) -> (i32, i32) {
    %c0_i32 = arith.constant 0 : i32
    %c0_i32_0 = arith.constant 0 : i32
    %c0_i32_1 = arith.constant 0 : i32
    return %c0_i32, %c0_i32_0 : i32, i32
  }
  func.func @transform_6(%arg0: i32) -> (i32, i32) {
    %c0_i32 = arith.constant 0 : i32
    %c0_i32_0 = arith.constant 0 : i32
    return %arg0, %c0_i32 : i32, i32
  }
}

</mosaic_0001>

<sc_bundles>
// kernel: kernel.11.cloned.1.call-start
scs
__scs_entry_jumppad:
0x0: {  	(pc) =	sbr.rel $0x88, $3  }
0x1: {  	(tag) =	ssettag $0x0;
	lr =	simm.s32 $0x1  }
0x2: {  	[smem:$0x3F97] =	sst lr;
	_ =	strace $0xD0000000  }
0x3: {  	_ = 	snop  }
0x4: {  	_ = 	snop  }
0x5: {  	_ = 	snop  }
0x6: {  	_ = 	snop  }
0x7: {  	_ = 	snop  }
__scs_overlays_trampoline_lowered:
0x8: {  	[smem:$0x3FA6] =	sst s0  }
0x9: {  	[smem:$0x3FA7] =	sst s1  }
0xa: {  	[smem:$0x3FA8] =	sst s2  }
0xb: {  	[smem:$0x3FA9] =	sst s3  }
0xc: {  	[smem:$0x3FAA] =	sst s4  }
0xd: {  	[smem:$0x3FAB] =	sst s5  }
0xe: {  	[smem:$0x3FAC] =	sst s6  }
0xf: {  	[smem:$0x3FAD] =	sst s7  }
0x10: {  	[smem:$0x3FAE] =	sst s8  }
0x11: {  	[smem:$0x3FAF] =	sst s9;
	s0 =	simm.s32 @!p0 $0x0  }
0x12: {  	s1 =	sld [smem:$0x3F95];
	s0 =	simm.s32 @p0 $0x1  }
0x13: {  	[smem:$0x3FB0] =	sst s0;
	s0 =	simm.s32 @!p1 $0x0  }
0x14: {  	s2 =	sld [smem:$0x3F94];
	s0 =	simm.s32 @p1 $0x1  }
0x15: {  	[smem:$0x3FB1] =	sst s0;
	s0 =	simm.s32 @!p2 $0x0  }
0x16: {  	s3 =	sld [smem:$0x3FDB];
	s0 =	simm.s32 @p2 $0x1  }
0x17: {  	s4 =	simm.s32 $0x1BF5;
	[smem:$0x3FB3] =	sst s0  }
0x18: {  	s0 =	sld [smem:$0x3F96];
	_ =	swait.ge [sflag:s4], $0x0  }
0x19: {  	s7 =	sld [smem:$0x3F97]  }
0x1a: {  	s8 =	sadd.s32 $0xFFFFE003, lr  }
0x1b: {  	s9 =	sadd.s32 $0xFFFFFEF7, lr;
	s5 =	simm.s32 $0xFFFFFFFF;
	p2 =	slt.u32 s8, $0xFFFFF086  }
0x1c: {  	p1 =	slt.u32 s9, $0xF7A;
	s5 =	simm.s32 @!p2 $0x0  }
0x1d: {  	s5 =	simm.s32 @p1 $0x1;
	p0 =	seq.s32 s7, s2  }
0x1e: {  	s7 =	smul.u32 @!p0 $0xF7A, s2;
	p2 =	seq.s32 @!p0 s5, $0x0  }
0x1f: {  	s9 =	smul.u32 $0xF7A, s1;
	s8 =	simm.s32 @!p0 $0x1BF5;
	p2 =	por !p2, p0  }
0x20: {  	[sflag:s8] =	ssyncset.s32 @!p0 $0xFFFFF086;
	s6 =	sadd.s32 @!p0 s3, s7;
	s7 =	simm.s32 @!p0 $0x108  }
0x21: {  	s3 =	sadd.s32 s3, s9;
	s6 =	sadd.s32 @!p0 $0x88, s6;
	s7 =	simm.s32 @p2 $0x1082  }
0x22: {  	[simem:s7], [sflag:s8] =	dma.local @!p0 [hbm:s6], $0xF7A  }
0x23: {  	s9 =	sor.u32 $0xD0000000, s2;
	s6 =	simm.s32 $0x108;
	_ =	swait.ge @!p0 [sflag:s8], $0x0  }
0x24: {  	s3 =	sadd.s32 $0x88, s3;
	s6 =	simm.s32 @!p1 $0x1082;
	[sflag:s4] =	ssyncset.s32 $0xFFFFF086  }
0x25: {  	[simem:s6], [sflag:s4] =	dma.local [hbm:s3], $0xF7A  }
0x26: {  	[smem:$0x3F97] =	sst s1;
	(tag) =	ssettag s2;
	_ =	strace s9  }
0x27: {  	s1 =	sld [smem:$0x3FA7]  }
0x28: {  	s2 =	sld [smem:$0x3FA8]  }
0x29: {  	s4 =	sld [smem:$0x3FAA]  }
0x2a: {  	p0 =	seq.s32 s5, $0x0;
	s5 =	sld [smem:$0x3FAB]  }
0x2b: {  	s6 =	sld [smem:$0x3FAC]  }
0x2c: {  	s7 =	sld [smem:$0x3FAD]  }
0x2d: {  	s3 =	simm.s32 $0x108;
	s8 =	sld [smem:$0x3FAE]  }
0x2e: {  	s3 =	simm.s32 @!p0 $0x1082;
	s9 =	sld [smem:$0x3FAF]  }
0x2f: {  	lr =	sadd.s32 s0, s3;
	s0 =	sld [smem:$0x3FA6]  }
0x30: {  	s3 =	sld [smem:$0x3FA9]  }
0x31: {  	[smem:$0x3FB2] =	sst s10  }
0x32: {  	s10 =	sld [smem:$0x3FB0];
	_ =	sdelay $0x3  }
0x33: {  	p0 =	seq.s32 s10, $0x1;
	s10 =	sld [smem:$0x3FB2];
	_ =	sdelay $0x3  }
0x34: {  	[smem:$0x3FB2] =	sst s10  }
0x35: {  	s10 =	sld [smem:$0x3FB1];
	_ =	sdelay $0x3  }
0x36: {  	p1 =	seq.s32 s10, $0x1;
	s10 =	sld [smem:$0x3FB2];
	_ =	sdelay $0x3  }
0x37: {  	[smem:$0x3FB2] =	sst s10  }
0x38: {  	s10 =	sld [smem:$0x3FB3]  }
0x39: {  	_ = 	snop;
	(pc) =	sbr.ind lr, $3  }
0x3a: {  	_ = 	snop  }
0x3b: {  	_ = 	snop  }
0x3c: {  	p2 =	seq.s32 s10, $0x1;
	s10 =	sld [smem:$0x3FB2]  }
0x3d: {  	_ =	shalt  }
0x3e: {  	_ =	shalt  }
0x3f: {  	_ =	shalt  }
0x40: {  	_ =	shalt  }
0x41: {  	_ =	shalt  }
0x42: {  	_ =	shalt  }
0x43: {  	_ =	shalt  }
0x44: {  	_ =	shalt  }
0x45: {  	_ =	shalt  }
0x46: {  	_ =	shalt  }
0x47: {  	_ =	shalt  }
0x48: {  	_ =	shalt  }
0x49: {  	_ =	shalt  }
0x4a: {  	_ =	shalt  }
0x4b: {  	_ =	shalt  }
0x4c: {  	_ =	shalt  }
0x4d: {  	_ =	shalt  }
0x4e: {  	_ =	shalt  }
0x4f: {  	_ =	shalt  }
0x50: {  	_ =	shalt  }
0x51: {  	_ =	shalt  }
0x52: {  	_ =	shalt  }
0x53: {  	_ =	shalt  }
0x54: {  	_ =	shalt  }
0x55: {  	_ =	shalt  }
0x56: {  	_ =	shalt  }
0x57: {  	_ =	shalt  }
0x58: {  	_ =	shalt  }
0x59: {  	_ =	shalt  }
0x5a: {  	_ =	shalt  }
0x5b: {  	_ =	shalt  }
0x5c: {  	_ =	shalt  }
0x5d: {  	_ =	shalt  }
0x5e: {  	_ =	shalt  }
0x5f: {  	_ =	shalt  }
0x60: {  	_ =	shalt  }
0x61: {  	_ =	shalt  }
0x62: {  	_ =	shalt  }
0x63: {  	_ =	shalt  }
0x64: {  	_ =	shalt  }
0x65: {  	_ =	shalt  }
0x66: {  	_ =	shalt  }
0x67: {  	_ =	shalt  }
0x68: {  	_ =	shalt  }
0x69: {  	_ =	shalt  }
0x6a: {  	_ =	shalt  }
0x6b: {  	_ =	shalt  }
0x6c: {  	_ =	shalt  }
0x6d: {  	_ =	shalt  }
0x6e: {  	_ =	shalt  }
0x6f: {  	_ =	shalt  }
0x70: {  	_ =	shalt  }
0x71: {  	_ =	shalt  }
0x72: {  	_ =	shalt  }
0x73: {  	_ =	shalt  }
0x74: {  	_ =	shalt  }
0x75: {  	_ =	shalt  }
0x76: {  	_ =	shalt  }
0x77: {  	_ =	shalt  }
0x78: {  	_ =	shalt  }
0x79: {  	_ =	shalt  }
0x7a: {  	_ =	shalt  }
0x7b: {  	_ =	shalt  }
0x7c: {  	_ =	shalt  }
0x7d: {  	_ =	shalt  }
0x7e: {  	_ =	shalt  }
0x7f: {  	_ =	shalt  }
0x80: {  	_ =	shalt  }
0x81: {  	_ =	shalt  }
0x82: {  	_ =	shalt  }
0x83: {  	_ =	shalt  }
0x84: {  	_ =	shalt  }
0x85: {  	_ =	shalt  }
0x86: {  	_ =	shalt  }
0x87: {  	_ =	shalt  }
.Lfunc_end0:
.L_simem_size_0:
called_computation_lowered:
.L_overlay_start_0:
0x88: {  	s2 =	sld [smem:$0x3FD9]  }
0x89: {  	s3 =	sld [smem:$0x3FFE];
	_ =	sdelay $0x1  }
0x8a: {  	s1 =	srdreg.scid  }
0x8b: {  	s0 =	sand.u32 $0x1, s1  }
0x8c: {  	s16 =	sshll.u32 s0, $0xA;
	s2 =	sadd.s32 s3, s2  }
0x8d: {  	s2 =	sadd.s32 s2, s16  }
0x8e: {  	[smem:$0x3FBE] =	sst s2  }
0x8f: {  	_ = 	snop  }
0x90: {  	(tm) =	ssettm $0x1  }
0x91: {  	s17 =	sld [smem:$0x3FFB];
	_ =	sdelay $0x3  }
0x92: {  	_ =	strace s17  }
0x93: {  	s2 =	sld [smem:$0x3FFC];
	_ =	sdelay $0x3  }
0x94: {  	_ =	strace s2  }
0x95: {  	s2 =	sld [smem:$0x3FFD];
	_ =	sdelay $0x3  }
0x96: {  	_ =	strace s2  }
0x97: {  	_ =	strace $0x8FFFFFFF  }
0x98: {  	s18 =	sld [smem:$0x3FDB];
	_ =	sdelay $0x1  }
0x99: {  	s19 =	simm.s32 $_scs_section_size  }
0x9a: {  	s4 =	simm.s32 $_size__tile_overlayer_lowered;
	s5 =	simm.s32 $_tile_overlayer_lowered  }
0x9b: {  	s22 =	simm.s32 $0x1BFF;
	s21 =	sshll.u32 s5, $0x1;
	s2 =	sadd.s32 s19, s18  }
0x9c: {  	s6 =	simm.s32 $0x0;
	s20 =	sshll.u32 s4, $0x1;
	s4 =	sadd.s32 s21, s2  }
0x9d: {  	[timem:s6], [sflag:s22] =	dma.local [hbm:s4], s20  }
0x9e: {  	_ =	swait.ge [sflag:s22], s20  }
0x9f: {  	s3 =	ssub.s32 $0x0, s20;
	[sflag:s22] =	ssyncset.done $0x0  }
0xa0: {  	[sflag:s22] =	ssyncadd.s32 s3;
	_ =	sdelay $0x1  }
0xa1: {  	s23 =	simm.s32 $0x1B8B  }
0xa2: {  	_ =	swait.ge [sflag:s23], $0x1  }
0xa3: {  	[sflag:s23] =	ssyncset.done $0x0  }
0xa4: {  	s25 =	simm.s32 $0x1B8E;
	s24 =	sld [smem:$0x3FFE];
	[sflag:s23] =	ssyncadd.s32 $0xFFFFFFFF  }
0xa5: {  	s26 =	simm.s32 $execute0_lowered;
	[smem:$0x3FD2] =	sst s25  }
0xa6: {  	s4 =	sshll.u32 s26, $0x1;
	_ =	strace $0x80000046;
	[dreg:$0x1] =	wrdreg $0xFFFFFFFF  }
0xa7: {  	s28 =	simm.s32 $_size_execute0_lowered;
	s2 =	sadd.s32 s2, s4;
	[dreg:$0x0] =	wrdreg $0x0  }
0xa8: {  	s4 =	sshll.u32 s28, $0x1;
	[dreg:$0x2] =	wrdreg s2  }
0xa9: {  	[dreg:$0x3] =	wrdreg s4  }
0xaa: {  	[dreg:$0x4] =	wrdreg $0xC0  }
0xab: {  	_ =	task [dreg:s6], $0x5FFFF  }
0xac: {  	[dreg:$0x1] =	wrdreg $0xFFFFFFFF  }
0xad: {  	[dreg:$0x0] =	wrdreg $0x60  }
0xae: {  	[dreg:$0x2] =	wrdreg s24  }
0xaf: {  	[dreg:$0x3] =	wrdreg $0x28800  }
0xb0: {  	[dreg:$0x4] =	wrdreg $0x9  }
0xb1: {  	_ =	task.clear_ibuf [dreg:s6], $0x5FFFF;
	_ =	strace $0x90000046  }
0xb2: {  	s29 =	simm.s32 $0x9;
	_ =	strace $0x80000048  }
0xb3: {  	_ =	swait.ge [sflag:s29], $0x1  }
0xb4: {  	[sflag:s29] =	ssyncadd.s32 $0xFFFFFFFF  }
0xb5: {  	_ =	strace $0x90000048  }
0xb6: {  	_ =	sfence  }
0xb7: {  	s30 =	sld [smem:$0x0];
	_ =	sdelay $0x2  }
0xb8: {  	s31 =	sshll.u32 s1, $0xD;
	s1 =	sshrl.u32 s1, $0x2  }
0xb9: {  	s3 =	sand.u32 $0x4000, s31;
	s1 =	sadd.s32 s1, s30  }
0xba: {  	s0 =	sor.u32 s3, s0;
	s1 =	sshll.u32 s1, $0x11  }
0xbb: {  	s0 =	sor.u32 s1, s0  }
0xbc: {  	s0 =	sadd.s32 $0x8F2B, s0  }
0xbd: {  	[sflag:s0] =	ssyncadd.remote.s32 $0x1  }
0xbe: {  	_ =	sfence.sel $0xFFFF  }
0xbf: {  	[dreg:$0x0] =	wrdreg $0xFFFFFFFF;
	(pc) =	sbr.abs _section_cstart, $3  }
0xc0: {  	[dreg:$0x1] =	wrdreg $0xFFFFFFFF  }
0xc1: {  	_ =	task.clear_ibuf [dreg:s6], $0x2FFFF;
	_ =	strace $0x9FFFFFFF  }
0xc2: {  	(tm) =	ssettm $0x7FFFFFFF  }
0xc3: {  	_ =	shalt  }
tec
execute0_lowered:
.L_overlay_start_1:
0x0: {  	(tag) =	ssettag $0x1  }
0x1: {  	s0 =	srdreg.scid;
	s5 =	rddreg [dreg:$0x0]  }
0x2: {  	s2 =	rddreg [dreg:$0x1];
	s6 =	sand.u32 $0x1, s0  }
0x3: {  	s0 =	stileid.u32;
	s4 =	smul.u32 $0x27100, s6  }
0x4: {  	s1 =	rddreg [dreg:$0x2];
	s7 =	smul.u32 $0x2710, s0  }
0x5: {  	s3 =	simm.s32 $0x0;
	s13 =	simm.s32 $0x50;
	s25 =	smul.u32 $0x13C000, s6  }
0x6: {  	s14 =	simm.s32 $0x0;
	[smem:$0x7FF] =	sst s3;
	s8 =	smul.u32 $0x13C00, s0  }
0x7: {  	s11 =	sadd.s32 $0xCC00, s5;
	_ =	strace $0x80000047;
	s10 =	smul.u32 $0x4F000, s0  }
0x8: {  	s26 =	ssub.s32 $0x2, s6;
	p0 =	seq.s32 s6, $0x0;
	s30 =	smul.u32 $0x2780, s0  }
0x9: {  	s31 =	sshll.u32 s0, $0x6;
	s12 =	sshrl.u32 s26, $0x1;
	s4 =	sadd.s32 s7, s4  }
0xa: {  	s7 =	sadd.s32 s8, s25;
	s28 =	ssub.s32 s26, s12;
	s29 =	sshrl.u32 s10, $0x2  }
0xb: {  	s8 =	sor.u32 $0x1C01, s31;
	s12 =	simm.s32 $0x80;
	s4 =	sshrl.u32 s4, $0x3  }
0xc: {  	s7 =	sshrl.u32 s7, $0x3;
	s10 =	sadd.s32 s29, s2;
	s6 =	smax.u32 s28, $0x1  }
0xd: {  	s9 =	sadd.s32 s4, s5;
	s4 =	sadd.s32 $0x34400, s5;
	s5 =	sadd.s32 s7, s5  }
0xe: {  	s10 =	sshrl.u32 s10, $0x3;
	s5 =	sadd.s32 $0x5BC00, s5;
	s11 =	smov.u32 @p0 s4  }
0xf: {  	s9 =	sadd.s32 $0x2E00, s9;
	s7 =	sadd.s32 s11, s30;
	s11 =	simm.s32 $0x1  }
.LBB2_1:
0x10: {  	[spmem:s10], [sflag:s8] =	dma.local [hbm:s7], $0x2780  }
0x11: {  	_ =	swait.ge [sflag:s11], $0x2780  }
0x12: {  	[sflag:s11] =	ssyncset.done $0x0  }
0x13: {  	[sflag:s11] =	ssyncadd.s32 $0xFFFFD880  }
0x14: {  	[tilespmem:s12], [sflag:$0x1] =	stream.linear.gather [hbm4b:s4+s3], $0x2800, $0x38;
	[tilespmem:$0x16480] =	vst v63  }
0x15: {  	_ =	swait.ge [sflag:s11], $0x2800  }
0x16: {  	[sflag:s11] =	ssyncset.done $0x0  }
0x17: {  	[sflag:s11] =	ssyncadd.s32 $0xFFFFD800  }
0x18: {  	s15 =	sadd.s32 $0x0, s9;
	[bflag:$0x0] =	sbarrier.arrive $0xFFFF  }
0x19: {  	[tilespmem:s3], [sflag:$0x1] =	stream.linear.gather [hbm4b:s15+s3], $0x50, $0x38;
	[tilespmem:$0x16480] =	vst v63  }
0x1a: {  	_ =	swait.ge [sflag:s11], $0x50  }
0x1b: {  	[sflag:s11] =	ssyncset.done $0x0  }
0x1c: {  	[sflag:s11] =	ssyncadd.s32 $0xFFFFFFB0  }
0x1d: {  	[spmem:s2] =	stream.indirect.scatter.add.f32 [tilespmem:s12], [sflag:$0x1], $0x80, s3, s13, $0xb8;
	[tilespmem:$0x16480] =	vst v63  }
0x1e: {  	_ =	swait.ge [sflag:s11], $0x2800  }
0x1f: {  	s16 =	simm.s32 $0x14;
	s15 =	simm.s32 $0xA;
	[sflag:s11] =	ssyncset.done $0x0  }
.LBB2_2:
0x20: {  	s17 =	sadd.s32 s15, s9  }
0x21: {  	[sflag:s11] =	ssyncadd.s32 $0xFFFFD800;
	s15 =	smov.u32 s16;
	s18 =	sadd.s32 $0xA, s16  }
0x22: {  	[tilespmem:s3], [sflag:$0x1] =	stream.linear.gather [hbm4b:s17+s3], $0x50, $0x38;
	[tilespmem:$0x16480] =	vst v63  }
0x23: {  	p0 =	sne.s32 s16, $0x4D8;
	_ =	swait.ge [sflag:s11], $0x50  }
.Ltmp0:
0x24: {  	[sflag:s11] =	ssyncset.done $0x0;
	(pc) =	sbr.rel @p0 .LBB2_2-.Ltmp0, $4  }
0x25: {  	[sflag:s11] =	ssyncadd.s32 $0xFFFFFFB0  }
0x26: {  	[spmem:s2] =	stream.indirect.scatter.add.f32 [tilespmem:s12], [sflag:$0x1], $0x80, s3, s13, $0xb8;
	[tilespmem:$0x16480] =	vst v63  }
0x27: {  	_ =	swait.ge [sflag:s11], $0x2800  }
0x28: {  	s16 =	smov.u32 s18;
	[sflag:s11] =	ssyncset.done $0x0  }
0x29: {  	s15 =	sadd.s32 s15, s9;
	[sflag:s11] =	ssyncadd.s32 $0xFFFFD800  }
0x2a: {  	[tilespmem:s3], [sflag:$0x1] =	stream.linear.gather [hbm4b:s15+s3], $0x50, $0x38;
	[tilespmem:$0x16480] =	vst v63  }
0x2b: {  	_ =	swait.ge [sflag:s11], $0x50  }
0x2c: {  	[sflag:s11] =	ssyncset.done $0x0  }
0x2d: {  	[sflag:s11] =	ssyncadd.s32 $0xFFFFFFB0  }
0x2e: {  	[spmem:s2] =	stream.indirect.scatter.add.f32 [tilespmem:s12], [sflag:$0x1], $0x80, s3, s13, $0xb8;
	[tilespmem:$0x16480] =	vst v63  }
0x2f: {  	_ =	swait.ge [sflag:s11], $0x2800  }
0x30: {  	s14 =	sadd.s32 $0x1, s14;
	[sflag:s11] =	ssyncset.done $0x0  }
0x31: {  	p0 =	sne.s32 s14, s6;
	[sflag:s11] =	ssyncadd.s32 $0xFFFFD800  }
.Ltmp1:
0x32: {  	[bflag:$0x0] =	sbarrier.arrive $0xFFFF;
	(pc) =	sbr.rel @p0 .LBB2_1-.Ltmp1, $4  }
0x33: {  	[hbm:s5], [sflag:s8] =	dma.local [spmem:s10], $0x2780  }
0x34: {  	_ =	swait.ge [sflag:s11], $0x2780  }
0x35: {  	[sflag:s11] =	ssyncset.done $0x0  }
0x36: {  	[sflag:s11] =	ssyncadd.s32 $0xFFFFD880  }
0x37: {  	_ =	sfence.sel $0x180000  }
0x38: {  	[bflag:$0x0] =	sbarrier.arrive $0xFFFF  }
0x39: {  	p0 =	sne.s32 s0, $0x0;
	_ =	strace $0x90000047  }
0x3a: {  	s0 =	sadd.s32 @!p0 $0x100000, s1;
	[bflag:$0x2] =	sbarrier.arrive $0xFFFF  }
0x3b: {  	[sflag:s0] =	ssyncadd.tile.s32 @!p0 $0x1;
	_ =	shalt  }
.Lfunc_end2:
_tile_overlayer_lowered:
.L_overlay_start_2:
0x3c: {  	(tag) =	ssettag $0x2  }
0x3d: {  	s0 =	rddreg [dreg:$0x0];
	s2 =	stileid.u32  }
0x3e: {  	s1 =	rddreg [dreg:$0x1];
	p0 =	sne.s32 s2, $0x0  }
0x3f: {  	s3 =	rddreg [dreg:$0x2];
	[bflag:$0x3] =	sbarrier.arrive $0xFFFF;
	s2 =	simm.s32 @!p0 $0x1C01  }
0x40: {  	[timem:s3], [sflag:s2] =	dma.local @!p0 [hbm:s0], s1  }
0x41: {  	s0 =	simm.s32 @!p0 $0x1  }
0x42: {  	_ =	swait.ge @!p0 [sflag:s0], s1  }
0x43: {  	s1 =	ssub.s32 @!p0 $0x0, s1;
	[sflag:s0] =	ssyncset.done @!p0 $0x0  }
0x44: {  	[sflag:s0] =	ssyncadd.s32 @!p0 s1  }
0x45: {  	[bflag:$0x3] =	sbarrier.arrive $0xFFFF  }
0x46: {  	_ =	shalt  }

// kernel: kernel.14.cloned.1.call-start
scs
__scs_entry_jumppad:
0x0: {  	(pc) =	sbr.rel $0x88, $3  }
0x1: {  	(tag) =	ssettag $0x0;
	lr =	simm.s32 $0x1  }
0x2: {  	[smem:$0x3F97] =	sst lr;
	_ =	strace $0xD0000000  }
0x3: {  	_ = 	snop  }
0x4: {  	_ = 	snop  }
0x5: {  	_ = 	snop  }
0x6: {  	_ = 	snop  }
0x7: {  	_ = 	snop  }
__scs_overlays_trampoline_lowered:
0x8: {  	[smem:$0x3FA6] =	sst s0  }
0x9: {  	[smem:$0x3FA7] =	sst s1  }
0xa: {  	[smem:$0x3FA8] =	sst s2  }
0xb: {  	[smem:$0x3FA9] =	sst s3  }
0xc: {  	[smem:$0x3FAA] =	sst s4  }
0xd: {  	[smem:$0x3FAB] =	sst s5  }
0xe: {  	[smem:$0x3FAC] =	sst s6  }
0xf: {  	[smem:$0x3FAD] =	sst s7  }
0x10: {  	[smem:$0x3FAE] =	sst s8  }
0x11: {  	[smem:$0x3FAF] =	sst s9;
	s0 =	simm.s32 @!p0 $0x0  }
0x12: {  	s1 =	sld [smem:$0x3F95];
	s0 =	simm.s32 @p0 $0x1  }
0x13: {  	[smem:$0x3FB0] =	sst s0;
	s0 =	simm.s32 @!p1 $0x0  }
0x14: {  	s2 =	sld [smem:$0x3F94];
	s0 =	simm.s32 @p1 $0x1  }
0x15: {  	[smem:$0x3FB1] =	sst s0;
	s0 =	simm.s32 @!p2 $0x0  }
0x16: {  	s3 =	sld [smem:$0x3FDB];
	s0 =	simm.s32 @p2 $0x1  }
0x17: {  	s4 =	simm.s32 $0x1BF5;
	[smem:$0x3FB3] =	sst s0  }
0x18: {  	s0 =	sld [smem:$0x3F96];
	_ =	swait.ge [sflag:s4], $0x0  }
0x19: {  	s7 =	sld [smem:$0x3F97]  }
0x1a: {  	s8 =	sadd.s32 $0xFFFFE003, lr  }
0x1b: {  	s9 =	sadd.s32 $0xFFFFFEF7, lr;
	s5 =	simm.s32 $0xFFFFFFFF;
	p2 =	slt.u32 s8, $0xFFFFF086  }
0x1c: {  	p1 =	slt.u32 s9, $0xF7A;
	s5 =	simm.s32 @!p2 $0x0  }
0x1d: {  	s5 =	simm.s32 @p1 $0x1;
	p0 =	seq.s32 s7, s2  }
0x1e: {  	s7 =	smul.u32 @!p0 $0xF7A, s2;
	p2 =	seq.s32 @!p0 s5, $0x0  }
0x1f: {  	s9 =	smul.u32 $0xF7A, s1;
	s8 =	simm.s32 @!p0 $0x1BF5;
	p2 =	por !p2, p0  }
0x20: {  	[sflag:s8] =	ssyncset.s32 @!p0 $0xFFFFF086;
	s6 =	sadd.s32 @!p0 s3, s7;
	s7 =	simm.s32 @!p0 $0x108  }
0x21: {  	s3 =	sadd.s32 s3, s9;
	s6 =	sadd.s32 @!p0 $0x88, s6;
	s7 =	simm.s32 @p2 $0x1082  }
0x22: {  	[simem:s7], [sflag:s8] =	dma.local @!p0 [hbm:s6], $0xF7A  }
0x23: {  	s9 =	sor.u32 $0xD0000000, s2;
	s6 =	simm.s32 $0x108;
	_ =	swait.ge @!p0 [sflag:s8], $0x0  }
0x24: {  	s3 =	sadd.s32 $0x88, s3;
	s6 =	simm.s32 @!p1 $0x1082;
	[sflag:s4] =	ssyncset.s32 $0xFFFFF086  }
0x25: {  	[simem:s6], [sflag:s4] =	dma.local [hbm:s3], $0xF7A  }
0x26: {  	[smem:$0x3F97] =	sst s1;
	(tag) =	ssettag s2;
	_ =	strace s9  }
0x27: {  	s1 =	sld [smem:$0x3FA7]  }
0x28: {  	s2 =	sld [smem:$0x3FA8]  }
0x29: {  	s4 =	sld [smem:$0x3FAA]  }
0x2a: {  	p0 =	seq.s32 s5, $0x0;
	s5 =	sld [smem:$0x3FAB]  }
0x2b: {  	s6 =	sld [smem:$0x3FAC]  }
0x2c: {  	s7 =	sld [smem:$0x3FAD]  }
0x2d: {  	s3 =	simm.s32 $0x108;
	s8 =	sld [smem:$0x3FAE]  }
0x2e: {  	s3 =	simm.s32 @!p0 $0x1082;
	s9 =	sld [smem:$0x3FAF]  }
0x2f: {  	lr =	sadd.s32 s0, s3;
	s0 =	sld [smem:$0x3FA6]  }
0x30: {  	s3 =	sld [smem:$0x3FA9]  }
0x31: {  	[smem:$0x3FB2] =	sst s10  }
0x32: {  	s10 =	sld [smem:$0x3FB0];
	_ =	sdelay $0x3  }
0x33: {  	p0 =	seq.s32 s10, $0x1;
	s10 =	sld [smem:$0x3FB2];
	_ =	sdelay $0x3  }
0x34: {  	[smem:$0x3FB2] =	sst s10  }
0x35: {  	s10 =	sld [smem:$0x3FB1];
	_ =	sdelay $0x3  }
0x36: {  	p1 =	seq.s32 s10, $0x1;
	s10 =	sld [smem:$0x3FB2];
	_ =	sdelay $0x3  }
0x37: {  	[smem:$0x3FB2] =	sst s10  }
0x38: {  	s10 =	sld [smem:$0x3FB3]  }
0x39: {  	_ = 	snop;
	(pc) =	sbr.ind lr, $3  }
0x3a: {  	_ = 	snop  }
0x3b: {  	_ = 	snop  }
0x3c: {  	p2 =	seq.s32 s10, $0x1;
	s10 =	sld [smem:$0x3FB2]  }
0x3d: {  	_ =	shalt  }
0x3e: {  	_ =	shalt  }
0x3f: {  	_ =	shalt  }
0x40: {  	_ =	shalt  }
0x41: {  	_ =	shalt  }
0x42: {  	_ =	shalt  }
0x43: {  	_ =	shalt  }
0x44: {  	_ =	shalt  }
0x45: {  	_ =	shalt  }
0x46: {  	_ =	shalt  }
0x47: {  	_ =	shalt  }
0x48: {  	_ =	shalt  }
0x49: {  	_ =	shalt  }
0x4a: {  	_ =	shalt  }
0x4b: {  	_ =	shalt  }
0x4c: {  	_ =	shalt  }
0x4d: {  	_ =	shalt  }
0x4e: {  	_ =	shalt  }
0x4f: {  	_ =	shalt  }
0x50: {  	_ =	shalt  }
0x51: {  	_ =	shalt  }
0x52: {  	_ =	shalt  }
0x53: {  	_ =	shalt  }
0x54: {  	_ =	shalt  }
0x55: {  	_ =	shalt  }
0x56: {  	_ =	shalt  }
0x57: {  	_ =	shalt  }
0x58: {  	_ =	shalt  }
0x59: {  	_ =	shalt  }
0x5a: {  	_ =	shalt  }
0x5b: {  	_ =	shalt  }
0x5c: {  	_ =	shalt  }
0x5d: {  	_ =	shalt  }
0x5e: {  	_ =	shalt  }
0x5f: {  	_ =	shalt  }
0x60: {  	_ =	shalt  }
0x61: {  	_ =	shalt  }
0x62: {  	_ =	shalt  }
0x63: {  	_ =	shalt  }
0x64: {  	_ =	shalt  }
0x65: {  	_ =	shalt  }
0x66: {  	_ =	shalt  }
0x67: {  	_ =	shalt  }
0x68: {  	_ =	shalt  }
0x69: {  	_ =	shalt  }
0x6a: {  	_ =	shalt  }
0x6b: {  	_ =	shalt  }
0x6c: {  	_ =	shalt  }
0x6d: {  	_ =	shalt  }
0x6e: {  	_ =	shalt  }
0x6f: {  	_ =	shalt  }
0x70: {  	_ =	shalt  }
0x71: {  	_ =	shalt  }
0x72: {  	_ =	shalt  }
0x73: {  	_ =	shalt  }
0x74: {  	_ =	shalt  }
0x75: {  	_ =	shalt  }
0x76: {  	_ =	shalt  }
0x77: {  	_ =	shalt  }
0x78: {  	_ =	shalt  }
0x79: {  	_ =	shalt  }
0x7a: {  	_ =	shalt  }
0x7b: {  	_ =	shalt  }
0x7c: {  	_ =	shalt  }
0x7d: {  	_ =	shalt  }
0x7e: {  	_ =	shalt  }
0x7f: {  	_ =	shalt  }
0x80: {  	_ =	shalt  }
0x81: {  	_ =	shalt  }
0x82: {  	_ =	shalt  }
0x83: {  	_ =	shalt  }
0x84: {  	_ =	shalt  }
0x85: {  	_ =	shalt  }
0x86: {  	_ =	shalt  }
0x87: {  	_ =	shalt  }
.Lfunc_end0:
.L_simem_size_0:
called_computation.1_lowered:
.L_overlay_start_0:
0x88: {  	s2 =	sld [smem:$0x3FD9]  }
0x89: {  	s3 =	sld [smem:$0x3FFE];
	_ =	sdelay $0x1  }
0x8a: {  	s1 =	srdreg.scid  }
0x8b: {  	s0 =	sand.u32 $0x1, s1  }
0x8c: {  	s17 =	sshll.u32 s0, $0xA;
	s2 =	sadd.s32 s3, s2  }
0x8d: {  	s2 =	sadd.s32 s2, s17  }
0x8e: {  	[smem:$0x3FBE] =	sst s2  }
0x8f: {  	_ = 	snop  }
0x90: {  	s2 =	sld [smem:$0x3FD0];
	(tm) =	ssettm $0x1  }
0x91: {  	s18 =	sld [smem:$0x3FFB];
	_ =	sdelay $0x3  }
0x92: {  	_ =	strace s18  }
0x93: {  	s3 =	sld [smem:$0x3FFC];
	_ =	sdelay $0x3  }
0x94: {  	_ =	strace s3  }
0x95: {  	s3 =	sld [smem:$0x3FFD];
	_ =	sdelay $0x3  }
0x96: {  	_ =	strace s3  }
0x97: {  	_ =	strace $0x8FFFFFFF  }
0x98: {  	s19 =	sld [smem:$0x3FDB];
	_ =	sdelay $0x1  }
0x99: {  	s4 =	simm.s32 $_scs_section_size  }
0x9a: {  	s5 =	simm.s32 $_size__tile_overlayer_lowered;
	s6 =	simm.s32 $_tile_overlayer_lowered  }
0x9b: {  	s22 =	simm.s32 $0x1BFF;
	s21 =	sshll.u32 s6, $0x1;
	s3 =	sadd.s32 s4, s19  }
0x9c: {  	s7 =	simm.s32 $0x0;
	s20 =	sshll.u32 s5, $0x1;
	s5 =	sadd.s32 s21, s3  }
0x9d: {  	[timem:s7], [sflag:s22] =	dma.local [hbm:s5], s20  }
0x9e: {  	_ =	swait.ge [sflag:s22], s20  }
0x9f: {  	s4 =	ssub.s32 $0x0, s20;
	[sflag:s22] =	ssyncset.done $0x0  }
0xa0: {  	[sflag:s22] =	ssyncadd.s32 s4;
	_ =	sdelay $0x1  }
0xa1: {  	s23 =	simm.s32 $0x1B8B  }
0xa2: {  	_ =	swait.ge [sflag:s23], $0x1  }
0xa3: {  	[sflag:s23] =	ssyncset.done $0x0  }
0xa4: {  	s25 =	simm.s32 $0x1B8E;
	s24 =	sld [smem:$0x3FFE];
	[sflag:s23] =	ssyncadd.s32 $0xFFFFFFFF  }
0xa5: {  	s26 =	simm.s32 $execute0_lowered;
	[smem:$0x3FD2] =	sst s25  }
0xa6: {  	s5 =	sshll.u32 s26, $0x1;
	_ =	strace $0x80000049;
	[dreg:$0x1] =	wrdreg $0xFFFFFFFF  }
0xa7: {  	s28 =	simm.s32 $_size_execute0_lowered;
	s3 =	sadd.s32 s3, s5;
	[dreg:$0x0] =	wrdreg $0x0  }
0xa8: {  	s5 =	sshll.u32 s28, $0x1;
	[dreg:$0x2] =	wrdreg s3  }
0xa9: {  	[dreg:$0x3] =	wrdreg s5  }
0xaa: {  	[dreg:$0x4] =	wrdreg $0xC0  }
0xab: {  	_ =	task [dreg:s7], $0x5FFFF  }
0xac: {  	[dreg:$0x1] =	wrdreg $0xFFFFFFFF  }
0xad: {  	[dreg:$0x0] =	wrdreg $0x60  }
0xae: {  	[dreg:$0x2] =	wrdreg s24  }
0xaf: {  	[dreg:$0x3] =	wrdreg s2  }
0xb0: {  	[dreg:$0x4] =	wrdreg $0x2A000  }
0xb1: {  	[dreg:$0x5] =	wrdreg $0x9  }
0xb2: {  	_ =	task.clear_ibuf [dreg:s7], $0x6FFFF;
	_ =	strace $0x90000049  }
0xb3: {  	s29 =	simm.s32 $0x9;
	_ =	strace $0x8000004B  }
0xb4: {  	_ =	swait.ge [sflag:s29], $0x1  }
0xb5: {  	[sflag:s29] =	ssyncadd.s32 $0xFFFFFFFF  }
0xb6: {  	_ =	strace $0x9000004B  }
0xb7: {  	_ =	sfence  }
0xb8: {  	s30 =	sld [smem:$0x0];
	_ =	sdelay $0x2  }
0xb9: {  	s31 =	sshll.u32 s1, $0xD;
	s1 =	sshrl.u32 s1, $0x2  }
0xba: {  	s3 =	sand.u32 $0x4000, s31;
	s1 =	sadd.s32 s1, s30  }
0xbb: {  	s0 =	sor.u32 s3, s0;
	s1 =	sshll.u32 s1, $0x11  }
0xbc: {  	s0 =	sor.u32 s1, s0  }
0xbd: {  	s0 =	sadd.s32 $0x8F2B, s0  }
0xbe: {  	[sflag:s0] =	ssyncadd.remote.s32 $0x1  }
0xbf: {  	_ =	sfence.sel $0xFFFF  }
0xc0: {  	[dreg:$0x0] =	wrdreg $0xFFFFFFFF;
	(pc) =	sbr.abs _section_cstart, $3  }
0xc1: {  	[dreg:$0x1] =	wrdreg $0xFFFFFFFF  }
0xc2: {  	_ =	task.clear_ibuf [dreg:s7], $0x2FFFF;
	_ =	strace $0x9FFFFFFF  }
0xc3: {  	(tm) =	ssettm $0x7FFFFFFF  }
tec
execute0_lowered:
.L_overlay_start_1:
0x0: {  	(tag) =	ssettag $0x1  }
0x1: {  	s0 =	rddreg [dreg:$0x0]  }
0x2: {  	s1 =	rddreg [dreg:$0x1]  }
0x3: {  	s2 =	rddreg [dreg:$0x2]  }
0x4: {  	s3 =	srdreg.scid;
	s4 =	simm.s32 $0x0;
	s18 =	stileid.u32  }
0x5: {  	s28 =	simm.s32 $0x200;
	s29 =	simm.s32 $0x1;
	s9 =	smul.u32 $0x13C00, s18  }
0x6: {  	s30 =	simm.s32 $0x0;
	s8 =	sand.u32 $0x1, s3;
	s11 =	smul.u32 $0x4F000, s18  }
0x7: {  	[smem:$0x7FF] =	sst s4;
	s5 =	sadd.s32 $0x34400, s0;
	s16 =	smul.u32 $0x2780, s18  }
0x8: {  	s6 =	sadd.s32 $0x2E00, s0;
	s15 =	sadd.s32 $0xCC00, s0;
	s17 =	smul.u32 $0x2710, s18  }
0x9: {  	s31 =	sshll.u32 s18, $0x6;
	s7 =	smul.u32 $0x13C000, s8;
	_ =	strace $0x8000004A  }
0xa: {  	s19 =	sshll.u32 s8, $0x4;
	s10 =	ssub.s32 $0x2, s8;
	p0 =	seq.s32 s8, $0x0  }
0xb: {  	s13 =	smul.u32 $0x27100, s8;
	s12 =	sshrl.u32 s10, $0x1;
	s20 =	sshrl.u32 s11, $0x2  }
0xc: {  	s15 =	smov.u32 @p0 s5;
	s7 =	sadd.s32 s9, s7;
	s9 =	sor.u32 s18, s19  }
0xd: {  	s14 =	ssub.s32 s10, s12;
	s19 =	sadd.s32 s20, s2;
	s20 =	sadd.s32 s17, s13  }
0xe: {  	s15 =	sadd.s32 s15, s16;
	s7 =	sshrl.u32 s7, $0x3;
	s9 =	smul.u32 $0x2710, s9  }
0xf: {  	s16 =	sor.u32 $0x1C03, s31;
	s14 =	smax.u32 s14, $0x1;
	s0 =	sadd.s32 s7, s0  }
0x10: {  	s26 =	sadd.s32 $0xF0, s20;
	s21 =	sshrl.u32 s9, $0x3;
	s13 =	sadd.s32 $0x5BC00, s0  }
0x11: {  	s0 =	sshrl.u32 s26, $0x3;
	s26 =	simm.s32 $0x50;
	s22 =	sadd.s32 s1, s21  }
0x12: {  	s23 =	sadd.s32 s6, s21;
	s24 =	sadd.s32 $0xA, s21;
	s25 =	sadd.s32 $0x4D8, s21  }
0x13: {  	s17 =	sadd.s32 s0, s6;
	s18 =	sadd.s32 s0, s1;
	s0 =	sadd.s32 $0xA0, s20  }
0x14: {  	s20 =	sshrl.u32 s19, $0x3;
	s21 =	simm.s32 $0x3;
	[dreg:$0x4] =	wrdreg s22  }
0x15: {  	[dreg:$0x5] =	wrdreg s23;
	s9 =	sadd.s32 s1, s24;
	s10 =	sadd.s32 s6, s24  }
0x16: {  	s11 =	sadd.s32 s1, s25;
	s12 =	sadd.s32 s6, s25;
	s22 =	simm.s32 $0x100  }
0x17: {  	s23 =	simm.s32 $0x2;
	s24 =	simm.s32 $0x80;
	s25 =	simm.s32 $0x180  }
.LBB2_1:
0x18: {  	[spmem:s20], [sflag:s16] =	dma.local [hbm:s15], $0x2780  }
0x19: {  	_ =	swait.ge [sflag:s21], $0x2780  }
0x1a: {  	[sflag:s21] =	ssyncset.done $0x0  }
0x1b: {  	[sflag:s21] =	ssyncadd.s32 $0xFFFFD880  }
0x1c: {  	[bflag:$0x0] =	sbarrier.arrive $0xFFFF  }
0x1d: {  	s3 =	rddreg [dreg:$0x4]  }
0x1e: {  	[tilespmem:s4], [sflag:$0x2] =	stream.linear.gather [hbm4b:s3+s4], $0x50, $0x38;
	[tilespmem:$0x16600] =	vst v63  }
0x1f: {  	s19 =	rddreg [dreg:$0x5]  }
0x20: {  	[tilespmem:s22], [sflag:$0x2] =	stream.linear.gather [hbm4b:s19+s4], $0x50, $0x38;
	[tilespmem:$0x16600] =	vst v63  }
0x21: {  	_ =	swait.ge [sflag:s23], $0x50  }
0x22: {  	[sflag:s23] =	ssyncset.done $0x0  }
0x23: {  	[sflag:s23] =	ssyncadd.s32 $0xFFFFFFB0  }
0x24: {  	_ =	swait.ge [sflag:s23], $0x50  }
0x25: {  	[sflag:s23] =	ssyncset.done $0x0  }
0x26: {  	[sflag:s23] =	ssyncadd.s32 $0xFFFFFFB0  }
0x27: {  	[tilespmem:s24], [sflag:$0x2] =	stream.linear.gather [hbm4b:s9+s4], $0x50, $0x38;
	[tilespmem:$0x16600] =	vst v63  }
0x28: {  	_ = 	snop  }
0x29: {  	[tilespmem:s25], [sflag:$0x2] =	stream.linear.gather [hbm4b:s10+s4], $0x50, $0x38;
	[tilespmem:$0x16600] =	vst v63  }
0x2a: {  	_ = 	snop  }
0x2b: {  	[tilespmem:s28], [sflag:$0x1] =	stream.indirect.gather [hbm4b:s5+s26], $0x80, s4, s26, $0xb8;
	[tilespmem:$0x16600] =	vst v63  }
0x2c: {  	_ =	swait.ge [sflag:s29], $0x2800  }
0x2d: {  	[sflag:s29] =	ssyncset.done $0x0  }
0x2e: {  	[sflag:s29] =	ssyncadd.s32 $0xFFFFD800  }
0x2f: {  	[spmem:s2] =	stream.indirect.scatter.add.f32 [tilespmem:s28], [sflag:$0x3], $0x80, s22, s26, $0xb8;
	[tilespmem:$0x16600] =	vst v63  }
0x30: {  	_ =	swait.ge [sflag:s21], $0x2800  }
0x31: {  	[sflag:s21] =	ssyncset.done $0x0  }
0x32: {  	[sflag:s21] =	ssyncadd.s32 $0xFFFFD800  }
0x33: {  	_ =	swait.ge [sflag:s23], $0x50  }
0x34: {  	[sflag:s23] =	ssyncset.done $0x0  }
0x35: {  	[sflag:s23] =	ssyncadd.s32 $0xFFFFFFB0  }
0x36: {  	_ =	swait.ge [sflag:s23], $0x50  }
0x37: {  	s19 =	sshrl.u32 s0, $0x3;
	[sflag:s23] =	ssyncset.done $0x0  }
0x38: {  	s31 =	sadd.s32 s1, s19;
	[sflag:s23] =	ssyncadd.s32 $0xFFFFFFB0  }
0x39: {  	[tilespmem:s4], [sflag:$0x2] =	stream.linear.gather [hbm4b:s31+s4], $0x50, $0x38;
	[tilespmem:$0x16600] =	vst v63  }
0x3a: {  	s19 =	sadd.s32 s6, s19  }
0x3b: {  	[tilespmem:s22], [sflag:$0x2] =	stream.linear.gather [hbm4b:s19+s4], $0x50, $0x38;
	[tilespmem:$0x16600] =	vst v63  }
0x3c: {  	_ = 	snop  }
0x3d: {  	[tilespmem:s28], [sflag:$0x1] =	stream.indirect.gather [hbm4b:s5+s26], $0x80, s24, s26, $0xb8;
	[tilespmem:$0x16600] =	vst v63  }
0x3e: {  	_ =	swait.ge [sflag:s29], $0x2800  }
0x3f: {  	[sflag:s29] =	ssyncset.done $0x0  }
0x40: {  	[sflag:s29] =	ssyncadd.s32 $0xFFFFD800  }
0x41: {  	[spmem:s2] =	stream.indirect.scatter.add.f32 [tilespmem:s28], [sflag:$0x3], $0x80, s25, s26, $0xb8;
	[tilespmem:$0x16600] =	vst v63  }
0x42: {  	_ =	swait.ge [sflag:s21], $0x2800  }
0x43: {  	[sflag:s21] =	ssyncset.done $0x0  }
0x44: {  	[sflag:s21] =	ssyncadd.s32 $0xFFFFD800  }
0x45: {  	_ =	swait.ge [sflag:s23], $0x50  }
0x46: {  	[sflag:s23] =	ssyncset.done $0x0  }
0x47: {  	[sflag:s23] =	ssyncadd.s32 $0xFFFFFFB0  }
0x48: {  	_ =	swait.ge [sflag:s23], $0x50  }
0x49: {  	[sflag:s23] =	ssyncset.done $0x0  }
0x4a: {  	s7 =	sadd.s32 $0x0, s18;
	[sflag:s23] =	ssyncadd.s32 $0xFFFFFFB0  }
0x4b: {  	[tilespmem:s24], [sflag:$0x2] =	stream.linear.gather [hbm4b:s7+s4], $0x50, $0x38;
	[tilespmem:$0x16600] =	vst v63  }
0x4c: {  	s8 =	sadd.s32 $0x0, s17  }
0x4d: {  	[tilespmem:s25], [sflag:$0x2] =	stream.linear.gather [hbm4b:s8+s4], $0x50, $0x38;
	[tilespmem:$0x16600] =	vst v63  }
0x4e: {  	_ = 	snop  }
0x4f: {  	[tilespmem:s28], [sflag:$0x1] =	stream.indirect.gather [hbm4b:s5+s26], $0x80, s4, s26, $0xb8;
	[tilespmem:$0x16600] =	vst v63  }
0x50: {  	_ =	swait.ge [sflag:s29], $0x2800  }
0x51: {  	[sflag:s29] =	ssyncset.done $0x0  }
0x52: {  	[sflag:s29] =	ssyncadd.s32 $0xFFFFD800  }
0x53: {  	[spmem:s2] =	stream.indirect.scatter.add.f32 [tilespmem:s28], [sflag:$0x3], $0x80, s22, s26, $0xb8;
	[tilespmem:$0x16600] =	vst v63  }
0x54: {  	_ =	swait.ge [sflag:s21], $0x2800  }
0x55: {  	s31 =	simm.s32 $0x14;
	s19 =	smov.u32 s0;
	[sflag:s21] =	ssyncset.done $0x0  }
.LBB2_2:
0x56: {  	p0 =	sne.s32 s31, $0x4B0;
	[sflag:s21] =	ssyncadd.s32 $0xFFFFD800;
	s19 =	sadd.s32 $0xA0, s19  }
0x57: {  	s3 =	smov.u32 s31;
	s31 =	sadd.s32 $0x14, s31;
	_ =	swait.ge [sflag:s23], $0x50  }
0x58: {  	[sflag:s23] =	ssyncset.done $0x0  }
0x59: {  	[sflag:s23] =	ssyncadd.s32 $0xFFFFFFB0  }
0x5a: {  	_ =	swait.ge [sflag:s23], $0x50  }
0x5b: {  	s7 =	sshrl.u32 s19, $0x3;
	[sflag:s23] =	ssyncset.done $0x0  }
0x5c: {  	s8 =	sadd.s32 s1, s7;
	[sflag:s23] =	ssyncadd.s32 $0xFFFFFFB0  }
0x5d: {  	[tilespmem:s4], [sflag:$0x2] =	stream.linear.gather [hbm4b:s8+s4], $0x50, $0x38;
	[tilespmem:$0x16600] =	vst v63  }
0x5e: {  	s7 =	sadd.s32 s6, s7  }
0x5f: {  	[tilespmem:s22], [sflag:$0x2] =	stream.linear.gather [hbm4b:s7+s4], $0x50, $0x38;
	[tilespmem:$0x16600] =	vst v63  }
0x60: {  	_ = 	snop  }
0x61: {  	[tilespmem:s28], [sflag:$0x1] =	stream.indirect.gather [hbm4b:s5+s26], $0x80, s24, s26, $0xb8;
	[tilespmem:$0x16600] =	vst v63  }
0x62: {  	_ =	swait.ge [sflag:s29], $0x2800  }
0x63: {  	[sflag:s29] =	ssyncset.done $0x0  }
0x64: {  	[sflag:s29] =	ssyncadd.s32 $0xFFFFD800  }
0x65: {  	[spmem:s2] =	stream.indirect.scatter.add.f32 [tilespmem:s28], [sflag:$0x3], $0x80, s25, s26, $0xb8;
	[tilespmem:$0x16600] =	vst v63  }
0x66: {  	_ =	swait.ge [sflag:s21], $0x2800  }
0x67: {  	[sflag:s21] =	ssyncset.done $0x0  }
0x68: {  	[sflag:s21] =	ssyncadd.s32 $0xFFFFD800  }
0x69: {  	_ =	swait.ge [sflag:s23], $0x50  }
0x6a: {  	[sflag:s23] =	ssyncset.done $0x0  }
0x6b: {  	[sflag:s23] =	ssyncadd.s32 $0xFFFFFFB0  }
0x6c: {  	_ =	swait.ge [sflag:s23], $0x50  }
0x6d: {  	[sflag:s23] =	ssyncset.done $0x0  }
0x6e: {  	s7 =	sadd.s32 s3, s18;
	[sflag:s23] =	ssyncadd.s32 $0xFFFFFFB0  }
0x6f: {  	[tilespmem:s24], [sflag:$0x2] =	stream.linear.gather [hbm4b:s7+s4], $0x50, $0x38;
	[tilespmem:$0x16600] =	vst v63  }
0x70: {  	s3 =	sadd.s32 s3, s17  }
0x71: {  	[tilespmem:s25], [sflag:$0x2] =	stream.linear.gather [hbm4b:s3+s4], $0x50, $0x38;
	[tilespmem:$0x16600] =	vst v63  }
0x72: {  	_ = 	snop  }
0x73: {  	[tilespmem:s28], [sflag:$0x1] =	stream.indirect.gather [hbm4b:s5+s26], $0x80, s4, s26, $0xb8;
	[tilespmem:$0x16600] =	vst v63  }
0x74: {  	_ =	swait.ge [sflag:s29], $0x2800  }
.Ltmp0:
0x75: {  	[sflag:s29] =	ssyncset.done $0x0;
	(pc) =	sbr.rel @p0 .LBB2_2-.Ltmp0, $4  }
0x76: {  	[sflag:s29] =	ssyncadd.s32 $0xFFFFD800  }
0x77: {  	[spmem:s2] =	stream.indirect.scatter.add.f32 [tilespmem:s28], [sflag:$0x3], $0x80, s22, s26, $0xb8;
	[tilespmem:$0x16600] =	vst v63  }
0x78: {  	_ =	swait.ge [sflag:s21], $0x2800  }
0x79: {  	[sflag:s21] =	ssyncset.done $0x0  }
0x7a: {  	[sflag:s21] =	ssyncadd.s32 $0xFFFFD800  }
0x7b: {  	_ =	swait.ge [sflag:s23], $0x50  }
0x7c: {  	[sflag:s23] =	ssyncset.done $0x0  }
0x7d: {  	[sflag:s23] =	ssyncadd.s32 $0xFFFFFFB0  }
0x7e: {  	_ =	swait.ge [sflag:s23], $0x50  }
0x7f: {  	[sflag:s23] =	ssyncset.done $0x0  }
0x80: {  	[sflag:s23] =	ssyncadd.s32 $0xFFFFFFB0  }
0x81: {  	[tilespmem:s4], [sflag:$0x2] =	stream.linear.gather [hbm4b:s11+s4], $0x50, $0x38;
	[tilespmem:$0x16600] =	vst v63  }
0x82: {  	_ = 	snop  }
0x83: {  	[tilespmem:s22], [sflag:$0x2] =	stream.linear.gather [hbm4b:s12+s4], $0x50, $0x38;
	[tilespmem:$0x16600] =	vst v63  }
0x84: {  	_ = 	snop  }
0x85: {  	[tilespmem:s28], [sflag:$0x1] =	stream.indirect.gather [hbm4b:s5+s26], $0x80, s24, s26, $0xb8;
	[tilespmem:$0x16600] =	vst v63  }
0x86: {  	_ =	swait.ge [sflag:s29], $0x2800  }
0x87: {  	[sflag:s29] =	ssyncset.done $0x0  }
0x88: {  	[sflag:s29] =	ssyncadd.s32 $0xFFFFD800  }
0x89: {  	[spmem:s2] =	stream.indirect.scatter.add.f32 [tilespmem:s28], [sflag:$0x3], $0x80, s25, s26, $0xb8;
	[tilespmem:$0x16600] =	vst v63  }
0x8a: {  	_ =	swait.ge [sflag:s21], $0x2800  }
0x8b: {  	[sflag:s21] =	ssyncset.done $0x0  }
0x8c: {  	[sflag:s21] =	ssyncadd.s32 $0xFFFFD800  }
0x8d: {  	_ =	swait.ge [sflag:s23], $0x50  }
0x8e: {  	[sflag:s23] =	ssyncset.done $0x0  }
0x8f: {  	[sflag:s23] =	ssyncadd.s32 $0xFFFFFFB0  }
0x90: {  	_ =	swait.ge [sflag:s23], $0x50  }
0x91: {  	[sflag:s23] =	ssyncset.done $0x0  }
0x92: {  	[sflag:s23] =	ssyncadd.s32 $0xFFFFFFB0  }
0x93: {  	[tilespmem:s28], [sflag:$0x1] =	stream.indirect.gather [hbm4b:s5+s26], $0x80, s4, s26, $0xb8;
	[tilespmem:$0x16600] =	vst v63  }
0x94: {  	_ =	swait.ge [sflag:s29], $0x2800  }
0x95: {  	[sflag:s29] =	ssyncset.done $0x0  }
0x96: {  	[sflag:s29] =	ssyncadd.s32 $0xFFFFD800  }
0x97: {  	[spmem:s2] =	stream.indirect.scatter.add.f32 [tilespmem:s28], [sflag:$0x3], $0x80, s22, s26, $0xb8;
	[tilespmem:$0x16600] =	vst v63  }
0x98: {  	_ =	swait.ge [sflag:s21], $0x2800  }
0x99: {  	s30 =	sadd.s32 $0x1, s30;
	[sflag:s21] =	ssyncset.done $0x0  }
0x9a: {  	p0 =	sne.s32 s30, s14;
	[sflag:s21] =	ssyncadd.s32 $0xFFFFD800  }
.Ltmp1:
0x9b: {  	[bflag:$0x0] =	sbarrier.arrive $0xFFFF;
	(pc) =	sbr.rel @p0 .LBB2_1-.Ltmp1, $4  }
0x9c: {  	[hbm:s13], [sflag:s16] =	dma.local [spmem:s20], $0x2780  }
0x9d: {  	_ =	swait.ge [sflag:s21], $0x2780  }
0x9e: {  	[sflag:s21] =	ssyncset.done $0x0  }
0x9f: {  	[sflag:s21] =	ssyncadd.s32 $0xFFFFD880  }
0xa0: {  	_ =	sfence.sel $0x180000  }
0xa1: {  	[bflag:$0x0] =	sbarrier.arrive $0xFFFF  }
0xa2: {  	_ =	strace $0x9000004A  }
0xa3: {  	s0 =	stileid.u32;
	[bflag:$0x2] =	sbarrier.arrive $0xFFFF  }
0xa4: {  	p0 =	sne.s32 s0, $0x0;
	s0 =	rddreg [dreg:$0x3]  }
0xa5: {  	s0 =	sadd.s32 @!p0 $0x100000, s0  }
0xa6: {  	[sflag:s0] =	ssyncadd.tile.s32 @!p0 $0x1;
	_ =	shalt  }
.Lfunc_end2:
_tile_overlayer_lowered:
.L_overlay_start_2:
0xa7: {  	(tag) =	ssettag $0x2  }
0xa8: {  	s0 =	rddreg [dreg:$0x0];
	s2 =	stileid.u32  }
0xa9: {  	s1 =	rddreg [dreg:$0x1];
	p0 =	sne.s32 s2, $0x0  }
0xaa: {  	s3 =	rddreg [dreg:$0x2];
	[bflag:$0x3] =	sbarrier.arrive $0xFFFF;
	s2 =	simm.s32 @!p0 $0x1C03  }
0xab: {  	[timem:s3], [sflag:s2] =	dma.local @!p0 [hbm:s0], s1  }
0xac: {  	s0 =	simm.s32 @!p0 $0x3  }
0xad: {  	_ =	swait.ge @!p0 [sflag:s0], s1  }
0xae: {  	s1 =	ssub.s32 @!p0 $0x0, s1;
	[sflag:s0] =	ssyncset.done @!p0 $0x0  }
0xaf: {  	[sflag:s0] =	ssyncadd.s32 @!p0 s1  }
0xb0: {  	[bflag:$0x3] =	sbarrier.arrive $0xFFFF  }
0xb1: {  	_ =	shalt  }

// kernel: kernel.17.cloned.1.call-start
scs
__scs_entry_jumppad:
0x0: {  	(pc) =	sbr.rel $0x88, $3  }
0x1: {  	(tag) =	ssettag $0x0;
	lr =	simm.s32 $0x1  }
0x2: {  	[smem:$0x3F97] =	sst lr;
	_ =	strace $0xD0000000  }
0x3: {  	_ = 	snop  }
0x4: {  	_ = 	snop  }
0x5: {  	_ = 	snop  }
0x6: {  	_ = 	snop  }
0x7: {  	_ = 	snop  }
__scs_overlays_trampoline_lowered:
0x8: {  	[smem:$0x3FA6] =	sst s0  }
0x9: {  	[smem:$0x3FA7] =	sst s1  }
0xa: {  	[smem:$0x3FA8] =	sst s2  }
0xb: {  	[smem:$0x3FA9] =	sst s3  }
0xc: {  	[smem:$0x3FAA] =	sst s4  }
0xd: {  	[smem:$0x3FAB] =	sst s5  }
0xe: {  	[smem:$0x3FAC] =	sst s6  }
0xf: {  	[smem:$0x3FAD] =	sst s7  }
0x10: {  	[smem:$0x3FAE] =	sst s8  }
0x11: {  	[smem:$0x3FAF] =	sst s9;
	s0 =	simm.s32 @!p0 $0x0  }
0x12: {  	s1 =	sld [smem:$0x3F95];
	s0 =	simm.s32 @p0 $0x1  }
0x13: {  	[smem:$0x3FB0] =	sst s0;
	s0 =	simm.s32 @!p1 $0x0  }
0x14: {  	s2 =	sld [smem:$0x3F94];
	s0 =	simm.s32 @p1 $0x1  }
0x15: {  	[smem:$0x3FB1] =	sst s0;
	s0 =	simm.s32 @!p2 $0x0  }
0x16: {  	s3 =	sld [smem:$0x3FDB];
	s0 =	simm.s32 @p2 $0x1  }
0x17: {  	s4 =	simm.s32 $0x1BF5;
	[smem:$0x3FB3] =	sst s0  }
0x18: {  	s0 =	sld [smem:$0x3F96];
	_ =	swait.ge [sflag:s4], $0x0  }
0x19: {  	s7 =	sld [smem:$0x3F97]  }
0x1a: {  	s8 =	sadd.s32 $0xFFFFE003, lr  }
0x1b: {  	s9 =	sadd.s32 $0xFFFFFEF7, lr;
	s5 =	simm.s32 $0xFFFFFFFF;
	p2 =	slt.u32 s8, $0xFFFFF086  }
0x1c: {  	p1 =	slt.u32 s9, $0xF7A;
	s5 =	simm.s32 @!p2 $0x0  }
0x1d: {  	s5 =	simm.s32 @p1 $0x1;
	p0 =	seq.s32 s7, s2  }
0x1e: {  	s7 =	smul.u32 @!p0 $0xF7A, s2;
	p2 =	seq.s32 @!p0 s5, $0x0  }
0x1f: {  	s9 =	smul.u32 $0xF7A, s1;
	s8 =	simm.s32 @!p0 $0x1BF5;
	p2 =	por !p2, p0  }
0x20: {  	[sflag:s8] =	ssyncset.s32 @!p0 $0xFFFFF086;
	s6 =	sadd.s32 @!p0 s3, s7;
	s7 =	simm.s32 @!p0 $0x108  }
0x21: {  	s3 =	sadd.s32 s3, s9;
	s6 =	sadd.s32 @!p0 $0x88, s6;
	s7 =	simm.s32 @p2 $0x1082  }
0x22: {  	[simem:s7], [sflag:s8] =	dma.local @!p0 [hbm:s6], $0xF7A  }
0x23: {  	s9 =	sor.u32 $0xD0000000, s2;
	s6 =	simm.s32 $0x108;
	_ =	swait.ge @!p0 [sflag:s8], $0x0  }
0x24: {  	s3 =	sadd.s32 $0x88, s3;
	s6 =	simm.s32 @!p1 $0x1082;
	[sflag:s4] =	ssyncset.s32 $0xFFFFF086  }
0x25: {  	[simem:s6], [sflag:s4] =	dma.local [hbm:s3], $0xF7A  }
0x26: {  	[smem:$0x3F97] =	sst s1;
	(tag) =	ssettag s2;
	_ =	strace s9  }
0x27: {  	s1 =	sld [smem:$0x3FA7]  }
0x28: {  	s2 =	sld [smem:$0x3FA8]  }
0x29: {  	s4 =	sld [smem:$0x3FAA]  }
0x2a: {  	p0 =	seq.s32 s5, $0x0;
	s5 =	sld [smem:$0x3FAB]  }
0x2b: {  	s6 =	sld [smem:$0x3FAC]  }
0x2c: {  	s7 =	sld [smem:$0x3FAD]  }
0x2d: {  	s3 =	simm.s32 $0x108;
	s8 =	sld [smem:$0x3FAE]  }
0x2e: {  	s3 =	simm.s32 @!p0 $0x1082;
	s9 =	sld [smem:$0x3FAF]  }
0x2f: {  	lr =	sadd.s32 s0, s3;
	s0 =	sld [smem:$0x3FA6]  }
0x30: {  	s3 =	sld [smem:$0x3FA9]  }
0x31: {  	[smem:$0x3FB2] =	sst s10  }
0x32: {  	s10 =	sld [smem:$0x3FB0];
	_ =	sdelay $0x3  }
0x33: {  	p0 =	seq.s32 s10, $0x1;
	s10 =	sld [smem:$0x3FB2];
	_ =	sdelay $0x3  }
0x34: {  	[smem:$0x3FB2] =	sst s10  }
0x35: {  	s10 =	sld [smem:$0x3FB1];
	_ =	sdelay $0x3  }
0x36: {  	p1 =	seq.s32 s10, $0x1;
	s10 =	sld [smem:$0x3FB2];
	_ =	sdelay $0x3  }
0x37: {  	[smem:$0x3FB2] =	sst s10  }
0x38: {  	s10 =	sld [smem:$0x3FB3]  }
0x39: {  	_ = 	snop;
	(pc) =	sbr.ind lr, $3  }
0x3a: {  	_ = 	snop  }
0x3b: {  	_ = 	snop  }
0x3c: {  	p2 =	seq.s32 s10, $0x1;
	s10 =	sld [smem:$0x3FB2]  }
0x3d: {  	_ =	shalt  }
0x3e: {  	_ =	shalt  }
0x3f: {  	_ =	shalt  }
0x40: {  	_ =	shalt  }
0x41: {  	_ =	shalt  }
0x42: {  	_ =	shalt  }
0x43: {  	_ =	shalt  }
0x44: {  	_ =	shalt  }
0x45: {  	_ =	shalt  }
0x46: {  	_ =	shalt  }
0x47: {  	_ =	shalt  }
0x48: {  	_ =	shalt  }
0x49: {  	_ =	shalt  }
0x4a: {  	_ =	shalt  }
0x4b: {  	_ =	shalt  }
0x4c: {  	_ =	shalt  }
0x4d: {  	_ =	shalt  }
0x4e: {  	_ =	shalt  }
0x4f: {  	_ =	shalt  }
0x50: {  	_ =	shalt  }
0x51: {  	_ =	shalt  }
0x52: {  	_ =	shalt  }
0x53: {  	_ =	shalt  }
0x54: {  	_ =	shalt  }
0x55: {  	_ =	shalt  }
0x56: {  	_ =	shalt  }
0x57: {  	_ =	shalt  }
0x58: {  	_ =	shalt  }
0x59: {  	_ =	shalt  }
0x5a: {  	_ =	shalt  }
0x5b: {  	_ =	shalt  }
0x5c: {  	_ =	shalt  }
0x5d: {  	_ =	shalt  }
0x5e: {  	_ =	shalt  }
0x5f: {  	_ =	shalt  }
0x60: {  	_ =	shalt  }
0x61: {  	_ =	shalt  }
0x62: {  	_ =	shalt  }
0x63: {  	_ =	shalt  }
0x64: {  	_ =	shalt  }
0x65: {  	_ =	shalt  }
0x66: {  	_ =	shalt  }
0x67: {  	_ =	shalt  }
0x68: {  	_ =	shalt  }
0x69: {  	_ =	shalt  }
0x6a: {  	_ =	shalt  }
0x6b: {  	_ =	shalt  }
0x6c: {  	_ =	shalt  }
0x6d: {  	_ =	shalt  }
0x6e: {  	_ =	shalt  }
0x6f: {  	_ =	shalt  }
0x70: {  	_ =	shalt  }
0x71: {  	_ =	shalt  }
0x72: {  	_ =	shalt  }
0x73: {  	_ =	shalt  }
0x74: {  	_ =	shalt  }
0x75: {  	_ =	shalt  }
0x76: {  	_ =	shalt  }
0x77: {  	_ =	shalt  }
0x78: {  	_ =	shalt  }
0x79: {  	_ =	shalt  }
0x7a: {  	_ =	shalt  }
0x7b: {  	_ =	shalt  }
0x7c: {  	_ =	shalt  }
0x7d: {  	_ =	shalt  }
0x7e: {  	_ =	shalt  }
0x7f: {  	_ =	shalt  }
0x80: {  	_ =	shalt  }
0x81: {  	_ =	shalt  }
0x82: {  	_ =	shalt  }
0x83: {  	_ =	shalt  }
0x84: {  	_ =	shalt  }
0x85: {  	_ =	shalt  }
0x86: {  	_ =	shalt  }
0x87: {  	_ =	shalt  }
.Lfunc_end0:
.L_simem_size_0:
called_computation.2_lowered:
.L_overlay_start_0:
0x88: {  	s2 =	sld [smem:$0x3FD9]  }
0x89: {  	s3 =	sld [smem:$0x3FFE];
	_ =	sdelay $0x1  }
0x8a: {  	s1 =	srdreg.scid  }
0x8b: {  	s0 =	sand.u32 $0x1, s1  }
0x8c: {  	s17 =	sshll.u32 s0, $0xA;
	s2 =	sadd.s32 s3, s2  }
0x8d: {  	s2 =	sadd.s32 s2, s17  }
0x8e: {  	[smem:$0x3FBE] =	sst s2  }
0x8f: {  	_ = 	snop  }
0x90: {  	s2 =	sld [smem:$0x3FD0];
	(tm) =	ssettm $0x1  }
0x91: {  	s18 =	sld [smem:$0x3FFB];
	_ =	sdelay $0x3  }
0x92: {  	_ =	strace s18  }
0x93: {  	s3 =	sld [smem:$0x3FFC];
	_ =	sdelay $0x3  }
0x94: {  	_ =	strace s3  }
0x95: {  	s3 =	sld [smem:$0x3FFD];
	_ =	sdelay $0x3  }
0x96: {  	_ =	strace s3  }
0x97: {  	_ =	strace $0x8FFFFFFF  }
0x98: {  	s19 =	sld [smem:$0x3FDB];
	_ =	sdelay $0x1  }
0x99: {  	s4 =	simm.s32 $_scs_section_size  }
0x9a: {  	s5 =	simm.s32 $_size__tile_overlayer_lowered;
	s6 =	simm.s32 $_tile_overlayer_lowered  }
0x9b: {  	s22 =	simm.s32 $0x1BFF;
	s21 =	sshll.u32 s6, $0x1;
	s3 =	sadd.s32 s4, s19  }
0x9c: {  	s7 =	simm.s32 $0x0;
	s20 =	sshll.u32 s5, $0x1;
	s5 =	sadd.s32 s21, s3  }
0x9d: {  	[timem:s7], [sflag:s22] =	dma.local [hbm:s5], s20  }
0x9e: {  	_ =	swait.ge [sflag:s22], s20  }
0x9f: {  	s4 =	ssub.s32 $0x0, s20;
	[sflag:s22] =	ssyncset.done $0x0  }
0xa0: {  	[sflag:s22] =	ssyncadd.s32 s4;
	_ =	sdelay $0x1  }
0xa1: {  	s23 =	simm.s32 $0x1B8B  }
0xa2: {  	_ =	swait.ge [sflag:s23], $0x1  }
0xa3: {  	[sflag:s23] =	ssyncset.done $0x0  }
0xa4: {  	s25 =	simm.s32 $0x1B8E;
	s24 =	sld [smem:$0x3FFE];
	[sflag:s23] =	ssyncadd.s32 $0xFFFFFFFF  }
0xa5: {  	s26 =	simm.s32 $execute0_lowered;
	[smem:$0x3FD2] =	sst s25  }
0xa6: {  	s5 =	sshll.u32 s26, $0x1;
	_ =	strace $0x8000004C;
	[dreg:$0x1] =	wrdreg $0xFFFFFFFF  }
0xa7: {  	s28 =	simm.s32 $_size_execute0_lowered;
	s3 =	sadd.s32 s3, s5;
	[dreg:$0x0] =	wrdreg $0x0  }
0xa8: {  	s5 =	sshll.u32 s28, $0x1;
	[dreg:$0x2] =	wrdreg s3  }
0xa9: {  	[dreg:$0x3] =	wrdreg s5  }
0xaa: {  	[dreg:$0x4] =	wrdreg $0xC0  }
0xab: {  	_ =	task [dreg:s7], $0x5FFFF  }
0xac: {  	[dreg:$0x1] =	wrdreg $0xFFFFFFFF  }
0xad: {  	[dreg:$0x0] =	wrdreg $0x60  }
0xae: {  	[dreg:$0x2] =	wrdreg s24  }
0xaf: {  	[dreg:$0x3] =	wrdreg s2  }
0xb0: {  	[dreg:$0x4] =	wrdreg $0x2A000  }
0xb1: {  	[dreg:$0x5] =	wrdreg $0x9  }
0xb2: {  	_ =	task.clear_ibuf [dreg:s7], $0x6FFFF;
	_ =	strace $0x9000004C  }
0xb3: {  	s29 =	simm.s32 $0x9;
	_ =	strace $0x8000004E  }
0xb4: {  	_ =	swait.ge [sflag:s29], $0x1  }
0xb5: {  	[sflag:s29] =	ssyncadd.s32 $0xFFFFFFFF  }
0xb6: {  	_ =	strace $0x9000004E  }
0xb7: {  	_ =	sfence  }
0xb8: {  	s30 =	sld [smem:$0x0];
	_ =	sdelay $0x2  }
0xb9: {  	s31 =	sshll.u32 s1, $0xD;
	s1 =	sshrl.u32 s1, $0x2  }
0xba: {  	s3 =	sand.u32 $0x4000, s31;
	s1 =	sadd.s32 s1, s30  }
0xbb: {  	s0 =	sor.u32 s3, s0;
	s1 =	sshll.u32 s1, $0x11  }
0xbc: {  	s0 =	sor.u32 s1, s0  }
0xbd: {  	s0 =	sadd.s32 $0x8F2B, s0  }
0xbe: {  	[sflag:s0] =	ssyncadd.remote.s32 $0x1  }
0xbf: {  	_ =	sfence.sel $0xFFFF  }
0xc0: {  	[dreg:$0x0] =	wrdreg $0xFFFFFFFF;
	(pc) =	sbr.abs _section_cstart, $3  }
0xc1: {  	[dreg:$0x1] =	wrdreg $0xFFFFFFFF  }
0xc2: {  	_ =	task.clear_ibuf [dreg:s7], $0x2FFFF;
	_ =	strace $0x9FFFFFFF  }
0xc3: {  	(tm) =	ssettm $0x7FFFFFFF  }
tec
execute0_lowered:
.L_overlay_start_1:
0x0: {  	(tag) =	ssettag $0x1  }
0x1: {  	s0 =	rddreg [dreg:$0x0]  }
0x2: {  	s1 =	rddreg [dreg:$0x1]  }
0x3: {  	s2 =	rddreg [dreg:$0x2]  }
0x4: {  	s3 =	srdreg.scid;
	s4 =	simm.s32 $0x0;
	s18 =	stileid.u32  }
0x5: {  	s28 =	simm.s32 $0x200;
	s29 =	simm.s32 $0x1;
	s9 =	smul.u32 $0x13C00, s18  }
0x6: {  	s30 =	simm.s32 $0x0;
	s8 =	sand.u32 $0x1, s3;
	s11 =	smul.u32 $0x4F000, s18  }
0x7: {  	[smem:$0x7FF] =	sst s4;
	s5 =	sadd.s32 $0x34400, s0;
	s16 =	smul.u32 $0x2780, s18  }
0x8: {  	s6 =	sadd.s32 $0x2E00, s0;
	s15 =	sadd.s32 $0xCC00, s0;
	s17 =	smul.u32 $0x2710, s18  }
0x9: {  	s31 =	sshll.u32 s18, $0x6;
	s7 =	smul.u32 $0x13C000, s8;
	_ =	strace $0x8000004D  }
0xa: {  	s19 =	sshll.u32 s8, $0x4;
	s10 =	ssub.s32 $0x2, s8;
	p0 =	seq.s32 s8, $0x0  }
0xb: {  	s13 =	smul.u32 $0x27100, s8;
	s12 =	sshrl.u32 s10, $0x1;
	s20 =	sshrl.u32 s11, $0x2  }
0xc: {  	s15 =	smov.u32 @p0 s5;
	s7 =	sadd.s32 s9, s7;
	s9 =	sor.u32 s18, s19  }
0xd: {  	s14 =	ssub.s32 s10, s12;
	s19 =	sadd.s32 s20, s2;
	s20 =	sadd.s32 s17, s13  }
0xe: {  	s15 =	sadd.s32 s15, s16;
	s7 =	sshrl.u32 s7, $0x3;
	s9 =	smul.u32 $0x2710, s9  }
0xf: {  	s16 =	sor.u32 $0x1C03, s31;
	s14 =	smax.u32 s14, $0x1;
	s0 =	sadd.s32 s7, s0  }
0x10: {  	s26 =	sadd.s32 $0xF0, s20;
	s21 =	sshrl.u32 s9, $0x3;
	s13 =	sadd.s32 $0x5BC00, s0  }
0x11: {  	s0 =	sshrl.u32 s26, $0x3;
	s26 =	simm.s32 $0x50;
	s22 =	sadd.s32 s1, s21  }
0x12: {  	s23 =	sadd.s32 s6, s21;
	s24 =	sadd.s32 $0xA, s21;
	s25 =	sadd.s32 $0x4D8, s21  }
0x13: {  	s17 =	sadd.s32 s0, s6;
	s18 =	sadd.s32 s0, s1;
	s0 =	sadd.s32 $0xA0, s20  }
0x14: {  	s20 =	sshrl.u32 s19, $0x3;
	s21 =	simm.s32 $0x3;
	[dreg:$0x4] =	wrdreg s22  }
0x15: {  	[dreg:$0x5] =	wrdreg s23;
	s9 =	sadd.s32 s1, s24;
	s10 =	sadd.s32 s6, s24  }
0x16: {  	s11 =	sadd.s32 s1, s25;
	s12 =	sadd.s32 s6, s25;
	s22 =	simm.s32 $0x100  }
0x17: {  	s23 =	simm.s32 $0x2;
	s24 =	simm.s32 $0x80;
	s25 =	simm.s32 $0x180  }
.LBB2_1:
0x18: {  	[spmem:s20], [sflag:s16] =	dma.local [hbm:s15], $0x2780  }
0x19: {  	_ =	swait.ge [sflag:s21], $0x2780  }
0x1a: {  	[sflag:s21] =	ssyncset.done $0x0  }
0x1b: {  	[sflag:s21] =	ssyncadd.s32 $0xFFFFD880  }
0x1c: {  	[bflag:$0x0] =	sbarrier.arrive $0xFFFF  }
0x1d: {  	s3 =	rddreg [dreg:$0x4]  }
0x1e: {  	[tilespmem:s4], [sflag:$0x2] =	stream.linear.gather [hbm4b:s3+s4], $0x50, $0x38;
	[tilespmem:$0x16600] =	vst v63  }
0x1f: {  	s19 =	rddreg [dreg:$0x5]  }
0x20: {  	[tilespmem:s22], [sflag:$0x2] =	stream.linear.gather [hbm4b:s19+s4], $0x50, $0x38;
	[tilespmem:$0x16600] =	vst v63  }
0x21: {  	_ =	swait.ge [sflag:s23], $0x50  }
0x22: {  	[sflag:s23] =	ssyncset.done $0x0  }
0x23: {  	[sflag:s23] =	ssyncadd.s32 $0xFFFFFFB0  }
0x24: {  	_ =	swait.ge [sflag:s23], $0x50  }
0x25: {  	[sflag:s23] =	ssyncset.done $0x0  }
0x26: {  	[sflag:s23] =	ssyncadd.s32 $0xFFFFFFB0  }
0x27: {  	[tilespmem:s24], [sflag:$0x2] =	stream.linear.gather [hbm4b:s9+s4], $0x50, $0x38;
	[tilespmem:$0x16600] =	vst v63  }
0x28: {  	_ = 	snop  }
0x29: {  	[tilespmem:s25], [sflag:$0x2] =	stream.linear.gather [hbm4b:s10+s4], $0x50, $0x38;
	[tilespmem:$0x16600] =	vst v63  }
0x2a: {  	_ = 	snop  }
0x2b: {  	[tilespmem:s28], [sflag:$0x1] =	stream.indirect.gather [hbm4b:s5+s26], $0x80, s4, s26, $0xb8;
	[tilespmem:$0x16600] =	vst v63  }
0x2c: {  	_ =	swait.ge [sflag:s29], $0x2800  }
0x2d: {  	[sflag:s29] =	ssyncset.done $0x0  }
0x2e: {  	[sflag:s29] =	ssyncadd.s32 $0xFFFFD800  }
0x2f: {  	[spmem:s2] =	stream.indirect.scatter.add.f32 [tilespmem:s28], [sflag:$0x3], $0x80, s22, s26, $0xb8;
	[tilespmem:$0x16600] =	vst v63  }
0x30: {  	_ =	swait.ge [sflag:s21], $0x2800  }
0x31: {  	[sflag:s21] =	ssyncset.done $0x0  }
0x32: {  	[sflag:s21] =	ssyncadd.s32 $0xFFFFD800  }
0x33: {  	_ =	swait.ge [sflag:s23], $0x50  }
0x34: {  	[sflag:s23] =	ssyncset.done $0x0  }
0x35: {  	[sflag:s23] =	ssyncadd.s32 $0xFFFFFFB0  }
0x36: {  	_ =	swait.ge [sflag:s23], $0x50  }
0x37: {  	s19 =	sshrl.u32 s0, $0x3;
	[sflag:s23] =	ssyncset.done $0x0  }
0x38: {  	s31 =	sadd.s32 s1, s19;
	[sflag:s23] =	ssyncadd.s32 $0xFFFFFFB0  }
0x39: {  	[tilespmem:s4], [sflag:$0x2] =	stream.linear.gather [hbm4b:s31+s4], $0x50, $0x38;
	[tilespmem:$0x16600] =	vst v63  }
0x3a: {  	s19 =	sadd.s32 s6, s19  }
0x3b: {  	[tilespmem:s22], [sflag:$0x2] =	stream.linear.gather [hbm4b:s19+s4], $0x50, $0x38;
	[tilespmem:$0x16600] =	vst v63  }
0x3c: {  	_ = 	snop  }
0x3d: {  	[tilespmem:s28], [sflag:$0x1] =	stream.indirect.gather [hbm4b:s5+s26], $0x80, s24, s26, $0xb8;
	[tilespmem:$0x16600] =	vst v63  }
0x3e: {  	_ =	swait.ge [sflag:s29], $0x2800  }
0x3f: {  	[sflag:s29] =	ssyncset.done $0x0  }
0x40: {  	[sflag:s29] =	ssyncadd.s32 $0xFFFFD800  }
0x41: {  	[spmem:s2] =	stream.indirect.scatter.add.f32 [tilespmem:s28], [sflag:$0x3], $0x80, s25, s26, $0xb8;
	[tilespmem:$0x16600] =	vst v63  }
0x42: {  	_ =	swait.ge [sflag:s21], $0x2800  }
0x43: {  	[sflag:s21] =	ssyncset.done $0x0  }
0x44: {  	[sflag:s21] =	ssyncadd.s32 $0xFFFFD800  }
0x45: {  	_ =	swait.ge [sflag:s23], $0x50  }
0x46: {  	[sflag:s23] =	ssyncset.done $0x0  }
0x47: {  	[sflag:s23] =	ssyncadd.s32 $0xFFFFFFB0  }
0x48: {  	_ =	swait.ge [sflag:s23], $0x50  }
0x49: {  	[sflag:s23] =	ssyncset.done $0x0  }
0x4a: {  	s7 =	sadd.s32 $0x0, s18;
	[sflag:s23] =	ssyncadd.s32 $0xFFFFFFB0  }
0x4b: {  	[tilespmem:s24], [sflag:$0x2] =	stream.linear.gather [hbm4b:s7+s4], $0x50, $0x38;
	[tilespmem:$0x16600] =	vst v63  }
0x4c: {  	s8 =	sadd.s32 $0x0, s17  }
0x4d: {  	[tilespmem:s25], [sflag:$0x2] =	stream.linear.gather [hbm4b:s8+s4], $0x50, $0x38;
	[tilespmem:$0x16600] =	vst v63  }
0x4e: {  	_ = 	snop  }
0x4f: {  	[tilespmem:s28], [sflag:$0x1] =	stream.indirect.gather [hbm4b:s5+s26], $0x80, s4, s26, $0xb8;
	[tilespmem:$0x16600] =	vst v63  }
0x50: {  	_ =	swait.ge [sflag:s29], $0x2800  }
0x51: {  	[sflag:s29] =	ssyncset.done $0x0  }
0x52: {  	[sflag:s29] =	ssyncadd.s32 $0xFFFFD800  }
0x53: {  	[spmem:s2] =	stream.indirect.scatter.add.f32 [tilespmem:s28], [sflag:$0x3], $0x80, s22, s26, $0xb8;
	[tilespmem:$0x16600] =	vst v63  }
0x54: {  	_ =	swait.ge [sflag:s21], $0x2800  }
0x55: {  	s31 =	simm.s32 $0x14;
	s19 =	smov.u32 s0;
	[sflag:s21] =	ssyncset.done $0x0  }
.LBB2_2:
0x56: {  	p0 =	sne.s32 s31, $0x4B0;
	[sflag:s21] =	ssyncadd.s32 $0xFFFFD800;
	s19 =	sadd.s32 $0xA0, s19  }
0x57: {  	s3 =	smov.u32 s31;
	s31 =	sadd.s32 $0x14, s31;
	_ =	swait.ge [sflag:s23], $0x50  }
0x58: {  	[sflag:s23] =	ssyncset.done $0x0  }
0x59: {  	[sflag:s23] =	ssyncadd.s32 $0xFFFFFFB0  }
0x5a: {  	_ =	swait.ge [sflag:s23], $0x50  }
0x5b: {  	s7 =	sshrl.u32 s19, $0x3;
	[sflag:s23] =	ssyncset.done $0x0  }
0x5c: {  	s8 =	sadd.s32 s1, s7;
	[sflag:s23] =	ssyncadd.s32 $0xFFFFFFB0  }
0x5d: {  	[tilespmem:s4], [sflag:$0x2] =	stream.linear.gather [hbm4b:s8+s4], $0x50, $0x38;
	[tilespmem:$0x16600] =	vst v63  }
0x5e: {  	s7 =	sadd.s32 s6, s7  }
0x5f: {  	[tilespmem:s22], [sflag:$0x2] =	stream.linear.gather [hbm4b:s7+s4], $0x50, $0x38;
	[tilespmem:$0x16600] =	vst v63  }
0x60: {  	_ = 	snop  }
0x61: {  	[tilespmem:s28], [sflag:$0x1] =	stream.indirect.gather [hbm4b:s5+s26], $0x80, s24, s26, $0xb8;
	[tilespmem:$0x16600] =	vst v63  }
0x62: {  	_ =	swait.ge [sflag:s29], $0x2800  }
0x63: {  	[sflag:s29] =	ssyncset.done $0x0  }
0x64: {  	[sflag:s29] =	ssyncadd.s32 $0xFFFFD800  }
0x65: {  	[spmem:s2] =	stream.indirect.scatter.add.f32 [tilespmem:s28], [sflag:$0x3], $0x80, s25, s26, $0xb8;
	[tilespmem:$0x16600] =	vst v63  }
0x66: {  	_ =	swait.ge [sflag:s21], $0x2800  }
0x67: {  	[sflag:s21] =	ssyncset.done $0x0  }
0x68: {  	[sflag:s21] =	ssyncadd.s32 $0xFFFFD800  }
0x69: {  	_ =	swait.ge [sflag:s23], $0x50  }
0x6a: {  	[sflag:s23] =	ssyncset.done $0x0  }
0x6b: {  	[sflag:s23] =	ssyncadd.s32 $0xFFFFFFB0  }
0x6c: {  	_ =	swait.ge [sflag:s23], $0x50  }
0x6d: {  	[sflag:s23] =	ssyncset.done $0x0  }
0x6e: {  	s7 =	sadd.s32 s3, s18;
	[sflag:s23] =	ssyncadd.s32 $0xFFFFFFB0  }
0x6f: {  	[tilespmem:s24], [sflag:$0x2] =	stream.linear.gather [hbm4b:s7+s4], $0x50, $0x38;
	[tilespmem:$0x16600] =	vst v63  }
0x70: {  	s3 =	sadd.s32 s3, s17  }
0x71: {  	[tilespmem:s25], [sflag:$0x2] =	stream.linear.gather [hbm4b:s3+s4], $0x50, $0x38;
	[tilespmem:$0x16600] =	vst v63  }
0x72: {  	_ = 	snop  }
0x73: {  	[tilespmem:s28], [sflag:$0x1] =	stream.indirect.gather [hbm4b:s5+s26], $0x80, s4, s26, $0xb8;
	[tilespmem:$0x16600] =	vst v63  }
0x74: {  	_ =	swait.ge [sflag:s29], $0x2800  }
.Ltmp0:
0x75: {  	[sflag:s29] =	ssyncset.done $0x0;
	(pc) =	sbr.rel @p0 .LBB2_2-.Ltmp0, $4  }
0x76: {  	[sflag:s29] =	ssyncadd.s32 $0xFFFFD800  }
0x77: {  	[spmem:s2] =	stream.indirect.scatter.add.f32 [tilespmem:s28], [sflag:$0x3], $0x80, s22, s26, $0xb8;
	[tilespmem:$0x16600] =	vst v63  }
0x78: {  	_ =	swait.ge [sflag:s21], $0x2800  }
0x79: {  	[sflag:s21] =	ssyncset.done $0x0  }
0x7a: {  	[sflag:s21] =	ssyncadd.s32 $0xFFFFD800  }
0x7b: {  	_ =	swait.ge [sflag:s23], $0x50  }
0x7c: {  	[sflag:s23] =	ssyncset.done $0x0  }
0x7d: {  	[sflag:s23] =	ssyncadd.s32 $0xFFFFFFB0  }
0x7e: {  	_ =	swait.ge [sflag:s23], $0x50  }
0x7f: {  	[sflag:s23] =	ssyncset.done $0x0  }
0x80: {  	[sflag:s23] =	ssyncadd.s32 $0xFFFFFFB0  }
0x81: {  	[tilespmem:s4], [sflag:$0x2] =	stream.linear.gather [hbm4b:s11+s4], $0x50, $0x38;
	[tilespmem:$0x16600] =	vst v63  }
0x82: {  	_ = 	snop  }
0x83: {  	[tilespmem:s22], [sflag:$0x2] =	stream.linear.gather [hbm4b:s12+s4], $0x50, $0x38;
	[tilespmem:$0x16600] =	vst v63  }
0x84: {  	_ = 	snop  }
0x85: {  	[tilespmem:s28], [sflag:$0x1] =	stream.indirect.gather [hbm4b:s5+s26], $0x80, s24, s26, $0xb8;
	[tilespmem:$0x16600] =	vst v63  }
0x86: {  	_ =	swait.ge [sflag:s29], $0x2800  }
0x87: {  	[sflag:s29] =	ssyncset.done $0x0  }
0x88: {  	[sflag:s29] =	ssyncadd.s32 $0xFFFFD800  }
0x89: {  	[spmem:s2] =	stream.indirect.scatter.add.f32 [tilespmem:s28], [sflag:$0x3], $0x80, s25, s26, $0xb8;
	[tilespmem:$0x16600] =	vst v63  }
0x8a: {  	_ =	swait.ge [sflag:s21], $0x2800  }
0x8b: {  	[sflag:s21] =	ssyncset.done $0x0  }
0x8c: {  	[sflag:s21] =	ssyncadd.s32 $0xFFFFD800  }
0x8d: {  	_ =	swait.ge [sflag:s23], $0x50  }
0x8e: {  	[sflag:s23] =	ssyncset.done $0x0  }
0x8f: {  	[sflag:s23] =	ssyncadd.s32 $0xFFFFFFB0  }
0x90: {  	_ =	swait.ge [sflag:s23], $0x50  }
0x91: {  	[sflag:s23] =	ssyncset.done $0x0  }
0x92: {  	[sflag:s23] =	ssyncadd.s32 $0xFFFFFFB0  }
0x93: {  	[tilespmem:s28], [sflag:$0x1] =	stream.indirect.gather [hbm4b:s5+s26], $0x80, s4, s26, $0xb8;
	[tilespmem:$0x16600] =	vst v63  }
0x94: {  	_ =	swait.ge [sflag:s29], $0x2800  }
0x95: {  	[sflag:s29] =	ssyncset.done $0x0  }
0x96: {  	[sflag:s29] =	ssyncadd.s32 $0xFFFFD800  }
0x97: {  	[spmem:s2] =	stream.indirect.scatter.add.f32 [tilespmem:s28], [sflag:$0x3], $0x80, s22, s26, $0xb8;
	[tilespmem:$0x16600] =	vst v63  }
0x98: {  	_ =	swait.ge [sflag:s21], $0x2800  }
0x99: {  	s30 =	sadd.s32 $0x1, s30;
	[sflag:s21] =	ssyncset.done $0x0  }
0x9a: {  	p0 =	sne.s32 s30, s14;
	[sflag:s21] =	ssyncadd.s32 $0xFFFFD800  }
.Ltmp1:
0x9b: {  	[bflag:$0x0] =	sbarrier.arrive $0xFFFF;
	(pc) =	sbr.rel @p0 .LBB2_1-.Ltmp1, $4  }
0x9c: {  	[hbm:s13], [sflag:s16] =	dma.local [spmem:s20], $0x2780  }
0x9d: {  	_ =	swait.ge [sflag:s21], $0x2780  }
0x9e: {  	[sflag:s21] =	ssyncset.done $0x0  }
0x9f: {  	[sflag:s21] =	ssyncadd.s32 $0xFFFFD880  }
0xa0: {  	_ =	sfence.sel $0x180000  }
0xa1: {  	[bflag:$0x0] =	sbarrier.arrive $0xFFFF  }
0xa2: {  	_ =	strace $0x9000004D  }
0xa3: {  	s0 =	stileid.u32;
	[bflag:$0x2] =	sbarrier.arrive $0xFFFF  }
0xa4: {  	p0 =	sne.s32 s0, $0x0;
	s0 =	rddreg [dreg:$0x3]  }
0xa5: {  	s0 =	sadd.s32 @!p0 $0x100000, s0  }
0xa6: {  	[sflag:s0] =	ssyncadd.tile.s32 @!p0 $0x1;
	_ =	shalt  }
.Lfunc_end2:
_tile_overlayer_lowered:
.L_overlay_start_2:
0xa7: {  	(tag) =	ssettag $0x2  }
0xa8: {  	s0 =	rddreg [dreg:$0x0];
	s2 =	stileid.u32  }
0xa9: {  	s1 =	rddreg [dreg:$0x1];
	p0 =	sne.s32 s2, $0x0  }
0xaa: {  	s3 =	rddreg [dreg:$0x2];
	[bflag:$0x3] =	sbarrier.arrive $0xFFFF;
	s2 =	simm.s32 @!p0 $0x1C03  }
0xab: {  	[timem:s3], [sflag:s2] =	dma.local @!p0 [hbm:s0], s1  }
0xac: {  	s0 =	simm.s32 @!p0 $0x3  }
0xad: {  	_ =	swait.ge @!p0 [sflag:s0], s1  }
0xae: {  	s1 =	ssub.s32 @!p0 $0x0, s1;
	[sflag:s0] =	ssyncset.done @!p0 $0x0  }
0xaf: {  	[sflag:s0] =	ssyncadd.s32 @!p0 s1  }
0xb0: {  	[bflag:$0x3] =	sbarrier.arrive $0xFFFF  }
0xb1: {  	_ =	shalt  }

// kernel: kernel.20.cloned.1.call-start
scs
__scs_entry_jumppad:
0x0: {  	(pc) =	sbr.rel $0x88, $3  }
0x1: {  	(tag) =	ssettag $0x0;
	lr =	simm.s32 $0x1  }
0x2: {  	[smem:$0x3F97] =	sst lr;
	_ =	strace $0xD0000000  }
0x3: {  	_ = 	snop  }
0x4: {  	_ = 	snop  }
0x5: {  	_ = 	snop  }
0x6: {  	_ = 	snop  }
0x7: {  	_ = 	snop  }
__scs_overlays_trampoline_lowered:
0x8: {  	[smem:$0x3FA6] =	sst s0  }
0x9: {  	[smem:$0x3FA7] =	sst s1  }
0xa: {  	[smem:$0x3FA8] =	sst s2  }
0xb: {  	[smem:$0x3FA9] =	sst s3  }
0xc: {  	[smem:$0x3FAA] =	sst s4  }
0xd: {  	[smem:$0x3FAB] =	sst s5  }
0xe: {  	[smem:$0x3FAC] =	sst s6  }
0xf: {  	[smem:$0x3FAD] =	sst s7  }
0x10: {  	[smem:$0x3FAE] =	sst s8  }
0x11: {  	[smem:$0x3FAF] =	sst s9;
	s0 =	simm.s32 @!p0 $0x0  }
0x12: {  	s1 =	sld [smem:$0x3F95];
	s0 =	simm.s32 @p0 $0x1  }
0x13: {  	[smem:$0x3FB0] =	sst s0;
	s0 =	simm.s32 @!p1 $0x0  }
0x14: {  	s2 =	sld [smem:$0x3F94];
	s0 =	simm.s32 @p1 $0x1  }
0x15: {  	[smem:$0x3FB1] =	sst s0;
	s0 =	simm.s32 @!p2 $0x0  }
0x16: {  	s3 =	sld [smem:$0x3FDB];
	s0 =	simm.s32 @p2 $0x1  }
0x17: {  	s4 =	simm.s32 $0x1BF5;
	[smem:$0x3FB3] =	sst s0  }
0x18: {  	s0 =	sld [smem:$0x3F96];
	_ =	swait.ge [sflag:s4], $0x0  }
0x19: {  	s7 =	sld [smem:$0x3F97]  }
0x1a: {  	s8 =	sadd.s32 $0xFFFFE003, lr  }
0x1b: {  	s9 =	sadd.s32 $0xFFFFFEF7, lr;
	s5 =	simm.s32 $0xFFFFFFFF;
	p2 =	slt.u32 s8, $0xFFFFF086  }
0x1c: {  	p1 =	slt.u32 s9, $0xF7A;
	s5 =	simm.s32 @!p2 $0x0  }
0x1d: {  	s5 =	simm.s32 @p1 $0x1;
	p0 =	seq.s32 s7, s2  }
0x1e: {  	s7 =	smul.u32 @!p0 $0xF7A, s2;
	p2 =	seq.s32 @!p0 s5, $0x0  }
0x1f: {  	s9 =	smul.u32 $0xF7A, s1;
	s8 =	simm.s32 @!p0 $0x1BF5;
	p2 =	por !p2, p0  }
0x20: {  	[sflag:s8] =	ssyncset.s32 @!p0 $0xFFFFF086;
	s6 =	sadd.s32 @!p0 s3, s7;
	s7 =	simm.s32 @!p0 $0x108  }
0x21: {  	s3 =	sadd.s32 s3, s9;
	s6 =	sadd.s32 @!p0 $0x88, s6;
	s7 =	simm.s32 @p2 $0x1082  }
0x22: {  	[simem:s7], [sflag:s8] =	dma.local @!p0 [hbm:s6], $0xF7A  }
0x23: {  	s9 =	sor.u32 $0xD0000000, s2;
	s6 =	simm.s32 $0x108;
	_ =	swait.ge @!p0 [sflag:s8], $0x0  }
0x24: {  	s3 =	sadd.s32 $0x88, s3;
	s6 =	simm.s32 @!p1 $0x1082;
	[sflag:s4] =	ssyncset.s32 $0xFFFFF086  }
0x25: {  	[simem:s6], [sflag:s4] =	dma.local [hbm:s3], $0xF7A  }
0x26: {  	[smem:$0x3F97] =	sst s1;
	(tag) =	ssettag s2;
	_ =	strace s9  }
0x27: {  	s1 =	sld [smem:$0x3FA7]  }
0x28: {  	s2 =	sld [smem:$0x3FA8]  }
0x29: {  	s4 =	sld [smem:$0x3FAA]  }
0x2a: {  	p0 =	seq.s32 s5, $0x0;
	s5 =	sld [smem:$0x3FAB]  }
0x2b: {  	s6 =	sld [smem:$0x3FAC]  }
0x2c: {  	s7 =	sld [smem:$0x3FAD]  }
0x2d: {  	s3 =	simm.s32 $0x108;
	s8 =	sld [smem:$0x3FAE]  }
0x2e: {  	s3 =	simm.s32 @!p0 $0x1082;
	s9 =	sld [smem:$0x3FAF]  }
0x2f: {  	lr =	sadd.s32 s0, s3;
	s0 =	sld [smem:$0x3FA6]  }
0x30: {  	s3 =	sld [smem:$0x3FA9]  }
0x31: {  	[smem:$0x3FB2] =	sst s10  }
0x32: {  	s10 =	sld [smem:$0x3FB0];
	_ =	sdelay $0x3  }
0x33: {  	p0 =	seq.s32 s10, $0x1;
	s10 =	sld [smem:$0x3FB2];
	_ =	sdelay $0x3  }
0x34: {  	[smem:$0x3FB2] =	sst s10  }
0x35: {  	s10 =	sld [smem:$0x3FB1];
	_ =	sdelay $0x3  }
0x36: {  	p1 =	seq.s32 s10, $0x1;
	s10 =	sld [smem:$0x3FB2];
	_ =	sdelay $0x3  }
0x37: {  	[smem:$0x3FB2] =	sst s10  }
0x38: {  	s10 =	sld [smem:$0x3FB3]  }
0x39: {  	_ = 	snop;
	(pc) =	sbr.ind lr, $3  }
0x3a: {  	_ = 	snop  }
0x3b: {  	_ = 	snop  }
0x3c: {  	p2 =	seq.s32 s10, $0x1;
	s10 =	sld [smem:$0x3FB2]  }
0x3d: {  	_ =	shalt  }
0x3e: {  	_ =	shalt  }
0x3f: {  	_ =	shalt  }
0x40: {  	_ =	shalt  }
0x41: {  	_ =	shalt  }
0x42: {  	_ =	shalt  }
0x43: {  	_ =	shalt  }
0x44: {  	_ =	shalt  }
0x45: {  	_ =	shalt  }
0x46: {  	_ =	shalt  }
0x47: {  	_ =	shalt  }
0x48: {  	_ =	shalt  }
0x49: {  	_ =	shalt  }
0x4a: {  	_ =	shalt  }
0x4b: {  	_ =	shalt  }
0x4c: {  	_ =	shalt  }
0x4d: {  	_ =	shalt  }
0x4e: {  	_ =	shalt  }
0x4f: {  	_ =	shalt  }
0x50: {  	_ =	shalt  }
0x51: {  	_ =	shalt  }
0x52: {  	_ =	shalt  }
0x53: {  	_ =	shalt  }
0x54: {  	_ =	shalt  }
0x55: {  	_ =	shalt  }
0x56: {  	_ =	shalt  }
0x57: {  	_ =	shalt  }
0x58: {  	_ =	shalt  }
0x59: {  	_ =	shalt  }
0x5a: {  	_ =	shalt  }
0x5b: {  	_ =	shalt  }
0x5c: {  	_ =	shalt  }
0x5d: {  	_ =	shalt  }
0x5e: {  	_ =	shalt  }
0x5f: {  	_ =	shalt  }
0x60: {  	_ =	shalt  }
0x61: {  	_ =	shalt  }
0x62: {  	_ =	shalt  }
0x63: {  	_ =	shalt  }
0x64: {  	_ =	shalt  }
0x65: {  	_ =	shalt  }
0x66: {  	_ =	shalt  }
0x67: {  	_ =	shalt  }
0x68: {  	_ =	shalt  }
0x69: {  	_ =	shalt  }
0x6a: {  	_ =	shalt  }
0x6b: {  	_ =	shalt  }
0x6c: {  	_ =	shalt  }
0x6d: {  	_ =	shalt  }
0x6e: {  	_ =	shalt  }
0x6f: {  	_ =	shalt  }
0x70: {  	_ =	shalt  }
0x71: {  	_ =	shalt  }
0x72: {  	_ =	shalt  }
0x73: {  	_ =	shalt  }
0x74: {  	_ =	shalt  }
0x75: {  	_ =	shalt  }
0x76: {  	_ =	shalt  }
0x77: {  	_ =	shalt  }
0x78: {  	_ =	shalt  }
0x79: {  	_ =	shalt  }
0x7a: {  	_ =	shalt  }
0x7b: {  	_ =	shalt  }
0x7c: {  	_ =	shalt  }
0x7d: {  	_ =	shalt  }
0x7e: {  	_ =	shalt  }
0x7f: {  	_ =	shalt  }
0x80: {  	_ =	shalt  }
0x81: {  	_ =	shalt  }
0x82: {  	_ =	shalt  }
0x83: {  	_ =	shalt  }
0x84: {  	_ =	shalt  }
0x85: {  	_ =	shalt  }
0x86: {  	_ =	shalt  }
0x87: {  	_ =	shalt  }
.Lfunc_end0:
.L_simem_size_0:
called_computation.3_lowered:
.L_overlay_start_0:
0x88: {  	s2 =	sld [smem:$0x3FD9]  }
0x89: {  	s3 =	sld [smem:$0x3FFE];
	_ =	sdelay $0x1  }
0x8a: {  	s1 =	srdreg.scid  }
0x8b: {  	s0 =	sand.u32 $0x1, s1  }
0x8c: {  	s17 =	sshll.u32 s0, $0xA;
	s2 =	sadd.s32 s3, s2  }
0x8d: {  	s2 =	sadd.s32 s2, s17  }
0x8e: {  	[smem:$0x3FBE] =	sst s2  }
0x8f: {  	_ = 	snop  }
0x90: {  	s2 =	sld [smem:$0x3FD0];
	(tm) =	ssettm $0x1  }
0x91: {  	s18 =	sld [smem:$0x3FFB];
	_ =	sdelay $0x3  }
0x92: {  	_ =	strace s18  }
0x93: {  	s3 =	sld [smem:$0x3FFC];
	_ =	sdelay $0x3  }
0x94: {  	_ =	strace s3  }
0x95: {  	s3 =	sld [smem:$0x3FFD];
	_ =	sdelay $0x3  }
0x96: {  	_ =	strace s3  }
0x97: {  	_ =	strace $0x8FFFFFFF  }
0x98: {  	s19 =	sld [smem:$0x3FDB];
	_ =	sdelay $0x1  }
0x99: {  	s4 =	simm.s32 $_scs_section_size  }
0x9a: {  	s5 =	simm.s32 $_size__tile_overlayer_lowered;
	s6 =	simm.s32 $_tile_overlayer_lowered  }
0x9b: {  	s22 =	simm.s32 $0x1BFF;
	s21 =	sshll.u32 s6, $0x1;
	s3 =	sadd.s32 s4, s19  }
0x9c: {  	s7 =	simm.s32 $0x0;
	s20 =	sshll.u32 s5, $0x1;
	s5 =	sadd.s32 s21, s3  }
0x9d: {  	[timem:s7], [sflag:s22] =	dma.local [hbm:s5], s20  }
0x9e: {  	_ =	swait.ge [sflag:s22], s20  }
0x9f: {  	s4 =	ssub.s32 $0x0, s20;
	[sflag:s22] =	ssyncset.done $0x0  }
0xa0: {  	[sflag:s22] =	ssyncadd.s32 s4;
	_ =	sdelay $0x1  }
0xa1: {  	s23 =	simm.s32 $0x1B8B  }
0xa2: {  	_ =	swait.ge [sflag:s23], $0x1  }
0xa3: {  	[sflag:s23] =	ssyncset.done $0x0  }
0xa4: {  	s25 =	simm.s32 $0x1B8E;
	s24 =	sld [smem:$0x3FFE];
	[sflag:s23] =	ssyncadd.s32 $0xFFFFFFFF  }
0xa5: {  	s26 =	simm.s32 $execute0_lowered;
	[smem:$0x3FD2] =	sst s25  }
0xa6: {  	s5 =	sshll.u32 s26, $0x1;
	_ =	strace $0x8000004F;
	[dreg:$0x1] =	wrdreg $0xFFFFFFFF  }
0xa7: {  	s28 =	simm.s32 $_size_execute0_lowered;
	s3 =	sadd.s32 s3, s5;
	[dreg:$0x0] =	wrdreg $0x0  }
0xa8: {  	s5 =	sshll.u32 s28, $0x1;
	[dreg:$0x2] =	wrdreg s3  }
0xa9: {  	[dreg:$0x3] =	wrdreg s5  }
0xaa: {  	[dreg:$0x4] =	wrdreg $0xC0  }
0xab: {  	_ =	task [dreg:s7], $0x5FFFF  }
0xac: {  	[dreg:$0x1] =	wrdreg $0xFFFFFFFF  }
0xad: {  	[dreg:$0x0] =	wrdreg $0x60  }
0xae: {  	[dreg:$0x2] =	wrdreg s24  }
0xaf: {  	[dreg:$0x3] =	wrdreg s2  }
0xb0: {  	[dreg:$0x4] =	wrdreg $0x2A000  }
0xb1: {  	[dreg:$0x5] =	wrdreg $0x9  }
0xb2: {  	_ =	task.clear_ibuf [dreg:s7], $0x6FFFF;
	_ =	strace $0x9000004F  }
0xb3: {  	s29 =	simm.s32 $0x9;
	_ =	strace $0x80000051  }
0xb4: {  	_ =	swait.ge [sflag:s29], $0x1  }
0xb5: {  	[sflag:s29] =	ssyncadd.s32 $0xFFFFFFFF  }
0xb6: {  	_ =	strace $0x90000051  }
0xb7: {  	_ =	sfence  }
0xb8: {  	s30 =	sld [smem:$0x0];
	_ =	sdelay $0x2  }
0xb9: {  	s31 =	sshll.u32 s1, $0xD;
	s1 =	sshrl.u32 s1, $0x2  }
0xba: {  	s3 =	sand.u32 $0x4000, s31;
	s1 =	sadd.s32 s1, s30  }
0xbb: {  	s0 =	sor.u32 s3, s0;
	s1 =	sshll.u32 s1, $0x11  }
0xbc: {  	s0 =	sor.u32 s1, s0  }
0xbd: {  	s0 =	sadd.s32 $0x8F2B, s0  }
0xbe: {  	[sflag:s0] =	ssyncadd.remote.s32 $0x1  }
0xbf: {  	_ =	sfence.sel $0xFFFF  }
0xc0: {  	[dreg:$0x0] =	wrdreg $0xFFFFFFFF;
	(pc) =	sbr.abs _section_cstart, $3  }
0xc1: {  	[dreg:$0x1] =	wrdreg $0xFFFFFFFF  }
0xc2: {  	_ =	task.clear_ibuf [dreg:s7], $0x2FFFF;
	_ =	strace $0x9FFFFFFF  }
0xc3: {  	(tm) =	ssettm $0x7FFFFFFF  }
tec
execute0_lowered:
.L_overlay_start_1:
0x0: {  	(tag) =	ssettag $0x1  }
0x1: {  	s0 =	rddreg [dreg:$0x0]  }
0x2: {  	s1 =	rddreg [dreg:$0x1]  }
0x3: {  	s2 =	rddreg [dreg:$0x2]  }
0x4: {  	s3 =	srdreg.scid;
	s4 =	simm.s32 $0x0;
	s18 =	stileid.u32  }
0x5: {  	s28 =	simm.s32 $0x200;
	s29 =	simm.s32 $0x1;
	s9 =	smul.u32 $0x13C00, s18  }
0x6: {  	s30 =	simm.s32 $0x0;
	s8 =	sand.u32 $0x1, s3;
	s11 =	smul.u32 $0x4F000, s18  }
0x7: {  	[smem:$0x7FF] =	sst s4;
	s5 =	sadd.s32 $0x34400, s0;
	s16 =	smul.u32 $0x2780, s18  }
0x8: {  	s6 =	sadd.s32 $0x2E00, s0;
	s15 =	sadd.s32 $0xCC00, s0;
	s17 =	smul.u32 $0x2710, s18  }
0x9: {  	s31 =	sshll.u32 s18, $0x6;
	s7 =	smul.u32 $0x13C000, s8;
	_ =	strace $0x80000050  }
0xa: {  	s19 =	sshll.u32 s8, $0x4;
	s10 =	ssub.s32 $0x2, s8;
	p0 =	seq.s32 s8, $0x0  }
0xb: {  	s13 =	smul.u32 $0x27100, s8;
	s12 =	sshrl.u32 s10, $0x1;
	s20 =	sshrl.u32 s11, $0x2  }
0xc: {  	s15 =	smov.u32 @p0 s5;
	s7 =	sadd.s32 s9, s7;
	s9 =	sor.u32 s18, s19  }
0xd: {  	s14 =	ssub.s32 s10, s12;
	s19 =	sadd.s32 s20, s2;
	s20 =	sadd.s32 s17, s13  }
0xe: {  	s15 =	sadd.s32 s15, s16;
	s7 =	sshrl.u32 s7, $0x3;
	s9 =	smul.u32 $0x2710, s9  }
0xf: {  	s16 =	sor.u32 $0x1C03, s31;
	s14 =	smax.u32 s14, $0x1;
	s0 =	sadd.s32 s7, s0  }
0x10: {  	s26 =	sadd.s32 $0xF0, s20;
	s21 =	sshrl.u32 s9, $0x3;
	s13 =	sadd.s32 $0x5BC00, s0  }
0x11: {  	s0 =	sshrl.u32 s26, $0x3;
	s26 =	simm.s32 $0x50;
	s22 =	sadd.s32 s1, s21  }
0x12: {  	s23 =	sadd.s32 s6, s21;
	s24 =	sadd.s32 $0xA, s21;
	s25 =	sadd.s32 $0x4D8, s21  }
0x13: {  	s17 =	sadd.s32 s0, s6;
	s18 =	sadd.s32 s0, s1;
	s0 =	sadd.s32 $0xA0, s20  }
0x14: {  	s20 =	sshrl.u32 s19, $0x3;
	s21 =	simm.s32 $0x3;
	[dreg:$0x4] =	wrdreg s22  }
0x15: {  	[dreg:$0x5] =	wrdreg s23;
	s9 =	sadd.s32 s1, s24;
	s10 =	sadd.s32 s6, s24  }
0x16: {  	s11 =	sadd.s32 s1, s25;
	s12 =	sadd.s32 s6, s25;
	s22 =	simm.s32 $0x100  }
0x17: {  	s23 =	simm.s32 $0x2;
	s24 =	simm.s32 $0x80;
	s25 =	simm.s32 $0x180  }
.LBB2_1:
0x18: {  	[spmem:s20], [sflag:s16] =	dma.local [hbm:s15], $0x2780  }
0x19: {  	_ =	swait.ge [sflag:s21], $0x2780  }
0x1a: {  	[sflag:s21] =	ssyncset.done $0x0  }
0x1b: {  	[sflag:s21] =	ssyncadd.s32 $0xFFFFD880  }
0x1c: {  	[bflag:$0x0] =	sbarrier.arrive $0xFFFF  }
0x1d: {  	s3 =	rddreg [dreg:$0x4]  }
0x1e: {  	[tilespmem:s4], [sflag:$0x2] =	stream.linear.gather [hbm4b:s3+s4], $0x50, $0x38;
	[tilespmem:$0x16600] =	vst v63  }
0x1f: {  	s19 =	rddreg [dreg:$0x5]  }
0x20: {  	[tilespmem:s22], [sflag:$0x2] =	stream.linear.gather [hbm4b:s19+s4], $0x50, $0x38;
	[tilespmem:$0x16600] =	vst v63  }
0x21: {  	_ =	swait.ge [sflag:s23], $0x50  }
0x22: {  	[sflag:s23] =	ssyncset.done $0x0  }
0x23: {  	[sflag:s23] =	ssyncadd.s32 $0xFFFFFFB0  }
0x24: {  	_ =	swait.ge [sflag:s23], $0x50  }
0x25: {  	[sflag:s23] =	ssyncset.done $0x0  }
0x26: {  	[sflag:s23] =	ssyncadd.s32 $0xFFFFFFB0  }
0x27: {  	[tilespmem:s24], [sflag:$0x2] =	stream.linear.gather [hbm4b:s9+s4], $0x50, $0x38;
	[tilespmem:$0x16600] =	vst v63  }
0x28: {  	_ = 	snop  }
0x29: {  	[tilespmem:s25], [sflag:$0x2] =	stream.linear.gather [hbm4b:s10+s4], $0x50, $0x38;
	[tilespmem:$0x16600] =	vst v63  }
0x2a: {  	_ = 	snop  }
0x2b: {  	[tilespmem:s28], [sflag:$0x1] =	stream.indirect.gather [hbm4b:s5+s26], $0x80, s4, s26, $0xb8;
	[tilespmem:$0x16600] =	vst v63  }
0x2c: {  	_ =	swait.ge [sflag:s29], $0x2800  }
0x2d: {  	[sflag:s29] =	ssyncset.done $0x0  }
0x2e: {  	[sflag:s29] =	ssyncadd.s32 $0xFFFFD800  }
0x2f: {  	[spmem:s2] =	stream.indirect.scatter.add.f32 [tilespmem:s28], [sflag:$0x3], $0x80, s22, s26, $0xb8;
	[tilespmem:$0x16600] =	vst v63  }
0x30: {  	_ =	swait.ge [sflag:s21], $0x2800  }
0x31: {  	[sflag:s21] =	ssyncset.done $0x0  }
0x32: {  	[sflag:s21] =	ssyncadd.s32 $0xFFFFD800  }
0x33: {  	_ =	swait.ge [sflag:s23], $0x50  }
0x34: {  	[sflag:s23] =	ssyncset.done $0x0  }
0x35: {  	[sflag:s23] =	ssyncadd.s32 $0xFFFFFFB0  }
0x36: {  	_ =	swait.ge [sflag:s23], $0x50  }
0x37: {  	s19 =	sshrl.u32 s0, $0x3;
	[sflag:s23] =	ssyncset.done $0x0  }
0x38: {  	s31 =	sadd.s32 s1, s19;
	[sflag:s23] =	ssyncadd.s32 $0xFFFFFFB0  }
0x39: {  	[tilespmem:s4], [sflag:$0x2] =	stream.linear.gather [hbm4b:s31+s4], $0x50, $0x38;
	[tilespmem:$0x16600] =	vst v63  }
0x3a: {  	s19 =	sadd.s32 s6, s19  }
0x3b: {  	[tilespmem:s22], [sflag:$0x2] =	stream.linear.gather [hbm4b:s19+s4], $0x50, $0x38;
	[tilespmem:$0x16600] =	vst v63  }
0x3c: {  	_ = 	snop  }
0x3d: {  	[tilespmem:s28], [sflag:$0x1] =	stream.indirect.gather [hbm4b:s5+s26], $0x80, s24, s26, $0xb8;
	[tilespmem:$0x16600] =	vst v63  }
0x3e: {  	_ =	swait.ge [sflag:s29], $0x2800  }
0x3f: {  	[sflag:s29] =	ssyncset.done $0x0  }
0x40: {  	[sflag:s29] =	ssyncadd.s32 $0xFFFFD800  }
0x41: {  	[spmem:s2] =	stream.indirect.scatter.add.f32 [tilespmem:s28], [sflag:$0x3], $0x80, s25, s26, $0xb8;
	[tilespmem:$0x16600] =	vst v63  }
0x42: {  	_ =	swait.ge [sflag:s21], $0x2800  }
0x43: {  	[sflag:s21] =	ssyncset.done $0x0  }
0x44: {  	[sflag:s21] =	ssyncadd.s32 $0xFFFFD800  }
0x45: {  	_ =	swait.ge [sflag:s23], $0x50  }
0x46: {  	[sflag:s23] =	ssyncset.done $0x0  }
0x47: {  	[sflag:s23] =	ssyncadd.s32 $0xFFFFFFB0  }
0x48: {  	_ =	swait.ge [sflag:s23], $0x50  }
0x49: {  	[sflag:s23] =	ssyncset.done $0x0  }
0x4a: {  	s7 =	sadd.s32 $0x0, s18;
	[sflag:s23] =	ssyncadd.s32 $0xFFFFFFB0  }
0x4b: {  	[tilespmem:s24], [sflag:$0x2] =	stream.linear.gather [hbm4b:s7+s4], $0x50, $0x38;
	[tilespmem:$0x16600] =	vst v63  }
0x4c: {  	s8 =	sadd.s32 $0x0, s17  }
0x4d: {  	[tilespmem:s25], [sflag:$0x2] =	stream.linear.gather [hbm4b:s8+s4], $0x50, $0x38;
	[tilespmem:$0x16600] =	vst v63  }
0x4e: {  	_ = 	snop  }
0x4f: {  	[tilespmem:s28], [sflag:$0x1] =	stream.indirect.gather [hbm4b:s5+s26], $0x80, s4, s26, $0xb8;
	[tilespmem:$0x16600] =	vst v63  }
0x50: {  	_ =	swait.ge [sflag:s29], $0x2800  }
0x51: {  	[sflag:s29] =	ssyncset.done $0x0  }
0x52: {  	[sflag:s29] =	ssyncadd.s32 $0xFFFFD800  }
0x53: {  	[spmem:s2] =	stream.indirect.scatter.add.f32 [tilespmem:s28], [sflag:$0x3], $0x80, s22, s26, $0xb8;
	[tilespmem:$0x16600] =	vst v63  }
0x54: {  	_ =	swait.ge [sflag:s21], $0x2800  }
0x55: {  	s31 =	simm.s32 $0x14;
	s19 =	smov.u32 s0;
	[sflag:s21] =	ssyncset.done $0x0  }
.LBB2_2:
0x56: {  	p0 =	sne.s32 s31, $0x4B0;
	[sflag:s21] =	ssyncadd.s32 $0xFFFFD800;
	s19 =	sadd.s32 $0xA0, s19  }
0x57: {  	s3 =	smov.u32 s31;
	s31 =	sadd.s32 $0x14, s31;
	_ =	swait.ge [sflag:s23], $0x50  }
0x58: {  	[sflag:s23] =	ssyncset.done $0x0  }
0x59: {  	[sflag:s23] =	ssyncadd.s32 $0xFFFFFFB0  }
0x5a: {  	_ =	swait.ge [sflag:s23], $0x50  }
0x5b: {  	s7 =	sshrl.u32 s19, $0x3;
	[sflag:s23] =	ssyncset.done $0x0  }
0x5c: {  	s8 =	sadd.s32 s1, s7;
	[sflag:s23] =	ssyncadd.s32 $0xFFFFFFB0  }
0x5d: {  	[tilespmem:s4], [sflag:$0x2] =	stream.linear.gather [hbm4b:s8+s4], $0x50, $0x38;
	[tilespmem:$0x16600] =	vst v63  }
0x5e: {  	s7 =	sadd.s32 s6, s7  }
0x5f: {  	[tilespmem:s22], [sflag:$0x2] =	stream.linear.gather [hbm4b:s7+s4], $0x50, $0x38;
	[tilespmem:$0x16600] =	vst v63  }
0x60: {  	_ = 	snop  }
0x61: {  	[tilespmem:s28], [sflag:$0x1] =	stream.indirect.gather [hbm4b:s5+s26], $0x80, s24, s26, $0xb8;
	[tilespmem:$0x16600] =	vst v63  }
0x62: {  	_ =	swait.ge [sflag:s29], $0x2800  }
0x63: {  	[sflag:s29] =	ssyncset.done $0x0  }
0x64: {  	[sflag:s29] =	ssyncadd.s32 $0xFFFFD800  }
0x65: {  	[spmem:s2] =	stream.indirect.scatter.add.f32 [tilespmem:s28], [sflag:$0x3], $0x80, s25, s26, $0xb8;
	[tilespmem:$0x16600] =	vst v63  }
0x66: {  	_ =	swait.ge [sflag:s21], $0x2800  }
0x67: {  	[sflag:s21] =	ssyncset.done $0x0  }
0x68: {  	[sflag:s21] =	ssyncadd.s32 $0xFFFFD800  }
0x69: {  	_ =	swait.ge [sflag:s23], $0x50  }
0x6a: {  	[sflag:s23] =	ssyncset.done $0x0  }
0x6b: {  	[sflag:s23] =	ssyncadd.s32 $0xFFFFFFB0  }
0x6c: {  	_ =	swait.ge [sflag:s23], $0x50  }
0x6d: {  	[sflag:s23] =	ssyncset.done $0x0  }
0x6e: {  	s7 =	sadd.s32 s3, s18;
	[sflag:s23] =	ssyncadd.s32 $0xFFFFFFB0  }
0x6f: {  	[tilespmem:s24], [sflag:$0x2] =	stream.linear.gather [hbm4b:s7+s4], $0x50, $0x38;
	[tilespmem:$0x16600] =	vst v63  }
0x70: {  	s3 =	sadd.s32 s3, s17  }
0x71: {  	[tilespmem:s25], [sflag:$0x2] =	stream.linear.gather [hbm4b:s3+s4], $0x50, $0x38;
	[tilespmem:$0x16600] =	vst v63  }
0x72: {  	_ = 	snop  }
0x73: {  	[tilespmem:s28], [sflag:$0x1] =	stream.indirect.gather [hbm4b:s5+s26], $0x80, s4, s26, $0xb8;
	[tilespmem:$0x16600] =	vst v63  }
0x74: {  	_ =	swait.ge [sflag:s29], $0x2800  }
.Ltmp0:
0x75: {  	[sflag:s29] =	ssyncset.done $0x0;
	(pc) =	sbr.rel @p0 .LBB2_2-.Ltmp0, $4  }
0x76: {  	[sflag:s29] =	ssyncadd.s32 $0xFFFFD800  }
0x77: {  	[spmem:s2] =	stream.indirect.scatter.add.f32 [tilespmem:s28], [sflag:$0x3], $0x80, s22, s26, $0xb8;
	[tilespmem:$0x16600] =	vst v63  }
0x78: {  	_ =	swait.ge [sflag:s21], $0x2800  }
0x79: {  	[sflag:s21] =	ssyncset.done $0x0  }
0x7a: {  	[sflag:s21] =	ssyncadd.s32 $0xFFFFD800  }
0x7b: {  	_ =	swait.ge [sflag:s23], $0x50  }
0x7c: {  	[sflag:s23] =	ssyncset.done $0x0  }
0x7d: {  	[sflag:s23] =	ssyncadd.s32 $0xFFFFFFB0  }
0x7e: {  	_ =	swait.ge [sflag:s23], $0x50  }
0x7f: {  	[sflag:s23] =	ssyncset.done $0x0  }
0x80: {  	[sflag:s23] =	ssyncadd.s32 $0xFFFFFFB0  }
0x81: {  	[tilespmem:s4], [sflag:$0x2] =	stream.linear.gather [hbm4b:s11+s4], $0x50, $0x38;
	[tilespmem:$0x16600] =	vst v63  }
0x82: {  	_ = 	snop  }
0x83: {  	[tilespmem:s22], [sflag:$0x2] =	stream.linear.gather [hbm4b:s12+s4], $0x50, $0x38;
	[tilespmem:$0x16600] =	vst v63  }
0x84: {  	_ = 	snop  }
0x85: {  	[tilespmem:s28], [sflag:$0x1] =	stream.indirect.gather [hbm4b:s5+s26], $0x80, s24, s26, $0xb8;
	[tilespmem:$0x16600] =	vst v63  }
0x86: {  	_ =	swait.ge [sflag:s29], $0x2800  }
0x87: {  	[sflag:s29] =	ssyncset.done $0x0  }
0x88: {  	[sflag:s29] =	ssyncadd.s32 $0xFFFFD800  }
0x89: {  	[spmem:s2] =	stream.indirect.scatter.add.f32 [tilespmem:s28], [sflag:$0x3], $0x80, s25, s26, $0xb8;
	[tilespmem:$0x16600] =	vst v63  }
0x8a: {  	_ =	swait.ge [sflag:s21], $0x2800  }
0x8b: {  	[sflag:s21] =	ssyncset.done $0x0  }
0x8c: {  	[sflag:s21] =	ssyncadd.s32 $0xFFFFD800  }
0x8d: {  	_ =	swait.ge [sflag:s23], $0x50  }
0x8e: {  	[sflag:s23] =	ssyncset.done $0x0  }
0x8f: {  	[sflag:s23] =	ssyncadd.s32 $0xFFFFFFB0  }
0x90: {  	_ =	swait.ge [sflag:s23], $0x50  }
0x91: {  	[sflag:s23] =	ssyncset.done $0x0  }
0x92: {  	[sflag:s23] =	ssyncadd.s32 $0xFFFFFFB0  }
0x93: {  	[tilespmem:s28], [sflag:$0x1] =	stream.indirect.gather [hbm4b:s5+s26], $0x80, s4, s26, $0xb8;
	[tilespmem:$0x16600] =	vst v63  }
0x94: {  	_ =	swait.ge [sflag:s29], $0x2800  }
0x95: {  	[sflag:s29] =	ssyncset.done $0x0  }
0x96: {  	[sflag:s29] =	ssyncadd.s32 $0xFFFFD800  }
0x97: {  	[spmem:s2] =	stream.indirect.scatter.add.f32 [tilespmem:s28], [sflag:$0x3], $0x80, s22, s26, $0xb8;
	[tilespmem:$0x16600] =	vst v63  }
0x98: {  	_ =	swait.ge [sflag:s21], $0x2800  }
0x99: {  	s30 =	sadd.s32 $0x1, s30;
	[sflag:s21] =	ssyncset.done $0x0  }
0x9a: {  	p0 =	sne.s32 s30, s14;
	[sflag:s21] =	ssyncadd.s32 $0xFFFFD800  }
.Ltmp1:
0x9b: {  	[bflag:$0x0] =	sbarrier.arrive $0xFFFF;
	(pc) =	sbr.rel @p0 .LBB2_1-.Ltmp1, $4  }
0x9c: {  	[hbm:s13], [sflag:s16] =	dma.local [spmem:s20], $0x2780  }
0x9d: {  	_ =	swait.ge [sflag:s21], $0x2780  }
0x9e: {  	[sflag:s21] =	ssyncset.done $0x0  }
0x9f: {  	[sflag:s21] =	ssyncadd.s32 $0xFFFFD880  }
0xa0: {  	_ =	sfence.sel $0x180000  }
0xa1: {  	[bflag:$0x0] =	sbarrier.arrive $0xFFFF  }
0xa2: {  	_ =	strace $0x90000050  }
0xa3: {  	s0 =	stileid.u32;
	[bflag:$0x2] =	sbarrier.arrive $0xFFFF  }
0xa4: {  	p0 =	sne.s32 s0, $0x0;
	s0 =	rddreg [dreg:$0x3]  }
0xa5: {  	s0 =	sadd.s32 @!p0 $0x100000, s0  }
0xa6: {  	[sflag:s0] =	ssyncadd.tile.s32 @!p0 $0x1;
	_ =	shalt  }
.Lfunc_end2:
_tile_overlayer_lowered:
.L_overlay_start_2:
0xa7: {  	(tag) =	ssettag $0x2  }
0xa8: {  	s0 =	rddreg [dreg:$0x0];
	s2 =	stileid.u32  }
0xa9: {  	s1 =	rddreg [dreg:$0x1];
	p0 =	sne.s32 s2, $0x0  }
0xaa: {  	s3 =	rddreg [dreg:$0x2];
	[bflag:$0x3] =	sbarrier.arrive $0xFFFF;
	s2 =	simm.s32 @!p0 $0x1C03  }
0xab: {  	[timem:s3], [sflag:s2] =	dma.local @!p0 [hbm:s0], s1  }
0xac: {  	s0 =	simm.s32 @!p0 $0x3  }
0xad: {  	_ =	swait.ge @!p0 [sflag:s0], s1  }
0xae: {  	s1 =	ssub.s32 @!p0 $0x0, s1;
	[sflag:s0] =	ssyncset.done @!p0 $0x0  }
0xaf: {  	[sflag:s0] =	ssyncadd.s32 @!p0 s1  }
0xb0: {  	[bflag:$0x3] =	sbarrier.arrive $0xFFFF  }
0xb1: {  	_ =	shalt  }

</sc_bundles>
